<compile_context>
chip_gen: v7x
topology: tpu7x:2x2x1
jax: 0.10.2.dev20260603
libtpu: 0.0.44.dev20260713+nightly
codegen_flags: <defaults>
</compile_context>

<pallas_src>
import functools

import jax
import jax.numpy as jnp
from jax import lax
from jax.experimental import pallas as pl
from jax.experimental.pallas import tpu as pltpu
from jax.experimental.pallas import tpu_sc as plsc

N = 10000
E = 320000
D = 128
G = 64

NC = 2
NS = 16
NW = NC * NS

CHUNK = 128
CPT = 80
EPT = CPT * CHUNK
EPAD = EPT * NW
ROWS2D = EPAD // CHUNK

NP = 10240
RPT = NP // NS
ACC_ROWS = NP
DUMMY = 10008

_F32 = jnp.float32


def _mesh():
    return plsc.VectorSubcoreMesh(core_axis_name="c", subcore_axis_name="s")



@functools.partial(
    pl.kernel,
    out_type=jax.ShapeDtypeStruct((NW, NP), _F32),
    mesh=_mesh(),
    compiler_params=pltpu.CompilerParams(needs_layout_passes=False),
    scratch_types=[
        pltpu.VMEM((EPT,), jnp.int32),
        pltpu.VMEM((NP,), _F32),
    ],
)
def _deg(row_hbm, out_hbm, row_v, cnt_v):
    c = lax.axis_index("c")
    s = lax.axis_index("s")
    wid = c * NS + s
    pltpu.sync_copy(row_hbm.at[pl.ds(wid * EPT, EPT)], row_v)

    @pl.loop(0, NP // 16)
    def _zero(i):
        cnt_v[pl.ds(i * 16, 16)] = jnp.zeros((16,), _F32)

    ones = jnp.ones((16,), _F32)

    @pl.loop(0, EPT // 16)
    def _count(i):
        idx = row_v[pl.ds(i * 16, 16)]
        plsc.addupdate_scatter(cnt_v, [idx], ones)

    pltpu.sync_copy(cnt_v, out_hbm.at[wid])



IB = 16
SEG = CPT // IB
DW = D // 2


@functools.partial(
    pl.kernel,
    out_type=jax.ShapeDtypeStruct((NC, NP, D), _F32),
    mesh=_mesh(),
    compiler_params=pltpu.CompilerParams(needs_layout_passes=False,
                                         use_tc_tiling_on_sc=False),
    scratch_types=[
        pltpu.VMEM((IB, CHUNK), jnp.int32),
        pltpu.VMEM((IB, CHUNK), jnp.int32),
        pltpu.VMEM((3, CHUNK, DW), jnp.int32),
        pltpu.VMEM((CHUNK, D), _F32),
        pltpu.VMEM_SHARED((ACC_ROWS, D), _F32),
        pltpu.SemaphoreType.DMA((3,)),
    ],
)
def _spmm(u_hbm, row_hbm, col_hbm, out_hbm, row_v, col_v, msgp_v, msgf_v,
          acc_sh, sems):
    c = lax.axis_index("c")
    s = lax.axis_index("s")
    wid = c * NS + s
    tbase = wid * CPT

    @pl.loop(0, CHUNK * D // 16)
    def _zero(i):
        msgf_v[i // (D // 16), pl.ds((i % (D // 16)) * 16, 16)] = (
            jnp.zeros((16,), _F32))

    @pl.loop(0, RPT // CHUNK)
    def _zacc(t):
        pltpu.sync_copy(
            msgf_v, acc_sh.at[pl.ds(s * RPT + t * CHUNK, CHUNK)])

    plsc.subcore_barrier()

    lane = lax.iota(jnp.int32, 16)
    himask = jnp.full((16,), -65536, jnp.int32)

    @pl.loop(0, SEG)
    def _seg(seg):
        sbase = tbase + seg * IB
        pltpu.sync_copy(row_hbm.at[pl.ds(sbase, IB)], row_v)
        pltpu.sync_copy(col_hbm.at[pl.ds(sbase, IB)], col_v)
        pltpu.async_copy(u_hbm.at[col_v.at[0]], msgp_v.at[0], sems.at[0])
        pltpu.async_copy(u_hbm.at[col_v.at[1]], msgp_v.at[1], sems.at[1])
        pltpu.async_copy(u_hbm.at[col_v.at[2]], msgp_v.at[2], sems.at[2])

        @pl.loop(0, IB)
        def _body(j):
            p = j % 3
            pltpu.make_async_copy(
                u_hbm.at[col_v.at[j]], msgp_v.at[p], sems.at[p]).wait()

            @pl.loop(0, CHUNK * (DW // 16), unroll=8)
            def _unpack(i):
                r = i // (DW // 16)
                t = i % (DW // 16)
                w = msgp_v[p, r, pl.ds(t * 16, 16)]
                lo = plsc.bitcast(w << 16, _F32)
                hi = plsc.bitcast(w & himask, _F32)
                rvec = jnp.full((16,), 0, jnp.int32) + r
                cbase = lane * 2 + t * 32
                plsc.store_scatter(msgf_v, [rvec, cbase], lo)
                plsc.store_scatter(msgf_v, [rvec, cbase + 1], hi)

            nxt = j + 3

            @pl.when(nxt < IB)
            def _():
                pltpu.async_copy(u_hbm.at[col_v.at[nxt]], msgp_v.at[p],
                                 sems.at[p])

            pltpu.sync_copy(msgf_v, acc_sh.at[row_v.at[j]], add=True)

    plsc.subcore_barrier()
    pltpu.sync_copy(acc_sh.at[pl.ds(s * RPT, RPT)],
                    out_hbm.at[c, pl.ds(s * RPT, RPT)])



@functools.partial(
    pl.kernel,
    out_type=[
        jax.ShapeDtypeStruct((EPAD,), _F32),
        jax.ShapeDtypeStruct((NW, 320), _F32),
    ],
    mesh=_mesh(),
    compiler_params=pltpu.CompilerParams(needs_layout_passes=False),
    scratch_types=[
        pltpu.VMEM((EPT,), jnp.int32),
        pltpu.VMEM((EPT,), jnp.int32),
        pltpu.VMEM((NP,), _F32),
        pltpu.VMEM((NP,), _F32),
        pltpu.VMEM((NP,), jnp.int32),
        pltpu.VMEM((EPT,), _F32),
        pltpu.VMEM((320,), _F32),
    ],
)
def _edge(row_hbm, col_hbm, ab_hbm, batch_hbm, ek_hbm, bins_hbm,
          row_v, col_v, a_v, b_v, batch_v, ek_v, bins_v):
    c = lax.axis_index("c")
    s = lax.axis_index("s")
    wid = c * NS + s
    pltpu.sync_copy(row_hbm.at[pl.ds(wid * EPT, EPT)], row_v)
    pltpu.sync_copy(col_hbm.at[pl.ds(wid * EPT, EPT)], col_v)
    pltpu.sync_copy(ab_hbm.at[0], a_v)
    pltpu.sync_copy(ab_hbm.at[1], b_v)
    pltpu.sync_copy(batch_hbm, batch_v)

    @pl.loop(0, 320 // 16)
    def _zero(i):
        bins_v[pl.ds(i * 16, 16)] = jnp.zeros((16,), _F32)

    ones = jnp.ones((16,), _F32)

    @pl.loop(0, EPT // 16, unroll=4)
    def _body(i):
        r = row_v[pl.ds(i * 16, 16)]
        cc = col_v[pl.ds(i * 16, 16)]
        av = plsc.load_gather(a_v, [r])
        bv = plsc.load_gather(b_v, [cc])
        ek = 1.0 / (1.0 + jnp.exp(-(av + bv)))
        ek_v[pl.ds(i * 16, 16)] = ek
        g = plsc.load_gather(batch_v, [r])
        plsc.addupdate_scatter(bins_v, [g], ek)
        plsc.addupdate_scatter(bins_v, [g + 80], ones - ek)
        plsc.addupdate_scatter(bins_v, [g + 160],
                               jnp.where(ek > 0.0, 1.0, 0.0).astype(_F32))
        plsc.addupdate_scatter(bins_v, [g + 240], ones)

    pltpu.sync_copy(ek_v, ek_hbm.at[pl.ds(wid * EPT, EPT)])
    pltpu.sync_copy(bins_v, bins_hbm.at[wid])



_BF16 = jnp.bfloat16


def _t0_body(x_ref, g1_ref, b1_ref, w1_ref, degp_ref, u1_ref, u1b_ref,
             dinv_ref):
    deg = jnp.sum(degp_ref[...], axis=0) + 1.0
    dinv = lax.rsqrt(deg)
    dinv_ref[...] = dinv
    x = x_ref[...]
    m = jnp.mean(x, axis=0)
    v = jnp.mean((x - m) ** 2, axis=0)
    h = (x - m) / jnp.sqrt(v + 1e-5) * g1_ref[...] + b1_ref[...]
    hw = jnp.dot(h, w1_ref[...], preferred_element_type=_F32)
    u1 = hw * dinv[:N, None]
    u1_ref[:N, :] = u1
    u1_ref[N:, :] = jnp.zeros((NP - N, D), _F32)
    u1b_ref[:N, :] = u1.astype(_BF16)
    u1b_ref[N:, :] = jnp.zeros((NP - N, D), _BF16)


def _t1_body(acc_ref, u1_ref, dinv_ref, b1_ref, g2_ref, be2_ref, w2_ref,
             u2_ref, u2b_ref):
    dinv = dinv_ref[...]
    ssum = acc_ref[0, :N, :] + acc_ref[1, :N, :] + u1_ref[:N, :]
    gcn = ssum * dinv[:N, None] + b1_ref[...]
    r = jnp.maximum(gcn, 0.0)
    m = jnp.mean(r, axis=0)
    v = jnp.mean((r - m) ** 2, axis=0)
    h = (r - m) / jnp.sqrt(v + 1e-5) * g2_ref[...] + be2_ref[...]
    hw = jnp.dot(h, w2_ref[...], preferred_element_type=_F32)
    u2 = hw * dinv[:N, None]
    u2_ref[:N, :] = u2
    u2_ref[N:, :] = jnp.zeros((NP - N, D), _F32)
    u2b_ref[:N, :] = u2.astype(_BF16)
    u2b_ref[N:, :] = jnp.zeros((NP - N, D), _BF16)


def _t2_body(acc_ref, u2_ref, dinv_ref, b2_ref, whead_ref, bias3_ref,
             batch_ref, nk_ref, nknum_ref, nenum_ref, nznode_ref, ab_ref):
    dinv = dinv_ref[...]
    ssum = acc_ref[0, :N, :] + acc_ref[1, :N, :] + u2_ref[:N, :]
    node_rep = ssum * dinv[:N, None] + b2_ref[...]
    heads = (jnp.dot(node_rep, whead_ref[...], preferred_element_type=_F32)
             + bias3_ref[...][None, :])
    nk = jax.nn.sigmoid(heads[:, 0:1])
    nk_ref[...] = nk
    ab_ref[0, :N] = heads[:, 1]
    ab_ref[1, :N] = heads[:, 2]
    ab_ref[:, N:] = jnp.zeros((2, NP - N), _F32)
    gid = lax.broadcasted_iota(jnp.int32, (G, N), 0)
    onehot = (batch_ref[...][None, :] == gid).astype(_F32)
    nk1 = nk[:, 0]
    vals = jnp.stack(
        [nk1, 1.0 - nk1, (nk1 > 0.0).astype(_F32), jnp.ones_like(nk1)],
        axis=1)
    bins = jnp.dot(onehot, vals, preferred_element_type=_F32)
    nknum_ref[...] = bins[:, 0:1] + 1e-8
    nenum_ref[...] = bins[:, 1:2] + 1e-8
    nznode_ref[...] = bins[:, 2:3] / bins[:, 3:4]


def _t3_body(bins_ref, eknum_ref, eenum_ref, nzedge_ref):
    t = jnp.sum(bins_ref[...], axis=0)
    eknum_ref[...] = t[0, :G][:, None] + 1e-8
    eenum_ref[...] = t[1, :G][:, None] + 1e-8
    nzedge_ref[...] = t[2, :G][:, None] / t[3, :G][:, None]


_t0 = pl.pallas_call(
    _t0_body,
    out_shape=[jax.ShapeDtypeStruct((NP, D), _F32),
               jax.ShapeDtypeStruct((NP, D), _BF16),
               jax.ShapeDtypeStruct((NP,), _F32)])

_t1 = pl.pallas_call(
    _t1_body,
    out_shape=[jax.ShapeDtypeStruct((NP, D), _F32),
               jax.ShapeDtypeStruct((NP, D), _BF16)])

_t2 = pl.pallas_call(
    _t2_body,
    out_shape=[jax.ShapeDtypeStruct((N, 1), _F32),
               jax.ShapeDtypeStruct((G, 1), _F32),
               jax.ShapeDtypeStruct((G, 1), _F32),
               jax.ShapeDtypeStruct((G, 1), _F32),
               jax.ShapeDtypeStruct((2, NP), _F32)])

_t3 = pl.pallas_call(
    _t3_body,
    out_shape=[jax.ShapeDtypeStruct((G, 1), _F32),
               jax.ShapeDtypeStruct((G, 1), _F32),
               jax.ShapeDtypeStruct((G, 1), _F32)])



def kernel(x, edge_index, batch, gamma1, beta1, W1, b1, gamma2, beta2, W2,
           b2, Wn, bn, We, be):
    row = edge_index[0]
    col = edge_index[1]
    pad = EPAD - E
    rowf = jnp.concatenate([row, jnp.full((pad,), DUMMY, jnp.int32)])
    colf = jnp.concatenate([col, jnp.full((pad,), DUMMY, jnp.int32)])
    row2d = rowf.reshape(ROWS2D, CHUNK)
    col2d = colf.reshape(ROWS2D, CHUNK)
    batch_pad = jnp.concatenate([batch, jnp.full((NP - N,), G, jnp.int32)])

    degp = _deg(rowf)
    u1, u1b, dinv = _t0(x, gamma1, beta1, W1, degp)
    u1p = lax.bitcast_convert_type(u1b.reshape(NP, DW, 2), jnp.int32)
    acc1 = _spmm(u1p, row2d, col2d)
    u2, u2b = _t1(acc1, u1, dinv, b1, gamma2, beta2, W2)
    u2p = lax.bitcast_convert_type(u2b.reshape(NP, DW, 2), jnp.int32)
    acc2 = _spmm(u2p, row2d, col2d)

    whead = jnp.concatenate([Wn, We[:D], We[D:]], axis=1)
    bias3 = jnp.stack([bn[0], be[0], jnp.float32(0.0)])
    node_key, nk_num, ne_num, nz_node, ab = _t2(
        acc2, u2, dinv, b2, whead, bias3, batch)

    ekf, bins = _edge(rowf, colf, ab, batch_pad)
    ek_num, ee_num, nz_edge = _t3(bins.reshape(NW, 4, 80))

    edge_key = ekf[:E][:, None]
    return (node_key, edge_key, nk_num, ne_num, ek_num, ee_num,
            nz_node, nz_edge)

# --- scband reference (transcript-rebuilt; emitter-appended) ---
"""Pipeline reference for scband-graph-syn-masker-33655363731849 (READ-ONLY COPY).

The authoritative reference and input builder live on the scoring server;
editing this copy changes nothing except your own understanding.
"""

import jax, jax.numpy as jnp
import numpy as np

N = 10000
E = 320000
D = 128
G = 64


def setup_inputs(seed: int = 0) -> dict:
    key = jax.random.key(seed)
    ks = jax.random.split(key, 12)
    x = jax.random.normal(ks[0], (N, D), dtype=jnp.float32)
    edge_index = jax.random.randint(ks[1], (2, E), 0, N, dtype=jnp.int32)
    batch = jnp.sort(jax.random.randint(ks[2], (N,), 0, G, dtype=jnp.int32))
    s = 1.0 / np.sqrt(D)
    gamma1 = jnp.ones((D,), dtype=jnp.float32)
    beta1 = jnp.zeros((D,), dtype=jnp.float32)
    W1 = jax.random.normal(ks[3], (D, D), dtype=jnp.float32) * s
    b1 = jnp.zeros((D,), dtype=jnp.float32)
    gamma2 = jnp.ones((D,), dtype=jnp.float32)
    beta2 = jnp.zeros((D,), dtype=jnp.float32)
    W2 = jax.random.normal(ks[4], (D, D), dtype=jnp.float32) * s
    b2 = jnp.zeros((D,), dtype=jnp.float32)
    Wn = jax.random.normal(ks[5], (D, 1), dtype=jnp.float32) * s
    bn = jnp.zeros((1,), dtype=jnp.float32)
    We = jax.random.normal(ks[6], (2 * D, 1), dtype=jnp.float32) * (1.0 / np.sqrt(2 * D))
    be = jnp.zeros((1,), dtype=jnp.float32)
    return {"x": x, "edge_index": edge_index, "batch": batch,
            "gamma1": gamma1, "beta1": beta1, "W1": W1, "b1": b1,
            "gamma2": gamma2, "beta2": beta2, "W2": W2, "b2": b2,
            "Wn": Wn, "bn": bn, "We": We, "be": be}


def _batchnorm(h, g, b):
    m = jnp.mean(h, axis=0)
    v = jnp.var(h, axis=0)
    return (h - m) / jnp.sqrt(v + 1e-5) * g + b


def _gcn_conv(h, row, col, W, bvec):
    n = h.shape[0]
    hw = h @ W
    loop = jnp.arange(n, dtype=row.dtype)
    r = jnp.concatenate([row, loop])
    c = jnp.concatenate([col, loop])
    deg = jax.ops.segment_sum(jnp.ones(r.shape[0], dtype=hw.dtype), r, num_segments=n)
    dinv = jnp.where(deg > 0, jax.lax.rsqrt(jnp.maximum(deg, 1e-12)), 0.0)
    norm = dinv[r] * dinv[c]
    msg = hw[c] * norm[:, None]
    out = jax.ops.segment_sum(msg, r, num_segments=n)
    return out + bvec


def _reg_mask(mask, seg, size):
    key_num = jax.ops.segment_sum(mask, seg, num_segments=size)
    env_num = jax.ops.segment_sum(1.0 - mask, seg, num_segments=size)
    non_zero = jax.ops.segment_sum((mask > 0).astype(jnp.float32), seg, num_segments=size)
    all_mask = jax.ops.segment_sum(jnp.ones_like(mask), seg, num_segments=size)
    ratio = non_zero / all_mask
    return key_num + 1e-8, env_num + 1e-8, ratio


def reference(x, edge_index, batch, gamma1, beta1, W1, b1, gamma2, beta2, W2, b2, Wn, bn, We, be):
    row = edge_index[0]
    col = edge_index[1]
    # GCNEncoder (num_layer=2), dropout is identity in eval mode
    h = _batchnorm(x, gamma1, beta1)
    h = _gcn_conv(h, row, col, W1, b1)
    h = jax.nn.relu(h)
    h = _batchnorm(h, gamma2, beta2)
    node_rep = _gcn_conv(h, row, col, W2, b2)
    # masker heads
    edge_rep = jnp.concatenate([node_rep[row], node_rep[col]], axis=-1)
    node_key = jax.nn.sigmoid(node_rep @ Wn + bn)
    edge_key = jax.nn.sigmoid(edge_rep @ We + be)
    size = G  # batch[-1] + 1; batch is sorted randint over G graphs
    nk_num, ne_num, nz_node = _reg_mask(node_key, batch, size)
    ek_num, ee_num, nz_edge = _reg_mask(edge_key, batch[row], size)
    return (node_key, edge_key, nk_num, ne_num, ek_num, ee_num, nz_node, nz_edge)

if __name__ == "__main__":
    import jax
    _d = setup_inputs()
    print(jax.jit(kernel)(*tuple(_d.values())))

</pallas_src>

<mosaic_0001>
#map = affine_map<(d0, d1) -> (0)>
#map1 = affine_map<(d0, d1) -> (0, 0)>
module attributes {stable_mosaic.version = 14 : i64} {
  func.func @_edge(%arg0: i32, %arg1: i32, %arg2: memref<327680xi32, #tpu.memory_space<hbm>>, %arg3: memref<327680xi32, #tpu.memory_space<hbm>>, %arg4: memref<2x10240xf32, #tpu.memory_space<hbm>>, %arg5: memref<10240xi32, #tpu.memory_space<hbm>>, %arg6: memref<327680xf32, #tpu.memory_space<hbm>>, %arg7: memref<32x320xf32, #tpu.memory_space<hbm>>, %arg8: memref<10240xi32, #tpu.memory_space<vmem>>, %arg9: memref<10240xi32, #tpu.memory_space<vmem>>, %arg10: memref<10240xf32, #tpu.memory_space<vmem>>, %arg11: memref<10240xf32, #tpu.memory_space<vmem>>, %arg12: memref<10240xi32, #tpu.memory_space<vmem>>, %arg13: memref<10240xf32, #tpu.memory_space<vmem>>, %arg14: memref<320xf32, #tpu.memory_space<vmem>>) attributes {dimension_semantics = [#tpu.dimension_semantics<core_parallel>, #tpu.dimension_semantics<subcore_parallel>], iteration_bounds = array<i64: 2, 16>, scalar_prefetch = 0 : i64, scratch_operands = 7 : i64, tpu.core_type = #tpu.core_type<sc_vector_subcore>, window_params = [{transform_indices = #map}, {transform_indices = #map}, {transform_indices = #map1}, {transform_indices = #map}, {transform_indices = #map}, {transform_indices = #map1}]} {
    %mul3A = arith.constant 16 : i32
    %mul3A_0 = arith.muli %arg0, %mul3A : i32
    %add3A = arith.addi %mul3A_0, %arg1 : i32
    %mul3A_1 = arith.constant 10240 : i32
    %mul3A_2 = arith.muli %add3A, %mul3A_1 : i32
    "tpu.region"() ({
      %run_scoped3A_18 = tpu.sem_alloc : memref<!tpu.dma_semaphore, #tpu.memory_space<semaphore_mem>>
      %dma_start3A = tpu.memref_slice %arg2[%mul3A_2] : memref<327680xi32, #tpu.memory_space<hbm>> -> memref<10240xi32, #tpu.memory_space<hbm>>
      %dma_start3A_19 = tpu.memref_slice %arg2[%mul3A_2] : memref<327680xi32, #tpu.memory_space<hbm>> -> memref<10240xi32, #tpu.memory_space<hbm>>
      tpu.enqueue_dma source(%dma_start3A_19 : memref<10240xi32, #tpu.memory_space<hbm>>) target(%arg8 : memref<10240xi32, #tpu.memory_space<vmem>>) target_semaphore(%run_scoped3A_18 : memref<!tpu.dma_semaphore, #tpu.memory_space<semaphore_mem>>)
      %dma_wait3A = tpu.memref_slice %arg2[%mul3A_2] : memref<327680xi32, #tpu.memory_space<hbm>> -> memref<10240xi32, #tpu.memory_space<hbm>>
      %dma_wait3A_20 = tpu.memref_slice %arg2[%mul3A_2] : memref<327680xi32, #tpu.memory_space<hbm>> -> memref<10240xi32, #tpu.memory_space<hbm>>
      tpu.wait_dma2 semaphore(%run_scoped3A_18 : memref<!tpu.dma_semaphore, #tpu.memory_space<semaphore_mem>>) src(%dma_wait3A_20 : memref<10240xi32, #tpu.memory_space<hbm>>) dst(%arg8 : memref<10240xi32, #tpu.memory_space<vmem>>)
      tpu.yield
    }) : () -> ()
    %mul3A_3 = arith.constant 10240 : i32
    %mul3A_4 = arith.muli %add3A, %mul3A_3 : i32
    "tpu.region"() ({
      %run_scoped3A_18 = tpu.sem_alloc : memref<!tpu.dma_semaphore, #tpu.memory_space<semaphore_mem>>
      %dma_start3A = tpu.memref_slice %arg3[%mul3A_4] : memref<327680xi32, #tpu.memory_space<hbm>> -> memref<10240xi32, #tpu.memory_space<hbm>>
      %dma_start3A_19 = tpu.memref_slice %arg3[%mul3A_4] : memref<327680xi32, #tpu.memory_space<hbm>> -> memref<10240xi32, #tpu.memory_space<hbm>>
      tpu.enqueue_dma source(%dma_start3A_19 : memref<10240xi32, #tpu.memory_space<hbm>>) target(%arg9 : memref<10240xi32, #tpu.memory_space<vmem>>) target_semaphore(%run_scoped3A_18 : memref<!tpu.dma_semaphore, #tpu.memory_space<semaphore_mem>>)
      %dma_wait3A = tpu.memref_slice %arg3[%mul3A_4] : memref<327680xi32, #tpu.memory_space<hbm>> -> memref<10240xi32, #tpu.memory_space<hbm>>
      %dma_wait3A_20 = tpu.memref_slice %arg3[%mul3A_4] : memref<327680xi32, #tpu.memory_space<hbm>> -> memref<10240xi32, #tpu.memory_space<hbm>>
      tpu.wait_dma2 semaphore(%run_scoped3A_18 : memref<!tpu.dma_semaphore, #tpu.memory_space<semaphore_mem>>) src(%dma_wait3A_20 : memref<10240xi32, #tpu.memory_space<hbm>>) dst(%arg9 : memref<10240xi32, #tpu.memory_space<vmem>>)
      tpu.yield
    }) : () -> ()
    %run_scoped3A = arith.constant 0 : i32
    "tpu.region"() ({
      %run_scoped3A_18 = tpu.sem_alloc : memref<!tpu.dma_semaphore, #tpu.memory_space<semaphore_mem>>
      %dma_start3A = arith.constant 0 : i32
      %dma_start3A_19 = tpu.memref_slice %arg4[%run_scoped3A, %dma_start3A] : memref<2x10240xf32, #tpu.memory_space<hbm>> -> memref<1x10240xf32, #tpu.memory_space<hbm>>
      %dma_start3A_20 = tpu.memref_squeeze %dma_start3A_19 : memref<1x10240xf32, #tpu.memory_space<hbm>> -> memref<10240xf32, #tpu.memory_space<hbm>>
      %dma_start3A_21 = arith.constant 0 : i32
      %dma_start3A_22 = tpu.memref_slice %arg4[%run_scoped3A, %dma_start3A_21] : memref<2x10240xf32, #tpu.memory_space<hbm>> -> memref<1x10240xf32, #tpu.memory_space<hbm>>
      %dma_start3A_23 = tpu.memref_squeeze %dma_start3A_22 : memref<1x10240xf32, #tpu.memory_space<hbm>> -> memref<10240xf32, #tpu.memory_space<hbm>>
      tpu.enqueue_dma source(%dma_start3A_23 : memref<10240xf32, #tpu.memory_space<hbm>>) target(%arg10 : memref<10240xf32, #tpu.memory_space<vmem>>) target_semaphore(%run_scoped3A_18 : memref<!tpu.dma_semaphore, #tpu.memory_space<semaphore_mem>>)
      %dma_wait3A = arith.constant 0 : i32
      %dma_wait3A_24 = tpu.memref_slice %arg4[%run_scoped3A, %dma_wait3A] : memref<2x10240xf32, #tpu.memory_space<hbm>> -> memref<1x10240xf32, #tpu.memory_space<hbm>>
      %dma_wait3A_25 = tpu.memref_squeeze %dma_wait3A_24 : memref<1x10240xf32, #tpu.memory_space<hbm>> -> memref<10240xf32, #tpu.memory_space<hbm>>
      %dma_wait3A_26 = arith.constant 0 : i32
      %dma_wait3A_27 = tpu.memref_slice %arg4[%run_scoped3A, %dma_wait3A_26] : memref<2x10240xf32, #tpu.memory_space<hbm>> -> memref<1x10240xf32, #tpu.memory_space<hbm>>
      %dma_wait3A_28 = tpu.memref_squeeze %dma_wait3A_27 : memref<1x10240xf32, #tpu.memory_space<hbm>> -> memref<10240xf32, #tpu.memory_space<hbm>>
      tpu.wait_dma2 semaphore(%run_scoped3A_18 : memref<!tpu.dma_semaphore, #tpu.memory_space<semaphore_mem>>) src(%dma_wait3A_28 : memref<10240xf32, #tpu.memory_space<hbm>>) dst(%arg10 : memref<10240xf32, #tpu.memory_space<vmem>>)
      tpu.yield
    }) : () -> ()
    %run_scoped3A_5 = arith.constant 1 : i32
    "tpu.region"() ({
      %run_scoped3A_18 = tpu.sem_alloc : memref<!tpu.dma_semaphore, #tpu.memory_space<semaphore_mem>>
      %dma_start3A = arith.constant 0 : i32
      %dma_start3A_19 = tpu.memref_slice %arg4[%run_scoped3A_5, %dma_start3A] : memref<2x10240xf32, #tpu.memory_space<hbm>> -> memref<1x10240xf32, #tpu.memory_space<hbm>>
      %dma_start3A_20 = tpu.memref_squeeze %dma_start3A_19 : memref<1x10240xf32, #tpu.memory_space<hbm>> -> memref<10240xf32, #tpu.memory_space<hbm>>
      %dma_start3A_21 = arith.constant 0 : i32
      %dma_start3A_22 = tpu.memref_slice %arg4[%run_scoped3A_5, %dma_start3A_21] : memref<2x10240xf32, #tpu.memory_space<hbm>> -> memref<1x10240xf32, #tpu.memory_space<hbm>>
      %dma_start3A_23 = tpu.memref_squeeze %dma_start3A_22 : memref<1x10240xf32, #tpu.memory_space<hbm>> -> memref<10240xf32, #tpu.memory_space<hbm>>
      tpu.enqueue_dma source(%dma_start3A_23 : memref<10240xf32, #tpu.memory_space<hbm>>) target(%arg11 : memref<10240xf32, #tpu.memory_space<vmem>>) target_semaphore(%run_scoped3A_18 : memref<!tpu.dma_semaphore, #tpu.memory_space<semaphore_mem>>)
      %dma_wait3A = arith.constant 0 : i32
      %dma_wait3A_24 = tpu.memref_slice %arg4[%run_scoped3A_5, %dma_wait3A] : memref<2x10240xf32, #tpu.memory_space<hbm>> -> memref<1x10240xf32, #tpu.memory_space<hbm>>
      %dma_wait3A_25 = tpu.memref_squeeze %dma_wait3A_24 : memref<1x10240xf32, #tpu.memory_space<hbm>> -> memref<10240xf32, #tpu.memory_space<hbm>>
      %dma_wait3A_26 = arith.constant 0 : i32
      %dma_wait3A_27 = tpu.memref_slice %arg4[%run_scoped3A_5, %dma_wait3A_26] : memref<2x10240xf32, #tpu.memory_space<hbm>> -> memref<1x10240xf32, #tpu.memory_space<hbm>>
      %dma_wait3A_28 = tpu.memref_squeeze %dma_wait3A_27 : memref<1x10240xf32, #tpu.memory_space<hbm>> -> memref<10240xf32, #tpu.memory_space<hbm>>
      tpu.wait_dma2 semaphore(%run_scoped3A_18 : memref<!tpu.dma_semaphore, #tpu.memory_space<semaphore_mem>>) src(%dma_wait3A_28 : memref<10240xf32, #tpu.memory_space<hbm>>) dst(%arg11 : memref<10240xf32, #tpu.memory_space<vmem>>)
      tpu.yield
    }) : () -> ()
    "tpu.region"() ({
      %run_scoped3A_18 = tpu.sem_alloc : memref<!tpu.dma_semaphore, #tpu.memory_space<semaphore_mem>>
      tpu.enqueue_dma source(%arg5 : memref<10240xi32, #tpu.memory_space<hbm>>) target(%arg12 : memref<10240xi32, #tpu.memory_space<vmem>>) target_semaphore(%run_scoped3A_18 : memref<!tpu.dma_semaphore, #tpu.memory_space<semaphore_mem>>)
      tpu.wait_dma2 semaphore(%run_scoped3A_18 : memref<!tpu.dma_semaphore, #tpu.memory_space<semaphore_mem>>) src(%arg5 : memref<10240xi32, #tpu.memory_space<hbm>>) dst(%arg12 : memref<10240xi32, #tpu.memory_space<vmem>>)
      tpu.yield
    }) : () -> ()
    %scan3A = arith.constant 0 : i32
    %scan3A_6 = arith.constant 20 : i32
    %scan3A_7 = arith.addi %scan3A, %scan3A_6 : i32
    %scan3A_8 = arith.constant 1 : i32
    scf.for %scan3A_18 = %scan3A to %scan3A_7 step %scan3A_8  : i32 {
      %mul3A_19 = arith.constant 1 : i32
      %mul3A_20 = arith.muli %scan3A_18, %mul3A_19 : i32
      %add3A_21 = arith.constant 0 : i32
      %add3A_22 = arith.addi %add3A_21, %mul3A_20 : i32
      %broadcast_in_dim3A_23 = arith.constant 0.000000e+00 : f32
      %broadcast_in_dim3A_24 = vector.broadcast %broadcast_in_dim3A_23 : f32 to vector<16xf32>
      %mul3A_25 = arith.constant 16 : i32
      %mul3A_26 = arith.muli %add3A_22, %mul3A_25 : i32
      %swap3A = arith.index_cast %mul3A_26 : i32 to index
      %swap3A_27 = tpu.vector_load %arg14[%swap3A] {strides = array<i32>} : memref<320xf32, #tpu.memory_space<vmem>>, vector<16xf32>,
      tpu.vector_store %arg14[%swap3A], %broadcast_in_dim3A_24 {strides = array<i32>} : memref<320xf32, #tpu.memory_space<vmem>>, vector<16xf32>,
    }
    %scan3A_9 = arith.constant 20 : i32
    %broadcast_in_dim3A = arith.constant 1.000000e+00 : f32
    %broadcast_in_dim3A_10 = vector.broadcast %broadcast_in_dim3A : f32 to vector<16xf32>
    %scan3A_11 = arith.constant 0 : i32
    %scan3A_12 = arith.constant 640 : i32
    %scan3A_13 = arith.addi %scan3A_11, %scan3A_12 : i32
    %scan3A_14 = arith.constant 4 : i32
    scf.for %scan3A_18 = %scan3A_11 to %scan3A_13 step %scan3A_14  : i32 {
      %mul3A_19 = arith.constant 1 : i32
      %mul3A_20 = arith.muli %scan3A_18, %mul3A_19 : i32
      %add3A_21 = arith.constant 0 : i32
      %add3A_22 = arith.addi %add3A_21, %mul3A_20 : i32
      %mul3A_23 = arith.constant 16 : i32
      %mul3A_24 = arith.muli %add3A_22, %mul3A_23 : i32
      %get3A = arith.index_cast %mul3A_24 : i32 to index
      %get3A_25 = tpu.vector_load %arg8[%get3A] {strides = array<i32>} : memref<10240xi32, #tpu.memory_space<vmem>>, vector<16xi32>,
      %mul3A_26 = arith.constant 16 : i32
      %mul3A_27 = arith.muli %add3A_22, %mul3A_26 : i32
      %get3A_28 = arith.index_cast %mul3A_27 : i32 to index
      %get3A_29 = tpu.vector_load %arg9[%get3A_28] {strides = array<i32>} : memref<10240xi32, #tpu.memory_space<vmem>>, vector<16xi32>,
      %gather3A = tpu.vector_load_idx %arg10[%get3A_25] : memref<10240xf32, #tpu.memory_space<vmem>>[vector<16xi32>], vector<16xf32>,
      %gather3A_30 = tpu.vector_load_idx %arg11[%get3A_29] : memref<10240xf32, #tpu.memory_space<vmem>>[vector<16xi32>], vector<16xf32>,
      %add3A_31 = arith.addf %gather3A, %gather3A_30 : vector<16xf32>
      %neg3A = arith.constant 0.000000e+00 : f32
      %neg3A_32 = vector.broadcast %neg3A : f32 to vector<16xf32>
      %neg3A_33 = arith.subf %neg3A_32, %add3A_31 : vector<16xf32>
      %exp3A = math.exp %neg3A_33 : vector<16xf32>
      %add3A_34 = arith.constant 1.000000e+00 : f32
      %add3A_35 = vector.broadcast %add3A_34 : f32 to vector<16xf32>
      %add3A_36 = arith.addf %add3A_35, %exp3A : vector<16xf32>
      %div3A = arith.constant 1.000000e+00 : f32
      %div3A_37 = vector.broadcast %div3A : f32 to vector<16xf32>
      %div3A_38 = arith.divf %div3A_37, %add3A_36 : vector<16xf32>
      %mul3A_39 = arith.constant 16 : i32
      %mul3A_40 = arith.muli %add3A_22, %mul3A_39 : i32
      %swap3A = arith.index_cast %mul3A_40 : i32 to index
      %swap3A_41 = tpu.vector_load %arg13[%swap3A] {strides = array<i32>} : memref<10240xf32, #tpu.memory_space<vmem>>, vector<16xf32>,
      tpu.vector_store %arg13[%swap3A], %div3A_38 {strides = array<i32>} : memref<10240xf32, #tpu.memory_space<vmem>>, vector<16xf32>,
      %gather3A_42 = tpu.vector_load_idx %arg12[%get3A_25] : memref<10240xi32, #tpu.memory_space<vmem>>[vector<16xi32>], vector<16xi32>,
      tpu.vector_store_idx %arg14[%gather3A_42], %div3A_38 {add = true} : memref<320xf32, #tpu.memory_space<vmem>>[vector<16xi32>], vector<16xf32>,
      %add3A_43 = arith.constant 80 : i32
      %add3A_44 = vector.broadcast %add3A_43 : i32 to vector<16xi32>
      %add3A_45 = arith.addi %gather3A_42, %add3A_44 : vector<16xi32>
      %sub3A = arith.subf %broadcast_in_dim3A_10, %div3A_38 : vector<16xf32>
      tpu.vector_store_idx %arg14[%add3A_45], %sub3A {add = true} : memref<320xf32, #tpu.memory_space<vmem>>[vector<16xi32>], vector<16xf32>,
      %add3A_46 = arith.constant 160 : i32
      %add3A_47 = vector.broadcast %add3A_46 : i32 to vector<16xi32>
      %add3A_48 = arith.addi %gather3A_42, %add3A_47 : vector<16xi32>
      %gt3A = arith.constant 0.000000e+00 : f32
      %gt3A_49 = vector.broadcast %gt3A : f32 to vector<16xf32>
      %gt3A_50 = arith.cmpf ogt, %div3A_38, %gt3A_49 : vector<16xf32>
      %jit3A = arith.constant 1.000000e+00 : f32
      %jit3A_51 = arith.constant 0.000000e+00 : f32
      %broadcast_in_dim3A_52 = vector.broadcast %jit3A : f32 to vector<16xf32>
      %broadcast_in_dim3A_53 = vector.broadcast %jit3A_51 : f32 to vector<16xf32>
      %select_n3A = arith.select %gt3A_50, %broadcast_in_dim3A_52, %broadcast_in_dim3A_53 : vector<16xi1>, vector<16xf32>
      tpu.vector_store_idx %arg14[%add3A_48], %select_n3A {add = true} : memref<320xf32, #tpu.memory_space<vmem>>[vector<16xi32>], vector<16xf32>,
      %add3A_54 = arith.constant 240 : i32
      %add3A_55 = vector.broadcast %add3A_54 : i32 to vector<16xi32>
      %add3A_56 = arith.addi %gather3A_42, %add3A_55 : vector<16xi32>
      tpu.vector_store_idx %arg14[%add3A_56], %broadcast_in_dim3A_10 {add = true} : memref<320xf32, #tpu.memory_space<vmem>>[vector<16xi32>], vector<16xf32>,
      %scan3A_57 = arith.constant 1 : i32
      %scan3A_58 = arith.addi %scan3A_18, %scan3A_57 : i32
      %mul3A_59 = arith.constant 1 : i32
      %mul3A_60 = arith.muli %scan3A_58, %mul3A_59 : i32
      %add3A_61 = arith.constant 0 : i32
      %add3A_62 = arith.addi %add3A_61, %mul3A_60 : i32
      %mul3A_63 = arith.constant 16 : i32
      %mul3A_64 = arith.muli %add3A_62, %mul3A_63 : i32
      %get3A_65 = arith.index_cast %mul3A_64 : i32 to index
      %get3A_66 = tpu.vector_load %arg8[%get3A_65] {strides = array<i32>} : memref<10240xi32, #tpu.memory_space<vmem>>, vector<16xi32>,
      %mul3A_67 = arith.constant 16 : i32
      %mul3A_68 = arith.muli %add3A_62, %mul3A_67 : i32
      %get3A_69 = arith.index_cast %mul3A_68 : i32 to index
      %get3A_70 = tpu.vector_load %arg9[%get3A_69] {strides = array<i32>} : memref<10240xi32, #tpu.memory_space<vmem>>, vector<16xi32>,
      %gather3A_71 = tpu.vector_load_idx %arg10[%get3A_66] : memref<10240xf32, #tpu.memory_space<vmem>>[vector<16xi32>], vector<16xf32>,
      %gather3A_72 = tpu.vector_load_idx %arg11[%get3A_70] : memref<10240xf32, #tpu.memory_space<vmem>>[vector<16xi32>], vector<16xf32>,
      %add3A_73 = arith.addf %gather3A_71, %gather3A_72 : vector<16xf32>
      %neg3A_74 = arith.constant 0.000000e+00 : f32
      %neg3A_75 = vector.broadcast %neg3A_74 : f32 to vector<16xf32>
      %neg3A_76 = arith.subf %neg3A_75, %add3A_73 : vector<16xf32>
      %exp3A_77 = math.exp %neg3A_76 : vector<16xf32>
      %add3A_78 = arith.constant 1.000000e+00 : f32
      %add3A_79 = vector.broadcast %add3A_78 : f32 to vector<16xf32>
      %add3A_80 = arith.addf %add3A_79, %exp3A_77 : vector<16xf32>
      %div3A_81 = arith.constant 1.000000e+00 : f32
      %div3A_82 = vector.broadcast %div3A_81 : f32 to vector<16xf32>
      %div3A_83 = arith.divf %div3A_82, %add3A_80 : vector<16xf32>
      %mul3A_84 = arith.constant 16 : i32
      %mul3A_85 = arith.muli %add3A_62, %mul3A_84 : i32
      %swap3A_86 = arith.index_cast %mul3A_85 : i32 to index
      %swap3A_87 = tpu.vector_load %arg13[%swap3A_86] {strides = array<i32>} : memref<10240xf32, #tpu.memory_space<vmem>>, vector<16xf32>,
      tpu.vector_store %arg13[%swap3A_86], %div3A_83 {strides = array<i32>} : memref<10240xf32, #tpu.memory_space<vmem>>, vector<16xf32>,
      %gather3A_88 = tpu.vector_load_idx %arg12[%get3A_66] : memref<10240xi32, #tpu.memory_space<vmem>>[vector<16xi32>], vector<16xi32>,
      tpu.vector_store_idx %arg14[%gather3A_88], %div3A_83 {add = true} : memref<320xf32, #tpu.memory_space<vmem>>[vector<16xi32>], vector<16xf32>,
      %add3A_89 = arith.constant 80 : i32
      %add3A_90 = vector.broadcast %add3A_89 : i32 to vector<16xi32>
      %add3A_91 = arith.addi %gather3A_88, %add3A_90 : vector<16xi32>
      %sub3A_92 = arith.subf %broadcast_in_dim3A_10, %div3A_83 : vector<16xf32>
      tpu.vector_store_idx %arg14[%add3A_91], %sub3A_92 {add = true} : memref<320xf32, #tpu.memory_space<vmem>>[vector<16xi32>], vector<16xf32>,
      %add3A_93 = arith.constant 160 : i32
      %add3A_94 = vector.broadcast %add3A_93 : i32 to vector<16xi32>
      %add3A_95 = arith.addi %gather3A_88, %add3A_94 : vector<16xi32>
      %gt3A_96 = arith.constant 0.000000e+00 : f32
      %gt3A_97 = vector.broadcast %gt3A_96 : f32 to vector<16xf32>
      %gt3A_98 = arith.cmpf ogt, %div3A_83, %gt3A_97 : vector<16xf32>
      %jit3A_99 = arith.constant 1.000000e+00 : f32
      %jit3A_100 = arith.constant 0.000000e+00 : f32
      %broadcast_in_dim3A_101 = vector.broadcast %jit3A_99 : f32 to vector<16xf32>
      %broadcast_in_dim3A_102 = vector.broadcast %jit3A_100 : f32 to vector<16xf32>
      %select_n3A_103 = arith.select %gt3A_98, %broadcast_in_dim3A_101, %broadcast_in_dim3A_102 : vector<16xi1>, vector<16xf32>
      tpu.vector_store_idx %arg14[%add3A_95], %select_n3A_103 {add = true} : memref<320xf32, #tpu.memory_space<vmem>>[vector<16xi32>], vector<16xf32>,
      %add3A_104 = arith.constant 240 : i32
      %add3A_105 = vector.broadcast %add3A_104 : i32 to vector<16xi32>
      %add3A_106 = arith.addi %gather3A_88, %add3A_105 : vector<16xi32>
      tpu.vector_store_idx %arg14[%add3A_106], %broadcast_in_dim3A_10 {add = true} : memref<320xf32, #tpu.memory_space<vmem>>[vector<16xi32>], vector<16xf32>,
      %scan3A_107 = arith.constant 2 : i32
      %scan3A_108 = arith.addi %scan3A_18, %scan3A_107 : i32
      %mul3A_109 = arith.constant 1 : i32
      %mul3A_110 = arith.muli %scan3A_108, %mul3A_109 : i32
      %add3A_111 = arith.constant 0 : i32
      %add3A_112 = arith.addi %add3A_111, %mul3A_110 : i32
      %mul3A_113 = arith.constant 16 : i32
      %mul3A_114 = arith.muli %add3A_112, %mul3A_113 : i32
      %get3A_115 = arith.index_cast %mul3A_114 : i32 to index
      %get3A_116 = tpu.vector_load %arg8[%get3A_115] {strides = array<i32>} : memref<10240xi32, #tpu.memory_space<vmem>>, vector<16xi32>,
      %mul3A_117 = arith.constant 16 : i32
      %mul3A_118 = arith.muli %add3A_112, %mul3A_117 : i32
      %get3A_119 = arith.index_cast %mul3A_118 : i32 to index
      %get3A_120 = tpu.vector_load %arg9[%get3A_119] {strides = array<i32>} : memref<10240xi32, #tpu.memory_space<vmem>>, vector<16xi32>,
      %gather3A_121 = tpu.vector_load_idx %arg10[%get3A_116] : memref<10240xf32, #tpu.memory_space<vmem>>[vector<16xi32>], vector<16xf32>,
      %gather3A_122 = tpu.vector_load_idx %arg11[%get3A_120] : memref<10240xf32, #tpu.memory_space<vmem>>[vector<16xi32>], vector<16xf32>,
      %add3A_123 = arith.addf %gather3A_121, %gather3A_122 : vector<16xf32>
      %neg3A_124 = arith.constant 0.000000e+00 : f32
      %neg3A_125 = vector.broadcast %neg3A_124 : f32 to vector<16xf32>
      %neg3A_126 = arith.subf %neg3A_125, %add3A_123 : vector<16xf32>
      %exp3A_127 = math.exp %neg3A_126 : vector<16xf32>
      %add3A_128 = arith.constant 1.000000e+00 : f32
      %add3A_129 = vector.broadcast %add3A_128 : f32 to vector<16xf32>
      %add3A_130 = arith.addf %add3A_129, %exp3A_127 : vector<16xf32>
      %div3A_131 = arith.constant 1.000000e+00 : f32
      %div3A_132 = vector.broadcast %div3A_131 : f32 to vector<16xf32>
      %div3A_133 = arith.divf %div3A_132, %add3A_130 : vector<16xf32>
      %mul3A_134 = arith.constant 16 : i32
      %mul3A_135 = arith.muli %add3A_112, %mul3A_134 : i32
      %swap3A_136 = arith.index_cast %mul3A_135 : i32 to index
      %swap3A_137 = tpu.vector_load %arg13[%swap3A_136] {strides = array<i32>} : memref<10240xf32, #tpu.memory_space<vmem>>, vector<16xf32>,
      tpu.vector_store %arg13[%swap3A_136], %div3A_133 {strides = array<i32>} : memref<10240xf32, #tpu.memory_space<vmem>>, vector<16xf32>,
      %gather3A_138 = tpu.vector_load_idx %arg12[%get3A_116] : memref<10240xi32, #tpu.memory_space<vmem>>[vector<16xi32>], vector<16xi32>,
      tpu.vector_store_idx %arg14[%gather3A_138], %div3A_133 {add = true} : memref<320xf32, #tpu.memory_space<vmem>>[vector<16xi32>], vector<16xf32>,
      %add3A_139 = arith.constant 80 : i32
      %add3A_140 = vector.broadcast %add3A_139 : i32 to vector<16xi32>
      %add3A_141 = arith.addi %gather3A_138, %add3A_140 : vector<16xi32>
      %sub3A_142 = arith.subf %broadcast_in_dim3A_10, %div3A_133 : vector<16xf32>
      tpu.vector_store_idx %arg14[%add3A_141], %sub3A_142 {add = true} : memref<320xf32, #tpu.memory_space<vmem>>[vector<16xi32>], vector<16xf32>,
      %add3A_143 = arith.constant 160 : i32
      %add3A_144 = vector.broadcast %add3A_143 : i32 to vector<16xi32>
      %add3A_145 = arith.addi %gather3A_138, %add3A_144 : vector<16xi32>
      %gt3A_146 = arith.constant 0.000000e+00 : f32
      %gt3A_147 = vector.broadcast %gt3A_146 : f32 to vector<16xf32>
      %gt3A_148 = arith.cmpf ogt, %div3A_133, %gt3A_147 : vector<16xf32>
      %jit3A_149 = arith.constant 1.000000e+00 : f32
      %jit3A_150 = arith.constant 0.000000e+00 : f32
      %broadcast_in_dim3A_151 = vector.broadcast %jit3A_149 : f32 to vector<16xf32>
      %broadcast_in_dim3A_152 = vector.broadcast %jit3A_150 : f32 to vector<16xf32>
      %select_n3A_153 = arith.select %gt3A_148, %broadcast_in_dim3A_151, %broadcast_in_dim3A_152 : vector<16xi1>, vector<16xf32>
      tpu.vector_store_idx %arg14[%add3A_145], %select_n3A_153 {add = true} : memref<320xf32, #tpu.memory_space<vmem>>[vector<16xi32>], vector<16xf32>,
      %add3A_154 = arith.constant 240 : i32
      %add3A_155 = vector.broadcast %add3A_154 : i32 to vector<16xi32>
      %add3A_156 = arith.addi %gather3A_138, %add3A_155 : vector<16xi32>
      tpu.vector_store_idx %arg14[%add3A_156], %broadcast_in_dim3A_10 {add = true} : memref<320xf32, #tpu.memory_space<vmem>>[vector<16xi32>], vector<16xf32>,
      %scan3A_157 = arith.constant 3 : i32
      %scan3A_158 = arith.addi %scan3A_18, %scan3A_157 : i32
      %mul3A_159 = arith.constant 1 : i32
      %mul3A_160 = arith.muli %scan3A_158, %mul3A_159 : i32
      %add3A_161 = arith.constant 0 : i32
      %add3A_162 = arith.addi %add3A_161, %mul3A_160 : i32
      %mul3A_163 = arith.constant 16 : i32
      %mul3A_164 = arith.muli %add3A_162, %mul3A_163 : i32
      %get3A_165 = arith.index_cast %mul3A_164 : i32 to index
      %get3A_166 = tpu.vector_load %arg8[%get3A_165] {strides = array<i32>} : memref<10240xi32, #tpu.memory_space<vmem>>, vector<16xi32>,
      %mul3A_167 = arith.constant 16 : i32
      %mul3A_168 = arith.muli %add3A_162, %mul3A_167 : i32
      %get3A_169 = arith.index_cast %mul3A_168 : i32 to index
      %get3A_170 = tpu.vector_load %arg9[%get3A_169] {strides = array<i32>} : memref<10240xi32, #tpu.memory_space<vmem>>, vector<16xi32>,
      %gather3A_171 = tpu.vector_load_idx %arg10[%get3A_166] : memref<10240xf32, #tpu.memory_space<vmem>>[vector<16xi32>], vector<16xf32>,
      %gather3A_172 = tpu.vector_load_idx %arg11[%get3A_170] : memref<10240xf32, #tpu.memory_space<vmem>>[vector<16xi32>], vector<16xf32>,
      %add3A_173 = arith.addf %gather3A_171, %gather3A_172 : vector<16xf32>
      %neg3A_174 = arith.constant 0.000000e+00 : f32
      %neg3A_175 = vector.broadcast %neg3A_174 : f32 to vector<16xf32>
      %neg3A_176 = arith.subf %neg3A_175, %add3A_173 : vector<16xf32>
      %exp3A_177 = math.exp %neg3A_176 : vector<16xf32>
      %add3A_178 = arith.constant 1.000000e+00 : f32
      %add3A_179 = vector.broadcast %add3A_178 : f32 to vector<16xf32>
      %add3A_180 = arith.addf %add3A_179, %exp3A_177 : vector<16xf32>
      %div3A_181 = arith.constant 1.000000e+00 : f32
      %div3A_182 = vector.broadcast %div3A_181 : f32 to vector<16xf32>
      %div3A_183 = arith.divf %div3A_182, %add3A_180 : vector<16xf32>
      %mul3A_184 = arith.constant 16 : i32
      %mul3A_185 = arith.muli %add3A_162, %mul3A_184 : i32
      %swap3A_186 = arith.index_cast %mul3A_185 : i32 to index
      %swap3A_187 = tpu.vector_load %arg13[%swap3A_186] {strides = array<i32>} : memref<10240xf32, #tpu.memory_space<vmem>>, vector<16xf32>,
      tpu.vector_store %arg13[%swap3A_186], %div3A_183 {strides = array<i32>} : memref<10240xf32, #tpu.memory_space<vmem>>, vector<16xf32>,
      %gather3A_188 = tpu.vector_load_idx %arg12[%get3A_166] : memref<10240xi32, #tpu.memory_space<vmem>>[vector<16xi32>], vector<16xi32>,
      tpu.vector_store_idx %arg14[%gather3A_188], %div3A_183 {add = true} : memref<320xf32, #tpu.memory_space<vmem>>[vector<16xi32>], vector<16xf32>,
      %add3A_189 = arith.constant 80 : i32
      %add3A_190 = vector.broadcast %add3A_189 : i32 to vector<16xi32>
      %add3A_191 = arith.addi %gather3A_188, %add3A_190 : vector<16xi32>
      %sub3A_192 = arith.subf %broadcast_in_dim3A_10, %div3A_183 : vector<16xf32>
      tpu.vector_store_idx %arg14[%add3A_191], %sub3A_192 {add = true} : memref<320xf32, #tpu.memory_space<vmem>>[vector<16xi32>], vector<16xf32>,
      %add3A_193 = arith.constant 160 : i32
      %add3A_194 = vector.broadcast %add3A_193 : i32 to vector<16xi32>
      %add3A_195 = arith.addi %gather3A_188, %add3A_194 : vector<16xi32>
      %gt3A_196 = arith.constant 0.000000e+00 : f32
      %gt3A_197 = vector.broadcast %gt3A_196 : f32 to vector<16xf32>
      %gt3A_198 = arith.cmpf ogt, %div3A_183, %gt3A_197 : vector<16xf32>
      %jit3A_199 = arith.constant 1.000000e+00 : f32
      %jit3A_200 = arith.constant 0.000000e+00 : f32
      %broadcast_in_dim3A_201 = vector.broadcast %jit3A_199 : f32 to vector<16xf32>
      %broadcast_in_dim3A_202 = vector.broadcast %jit3A_200 : f32 to vector<16xf32>
      %select_n3A_203 = arith.select %gt3A_198, %broadcast_in_dim3A_201, %broadcast_in_dim3A_202 : vector<16xi1>, vector<16xf32>
      tpu.vector_store_idx %arg14[%add3A_195], %select_n3A_203 {add = true} : memref<320xf32, #tpu.memory_space<vmem>>[vector<16xi32>], vector<16xf32>,
      %add3A_204 = arith.constant 240 : i32
      %add3A_205 = vector.broadcast %add3A_204 : i32 to vector<16xi32>
      %add3A_206 = arith.addi %gather3A_188, %add3A_205 : vector<16xi32>
      tpu.vector_store_idx %arg14[%add3A_206], %broadcast_in_dim3A_10 {add = true} : memref<320xf32, #tpu.memory_space<vmem>>[vector<16xi32>], vector<16xf32>,
    }
    %scan3A_15 = arith.constant 640 : i32
    %mul3A_16 = arith.constant 10240 : i32
    %mul3A_17 = arith.muli %add3A, %mul3A_16 : i32
    "tpu.region"() ({
      %run_scoped3A_18 = tpu.sem_alloc : memref<!tpu.dma_semaphore, #tpu.memory_space<semaphore_mem>>
      %dma_start3A = tpu.memref_slice %arg6[%mul3A_17] : memref<327680xf32, #tpu.memory_space<hbm>> -> memref<10240xf32, #tpu.memory_space<hbm>>
      %dma_start3A_19 = tpu.memref_slice %arg6[%mul3A_17] : memref<327680xf32, #tpu.memory_space<hbm>> -> memref<10240xf32, #tpu.memory_space<hbm>>
      tpu.enqueue_dma source(%arg13 : memref<10240xf32, #tpu.memory_space<vmem>>) target(%dma_start3A_19 : memref<10240xf32, #tpu.memory_space<hbm>>) target_semaphore(%run_scoped3A_18 : memref<!tpu.dma_semaphore, #tpu.memory_space<semaphore_mem>>)
      %dma_wait3A = tpu.memref_slice %arg6[%mul3A_17] : memref<327680xf32, #tpu.memory_space<hbm>> -> memref<10240xf32, #tpu.memory_space<hbm>>
      %dma_wait3A_20 = tpu.memref_slice %arg6[%mul3A_17] : memref<327680xf32, #tpu.memory_space<hbm>> -> memref<10240xf32, #tpu.memory_space<hbm>>
      tpu.wait_dma2 semaphore(%run_scoped3A_18 : memref<!tpu.dma_semaphore, #tpu.memory_space<semaphore_mem>>) src(%arg13 : memref<10240xf32, #tpu.memory_space<vmem>>) dst(%dma_wait3A_20 : memref<10240xf32, #tpu.memory_space<hbm>>)
      tpu.yield
    }) : () -> ()
    "tpu.region"() ({
      %run_scoped3A_18 = tpu.sem_alloc : memref<!tpu.dma_semaphore, #tpu.memory_space<semaphore_mem>>
      %dma_start3A = arith.constant 0 : i32
      %dma_start3A_19 = tpu.memref_slice %arg7[%add3A, %dma_start3A] : memref<32x320xf32, #tpu.memory_space<hbm>> -> memref<1x320xf32, #tpu.memory_space<hbm>>
      %dma_start3A_20 = tpu.memref_squeeze %dma_start3A_19 : memref<1x320xf32, #tpu.memory_space<hbm>> -> memref<320xf32, #tpu.memory_space<hbm>>
      %dma_start3A_21 = arith.constant 0 : i32
      %dma_start3A_22 = tpu.memref_slice %arg7[%add3A, %dma_start3A_21] : memref<32x320xf32, #tpu.memory_space<hbm>> -> memref<1x320xf32, #tpu.memory_space<hbm>>
      %dma_start3A_23 = tpu.memref_squeeze %dma_start3A_22 : memref<1x320xf32, #tpu.memory_space<hbm>> -> memref<320xf32, #tpu.memory_space<hbm>>
      tpu.enqueue_dma source(%arg14 : memref<320xf32, #tpu.memory_space<vmem>>) target(%dma_start3A_23 : memref<320xf32, #tpu.memory_space<hbm>>) target_semaphore(%run_scoped3A_18 : memref<!tpu.dma_semaphore, #tpu.memory_space<semaphore_mem>>)
      %dma_wait3A = arith.constant 0 : i32
      %dma_wait3A_24 = tpu.memref_slice %arg7[%add3A, %dma_wait3A] : memref<32x320xf32, #tpu.memory_space<hbm>> -> memref<1x320xf32, #tpu.memory_space<hbm>>
      %dma_wait3A_25 = tpu.memref_squeeze %dma_wait3A_24 : memref<1x320xf32, #tpu.memory_space<hbm>> -> memref<320xf32, #tpu.memory_space<hbm>>
      %dma_wait3A_26 = arith.constant 0 : i32
      %dma_wait3A_27 = tpu.memref_slice %arg7[%add3A, %dma_wait3A_26] : memref<32x320xf32, #tpu.memory_space<hbm>> -> memref<1x320xf32, #tpu.memory_space<hbm>>
      %dma_wait3A_28 = tpu.memref_squeeze %dma_wait3A_27 : memref<1x320xf32, #tpu.memory_space<hbm>> -> memref<320xf32, #tpu.memory_space<hbm>>
      tpu.wait_dma2 semaphore(%run_scoped3A_18 : memref<!tpu.dma_semaphore, #tpu.memory_space<semaphore_mem>>) src(%arg14 : memref<320xf32, #tpu.memory_space<vmem>>) dst(%dma_wait3A_28 : memref<320xf32, #tpu.memory_space<hbm>>)
      tpu.yield
    }) : () -> ()
    return
  }
}

#map = affine_map<(d0, d1) -> (0)>
#map1 = affine_map<(d0, d1) -> (0, 0)>
module attributes {stable_mosaic.version = 14 : i64} {
  func.func @_deg(%arg0: i32, %arg1: i32, %arg2: memref<327680xi32, #tpu.memory_space<hbm>>, %arg3: memref<32x10240xf32, #tpu.memory_space<hbm>>, %arg4: memref<10240xi32, #tpu.memory_space<vmem>>, %arg5: memref<10240xf32, #tpu.memory_space<vmem>>) attributes {dimension_semantics = [#tpu.dimension_semantics<core_parallel>, #tpu.dimension_semantics<subcore_parallel>], iteration_bounds = array<i64: 2, 16>, scalar_prefetch = 0 : i64, scratch_operands = 2 : i64, tpu.core_type = #tpu.core_type<sc_vector_subcore>, window_params = [{transform_indices = #map}, {transform_indices = #map1}]} {
    %mul3A = arith.constant 16 : i32
    %mul3A_0 = arith.muli %arg0, %mul3A : i32
    %add3A = arith.addi %mul3A_0, %arg1 : i32
    %mul3A_1 = arith.constant 10240 : i32
    %mul3A_2 = arith.muli %add3A, %mul3A_1 : i32
    "tpu.region"() ({
      %run_scoped3A = tpu.sem_alloc : memref<!tpu.dma_semaphore, #tpu.memory_space<semaphore_mem>>
      %dma_start3A = tpu.memref_slice %arg2[%mul3A_2] : memref<327680xi32, #tpu.memory_space<hbm>> -> memref<10240xi32, #tpu.memory_space<hbm>>
      %dma_start3A_13 = tpu.memref_slice %arg2[%mul3A_2] : memref<327680xi32, #tpu.memory_space<hbm>> -> memref<10240xi32, #tpu.memory_space<hbm>>
      tpu.enqueue_dma source(%dma_start3A_13 : memref<10240xi32, #tpu.memory_space<hbm>>) target(%arg4 : memref<10240xi32, #tpu.memory_space<vmem>>) target_semaphore(%run_scoped3A : memref<!tpu.dma_semaphore, #tpu.memory_space<semaphore_mem>>)
      %dma_wait3A = tpu.memref_slice %arg2[%mul3A_2] : memref<327680xi32, #tpu.memory_space<hbm>> -> memref<10240xi32, #tpu.memory_space<hbm>>
      %dma_wait3A_14 = tpu.memref_slice %arg2[%mul3A_2] : memref<327680xi32, #tpu.memory_space<hbm>> -> memref<10240xi32, #tpu.memory_space<hbm>>
      tpu.wait_dma2 semaphore(%run_scoped3A : memref<!tpu.dma_semaphore, #tpu.memory_space<semaphore_mem>>) src(%dma_wait3A_14 : memref<10240xi32, #tpu.memory_space<hbm>>) dst(%arg4 : memref<10240xi32, #tpu.memory_space<vmem>>)
      tpu.yield
    }) : () -> ()
    %scan3A = arith.constant 0 : i32
    %scan3A_3 = arith.constant 640 : i32
    %scan3A_4 = arith.addi %scan3A, %scan3A_3 : i32
    %scan3A_5 = arith.constant 1 : i32
    scf.for %scan3A_13 = %scan3A to %scan3A_4 step %scan3A_5  : i32 {
      %mul3A_14 = arith.constant 1 : i32
      %mul3A_15 = arith.muli %scan3A_13, %mul3A_14 : i32
      %add3A_16 = arith.constant 0 : i32
      %add3A_17 = arith.addi %add3A_16, %mul3A_15 : i32
      %broadcast_in_dim3A_18 = arith.constant 0.000000e+00 : f32
      %broadcast_in_dim3A_19 = vector.broadcast %broadcast_in_dim3A_18 : f32 to vector<16xf32>
      %mul3A_20 = arith.constant 16 : i32
      %mul3A_21 = arith.muli %add3A_17, %mul3A_20 : i32
      %swap3A = arith.index_cast %mul3A_21 : i32 to index
      %swap3A_22 = tpu.vector_load %arg5[%swap3A] {strides = array<i32>} : memref<10240xf32, #tpu.memory_space<vmem>>, vector<16xf32>,
      tpu.vector_store %arg5[%swap3A], %broadcast_in_dim3A_19 {strides = array<i32>} : memref<10240xf32, #tpu.memory_space<vmem>>, vector<16xf32>,
    }
    %scan3A_6 = arith.constant 640 : i32
    %broadcast_in_dim3A = arith.constant 1.000000e+00 : f32
    %broadcast_in_dim3A_7 = vector.broadcast %broadcast_in_dim3A : f32 to vector<16xf32>
    %scan3A_8 = arith.constant 0 : i32
    %scan3A_9 = arith.constant 640 : i32
    %scan3A_10 = arith.addi %scan3A_8, %scan3A_9 : i32
    %scan3A_11 = arith.constant 1 : i32
    scf.for %scan3A_13 = %scan3A_8 to %scan3A_10 step %scan3A_11  : i32 {
      %mul3A_14 = arith.constant 1 : i32
      %mul3A_15 = arith.muli %scan3A_13, %mul3A_14 : i32
      %add3A_16 = arith.constant 0 : i32
      %add3A_17 = arith.addi %add3A_16, %mul3A_15 : i32
      %mul3A_18 = arith.constant 16 : i32
      %mul3A_19 = arith.muli %add3A_17, %mul3A_18 : i32
      %get3A = arith.index_cast %mul3A_19 : i32 to index
      %get3A_20 = tpu.vector_load %arg4[%get3A] {strides = array<i32>} : memref<10240xi32, #tpu.memory_space<vmem>>, vector<16xi32>,
      tpu.vector_store_idx %arg5[%get3A_20], %broadcast_in_dim3A_7 {add = true} : memref<10240xf32, #tpu.memory_space<vmem>>[vector<16xi32>], vector<16xf32>,
    }
    %scan3A_12 = arith.constant 640 : i32
    "tpu.region"() ({
      %run_scoped3A = tpu.sem_alloc : memref<!tpu.dma_semaphore, #tpu.memory_space<semaphore_mem>>
      %dma_start3A = arith.constant 0 : i32
      %dma_start3A_13 = tpu.memref_slice %arg3[%add3A, %dma_start3A] : memref<32x10240xf32, #tpu.memory_space<hbm>> -> memref<1x10240xf32, #tpu.memory_space<hbm>>
      %dma_start3A_14 = tpu.memref_squeeze %dma_start3A_13 : memref<1x10240xf32, #tpu.memory_space<hbm>> -> memref<10240xf32, #tpu.memory_space<hbm>>
      %dma_start3A_15 = arith.constant 0 : i32
      %dma_start3A_16 = tpu.memref_slice %arg3[%add3A, %dma_start3A_15] : memref<32x10240xf32, #tpu.memory_space<hbm>> -> memref<1x10240xf32, #tpu.memory_space<hbm>>
      %dma_start3A_17 = tpu.memref_squeeze %dma_start3A_16 : memref<1x10240xf32, #tpu.memory_space<hbm>> -> memref<10240xf32, #tpu.memory_space<hbm>>
      tpu.enqueue_dma source(%arg5 : memref<10240xf32, #tpu.memory_space<vmem>>) target(%dma_start3A_17 : memref<10240xf32, #tpu.memory_space<hbm>>) target_semaphore(%run_scoped3A : memref<!tpu.dma_semaphore, #tpu.memory_space<semaphore_mem>>)
      %dma_wait3A = arith.constant 0 : i32
      %dma_wait3A_18 = tpu.memref_slice %arg3[%add3A, %dma_wait3A] : memref<32x10240xf32, #tpu.memory_space<hbm>> -> memref<1x10240xf32, #tpu.memory_space<hbm>>
      %dma_wait3A_19 = tpu.memref_squeeze %dma_wait3A_18 : memref<1x10240xf32, #tpu.memory_space<hbm>> -> memref<10240xf32, #tpu.memory_space<hbm>>
      %dma_wait3A_20 = arith.constant 0 : i32
      %dma_wait3A_21 = tpu.memref_slice %arg3[%add3A, %dma_wait3A_20] : memref<32x10240xf32, #tpu.memory_space<hbm>> -> memref<1x10240xf32, #tpu.memory_space<hbm>>
      %dma_wait3A_22 = tpu.memref_squeeze %dma_wait3A_21 : memref<1x10240xf32, #tpu.memory_space<hbm>> -> memref<10240xf32, #tpu.memory_space<hbm>>
      tpu.wait_dma2 semaphore(%run_scoped3A : memref<!tpu.dma_semaphore, #tpu.memory_space<semaphore_mem>>) src(%arg5 : memref<10240xf32, #tpu.memory_space<vmem>>) dst(%dma_wait3A_22 : memref<10240xf32, #tpu.memory_space<hbm>>)
      tpu.yield
    }) : () -> ()
    return
  }
}

#map = affine_map<(d0, d1) -> (0, 0)>
#map1 = affine_map<(d0, d1) -> (0, 0, 0)>
module attributes {stable_mosaic.version = 14 : i64} {
  func.func @_spmm(%arg0: i32, %arg1: i32, %arg2: memref<10240x64xi32, #tpu.memory_space<hbm>>, %arg3: memref<2560x128xi32, #tpu.memory_space<hbm>>, %arg4: memref<2560x128xi32, #tpu.memory_space<hbm>>, %arg5: memref<2x10240x128xf32, #tpu.memory_space<hbm>>, %arg6: memref<16x128xi32, #tpu.memory_space<vmem>>, %arg7: memref<16x128xi32, #tpu.memory_space<vmem>>, %arg8: memref<3x128x64xi32, #tpu.memory_space<vmem>>, %arg9: memref<128x128xf32, #tpu.memory_space<vmem>>, %arg10: memref<10240x128xf32, #tpu.memory_space<vmem_shared>>, %arg11: memref<3x!tpu.dma_semaphore, #tpu.memory_space<semaphore_mem>>) attributes {dimension_semantics = [#tpu.dimension_semantics<core_parallel>, #tpu.dimension_semantics<subcore_parallel>], iteration_bounds = array<i64: 2, 16>, scalar_prefetch = 0 : i64, scratch_operands = 6 : i64, tpu.core_type = #tpu.core_type<sc_vector_subcore>, window_params = [{transform_indices = #map}, {transform_indices = #map}, {transform_indices = #map}, {transform_indices = #map1}]} {
    %mul3A = arith.constant 16 : i32
    %mul3A_0 = arith.muli %arg0, %mul3A : i32
    %add3A = arith.addi %mul3A_0, %arg1 : i32
    %mul3A_1 = arith.constant 80 : i32
    %mul3A_2 = arith.muli %add3A, %mul3A_1 : i32
    %scan3A = arith.constant 0 : i32
    %scan3A_3 = arith.constant 1024 : i32
    %scan3A_4 = arith.addi %scan3A, %scan3A_3 : i32
    %scan3A_5 = arith.constant 1 : i32
    scf.for %scan3A_23 = %scan3A to %scan3A_4 step %scan3A_5  : i32 {
      %mul3A_24 = arith.constant 1 : i32
      %mul3A_25 = arith.muli %scan3A_23, %mul3A_24 : i32
      %add3A_26 = arith.constant 0 : i32
      %add3A_27 = arith.addi %add3A_26, %mul3A_25 : i32
      %broadcast_in_dim3A_28 = arith.constant 0.000000e+00 : f32
      %broadcast_in_dim3A_29 = vector.broadcast %broadcast_in_dim3A_28 : f32 to vector<16xf32>
      %jit3A = arith.constant 8 : i32
      %div3A = arith.divsi %add3A_27, %jit3A : i32
      %sign3A = arith.constant 0 : i32
      %sign3A_30 = arith.cmpi sgt, %add3A_27, %sign3A : i32
      %sign3A_31 = arith.extui %sign3A_30 : i1 to i32
      %sign3A_32 = arith.constant 0 : i32
      %sign3A_33 = arith.cmpi slt, %add3A_27, %sign3A_32 : i32
      %sign3A_34 = arith.extui %sign3A_33 : i1 to i32
      %sign3A_35 = arith.subi %sign3A_31, %sign3A_34 : i32
      %sign3A_36 = arith.constant 0 : i32
      %sign3A_37 = arith.cmpi sgt, %jit3A, %sign3A_36 : i32
      %sign3A_38 = arith.extui %sign3A_37 : i1 to i32
      %sign3A_39 = arith.constant 0 : i32
      %sign3A_40 = arith.cmpi slt, %jit3A, %sign3A_39 : i32
      %sign3A_41 = arith.extui %sign3A_40 : i1 to i32
      %sign3A_42 = arith.subi %sign3A_38, %sign3A_41 : i32
      %ne3A = arith.cmpi ne, %sign3A_35, %sign3A_42 : i32
      %rem3A = arith.remsi %add3A_27, %jit3A : i32
      %ne3A_43 = arith.constant 0 : i32
      %ne3A_44 = arith.cmpi ne, %rem3A, %ne3A_43 : i32
      %and3A = arith.andi %ne3A, %ne3A_44 : i1
      %sub3A = arith.constant 1 : i32
      %sub3A_45 = arith.subi %div3A, %sub3A : i32
      %select_n3A = arith.select %and3A, %sub3A_45, %div3A : i32
      %jit3A_46 = arith.constant 8 : i32
      %eq3A = arith.constant 0 : i32
      %eq3A_47 = arith.cmpi eq, %jit3A_46, %eq3A : i32
      %jit3A_48 = arith.constant 1 : i32
      %select_n3A_49 = arith.select %eq3A_47, %jit3A_48, %jit3A_46 : i32
      %rem3A_50 = arith.remsi %add3A_27, %select_n3A_49 : i32
      %ne3A_51 = arith.constant 0 : i32
      %ne3A_52 = arith.cmpi ne, %rem3A_50, %ne3A_51 : i32
      %lt3A = arith.constant 0 : i32
      %lt3A_53 = arith.cmpi slt, %rem3A_50, %lt3A : i32
      %lt3A_54 = arith.constant 0 : i32
      %lt3A_55 = arith.cmpi slt, %select_n3A_49, %lt3A_54 : i32
      %ne3A_56 = arith.xori %lt3A_53, %lt3A_55 : i1
      %and3A_57 = arith.andi %ne3A_56, %ne3A_52 : i1
      %add3A_58 = arith.addi %rem3A_50, %select_n3A_49 : i32
      %select_n3A_59 = arith.select %and3A_57, %add3A_58, %rem3A_50 : i32
      %mul3A_60 = arith.constant 16 : i32
      %mul3A_61 = arith.muli %select_n3A_59, %mul3A_60 : i32
      %swap3A = arith.index_cast %select_n3A : i32 to index
      %swap3A_62 = arith.index_cast %mul3A_61 : i32 to index
      %swap3A_63 = tpu.vector_load %arg9[%swap3A, %swap3A_62] {strides = array<i32>} : memref<128x128xf32, #tpu.memory_space<vmem>>, vector<16xf32>,
      tpu.vector_store %arg9[%swap3A, %swap3A_62], %broadcast_in_dim3A_29 {strides = array<i32>} : memref<128x128xf32, #tpu.memory_space<vmem>>, vector<16xf32>,
    }
    %scan3A_6 = arith.constant 1024 : i32
    %scan3A_7 = arith.constant 0 : i32
    %scan3A_8 = arith.constant 5 : i32
    %scan3A_9 = arith.addi %scan3A_7, %scan3A_8 : i32
    %scan3A_10 = arith.constant 1 : i32
    scf.for %scan3A_23 = %scan3A_7 to %scan3A_9 step %scan3A_10  : i32 {
      %mul3A_24 = arith.constant 1 : i32
      %mul3A_25 = arith.muli %scan3A_23, %mul3A_24 : i32
      %add3A_26 = arith.constant 0 : i32
      %add3A_27 = arith.addi %add3A_26, %mul3A_25 : i32
      %mul3A_28 = arith.constant 640 : i32
      %mul3A_29 = arith.muli %arg1, %mul3A_28 : i32
      %mul3A_30 = arith.constant 128 : i32
      %mul3A_31 = arith.muli %add3A_27, %mul3A_30 : i32
      %add3A_32 = arith.addi %mul3A_29, %mul3A_31 : i32
      "tpu.region"() ({
        %run_scoped3A = tpu.sem_alloc : memref<!tpu.dma_semaphore, #tpu.memory_space<semaphore_mem>>
        %dma_start3A = arith.constant 0 : i32
        %dma_start3A_33 = tpu.memref_slice %arg10[%add3A_32, %dma_start3A] : memref<10240x128xf32, #tpu.memory_space<vmem_shared>> -> memref<128x128xf32, #tpu.memory_space<vmem_shared>>
        %dma_start3A_34 = arith.constant 0 : i32
        %dma_start3A_35 = tpu.memref_slice %arg10[%add3A_32, %dma_start3A_34] : memref<10240x128xf32, #tpu.memory_space<vmem_shared>> -> memref<128x128xf32, #tpu.memory_space<vmem_shared>>
        tpu.enqueue_dma source(%arg9 : memref<128x128xf32, #tpu.memory_space<vmem>>) target(%dma_start3A_35 : memref<128x128xf32, #tpu.memory_space<vmem_shared>>) target_semaphore(%run_scoped3A : memref<!tpu.dma_semaphore, #tpu.memory_space<semaphore_mem>>)
        %dma_wait3A = arith.constant 0 : i32
        %dma_wait3A_36 = tpu.memref_slice %arg10[%add3A_32, %dma_wait3A] : memref<10240x128xf32, #tpu.memory_space<vmem_shared>> -> memref<128x128xf32, #tpu.memory_space<vmem_shared>>
        %dma_wait3A_37 = arith.constant 0 : i32
        %dma_wait3A_38 = tpu.memref_slice %arg10[%add3A_32, %dma_wait3A_37] : memref<10240x128xf32, #tpu.memory_space<vmem_shared>> -> memref<128x128xf32, #tpu.memory_space<vmem_shared>>
        tpu.wait_dma2 semaphore(%run_scoped3A : memref<!tpu.dma_semaphore, #tpu.memory_space<semaphore_mem>>) src(%arg9 : memref<128x128xf32, #tpu.memory_space<vmem>>) dst(%dma_wait3A_38 : memref<128x128xf32, #tpu.memory_space<vmem_shared>>)
        tpu.yield
      }) : () -> ()
    }
    %scan3A_11 = arith.constant 5 : i32
    %barrier3A = arith.constant 0 : index
    tpu.barrier barrier_id(%barrier3A)
    %iota3A = tpu.iota {dimensions = array<i32: 0>} : vector<16xi32>
    %broadcast_in_dim3A = arith.constant -65536 : i32
    %broadcast_in_dim3A_12 = vector.broadcast %broadcast_in_dim3A : i32 to vector<16xi32>
    %scan3A_13 = arith.constant 0 : i32
    %scan3A_14 = arith.constant 5 : i32
    %scan3A_15 = arith.addi %scan3A_13, %scan3A_14 : i32
    %scan3A_16 = arith.constant 1 : i32
    scf.for %scan3A_23 = %scan3A_13 to %scan3A_15 step %scan3A_16  : i32 {
      %mul3A_24 = arith.constant 1 : i32
      %mul3A_25 = arith.muli %scan3A_23, %mul3A_24 : i32
      %add3A_26 = arith.constant 0 : i32
      %add3A_27 = arith.addi %add3A_26, %mul3A_25 : i32
      %mul3A_28 = arith.constant 16 : i32
      %mul3A_29 = arith.muli %add3A_27, %mul3A_28 : i32
      %add3A_30 = arith.addi %mul3A_2, %mul3A_29 : i32
      "tpu.region"() ({
        %run_scoped3A = tpu.sem_alloc : memref<!tpu.dma_semaphore, #tpu.memory_space<semaphore_mem>>
        %dma_start3A_80 = arith.constant 0 : i32
        %dma_start3A_81 = tpu.memref_slice %arg3[%add3A_30, %dma_start3A_80] : memref<2560x128xi32, #tpu.memory_space<hbm>> -> memref<16x128xi32, #tpu.memory_space<hbm>>
        %dma_start3A_82 = arith.constant 0 : i32
        %dma_start3A_83 = tpu.memref_slice %arg3[%add3A_30, %dma_start3A_82] : memref<2560x128xi32, #tpu.memory_space<hbm>> -> memref<16x128xi32, #tpu.memory_space<hbm>>
        tpu.enqueue_dma source(%dma_start3A_83 : memref<16x128xi32, #tpu.memory_space<hbm>>) target(%arg6 : memref<16x128xi32, #tpu.memory_space<vmem>>) target_semaphore(%run_scoped3A : memref<!tpu.dma_semaphore, #tpu.memory_space<semaphore_mem>>)
        %dma_wait3A = arith.constant 0 : i32
        %dma_wait3A_84 = tpu.memref_slice %arg3[%add3A_30, %dma_wait3A] : memref<2560x128xi32, #tpu.memory_space<hbm>> -> memref<16x128xi32, #tpu.memory_space<hbm>>
        %dma_wait3A_85 = arith.constant 0 : i32
        %dma_wait3A_86 = tpu.memref_slice %arg3[%add3A_30, %dma_wait3A_85] : memref<2560x128xi32, #tpu.memory_space<hbm>> -> memref<16x128xi32, #tpu.memory_space<hbm>>
        tpu.wait_dma2 semaphore(%run_scoped3A : memref<!tpu.dma_semaphore, #tpu.memory_space<semaphore_mem>>) src(%dma_wait3A_86 : memref<16x128xi32, #tpu.memory_space<hbm>>) dst(%arg6 : memref<16x128xi32, #tpu.memory_space<vmem>>)
        tpu.yield
      }) : () -> ()
      "tpu.region"() ({
        %run_scoped3A = tpu.sem_alloc : memref<!tpu.dma_semaphore, #tpu.memory_space<semaphore_mem>>
        %dma_start3A_80 = arith.constant 0 : i32
        %dma_start3A_81 = tpu.memref_slice %arg4[%add3A_30, %dma_start3A_80] : memref<2560x128xi32, #tpu.memory_space<hbm>> -> memref<16x128xi32, #tpu.memory_space<hbm>>
        %dma_start3A_82 = arith.constant 0 : i32
        %dma_start3A_83 = tpu.memref_slice %arg4[%add3A_30, %dma_start3A_82] : memref<2560x128xi32, #tpu.memory_space<hbm>> -> memref<16x128xi32, #tpu.memory_space<hbm>>
        tpu.enqueue_dma source(%dma_start3A_83 : memref<16x128xi32, #tpu.memory_space<hbm>>) target(%arg7 : memref<16x128xi32, #tpu.memory_space<vmem>>) target_semaphore(%run_scoped3A : memref<!tpu.dma_semaphore, #tpu.memory_space<semaphore_mem>>)
        %dma_wait3A = arith.constant 0 : i32
        %dma_wait3A_84 = tpu.memref_slice %arg4[%add3A_30, %dma_wait3A] : memref<2560x128xi32, #tpu.memory_space<hbm>> -> memref<16x128xi32, #tpu.memory_space<hbm>>
        %dma_wait3A_85 = arith.constant 0 : i32
        %dma_wait3A_86 = tpu.memref_slice %arg4[%add3A_30, %dma_wait3A_85] : memref<2560x128xi32, #tpu.memory_space<hbm>> -> memref<16x128xi32, #tpu.memory_space<hbm>>
        tpu.wait_dma2 semaphore(%run_scoped3A : memref<!tpu.dma_semaphore, #tpu.memory_space<semaphore_mem>>) src(%dma_wait3A_86 : memref<16x128xi32, #tpu.memory_space<hbm>>) dst(%arg7 : memref<16x128xi32, #tpu.memory_space<vmem>>)
        tpu.yield
      }) : () -> ()
      %dma_start3A = arith.constant 0 : i32
      %dma_start3A_31 = arith.constant 0 : i32
      %dma_start3A_32 = arith.constant 0 : i32
      %dma_start3A_33 = arith.constant 0 : i32
      %dma_start3A_34 = arith.constant 0 : i32
      %dma_start3A_35 = tpu.memref_slice %arg8[%dma_start3A_31, %dma_start3A_33, %dma_start3A_34] : memref<3x128x64xi32, #tpu.memory_space<vmem>> -> memref<1x128x64xi32, #tpu.memory_space<vmem>>
      %dma_start3A_36 = tpu.memref_squeeze %dma_start3A_35 : memref<1x128x64xi32, #tpu.memory_space<vmem>> -> memref<128x64xi32, #tpu.memory_space<vmem>>
      %dma_start3A_37 = arith.constant 0 : i32
      %dma_start3A_38 = tpu.memref_slice %arg7[%dma_start3A, %dma_start3A_37] : memref<16x128xi32, #tpu.memory_space<vmem>> -> memref<1x128xi32, #tpu.memory_space<vmem>>
      %dma_start3A_39 = tpu.memref_squeeze %dma_start3A_38 : memref<1x128xi32, #tpu.memory_space<vmem>> -> memref<128xi32, #tpu.memory_space<vmem>>
      %dma_start3A_40 = arith.constant 0 : i32
      %dma_start3A_41 = arith.constant 0 : i32
      %dma_start3A_42 = tpu.memref_slice %arg2[%dma_start3A_40, %dma_start3A_41] : memref<10240x64xi32, #tpu.memory_space<hbm>> -> memref<10240x64xi32, #tpu.memory_space<hbm>>
      %dma_start3A_43 = tpu.memref_slice %arg11[%dma_start3A_32] : memref<3x!tpu.dma_semaphore, #tpu.memory_space<semaphore_mem>> -> memref<1x!tpu.dma_semaphore, #tpu.memory_space<semaphore_mem>>
      %dma_start3A_44 = tpu.memref_squeeze %dma_start3A_43 : memref<1x!tpu.dma_semaphore, #tpu.memory_space<semaphore_mem>> -> memref<!tpu.dma_semaphore, #tpu.memory_space<semaphore_mem>>
      tpu.enqueue_indirect_dma source(%dma_start3A_42 : memref<10240x64xi32, #tpu.memory_space<hbm>>) target(%dma_start3A_36 : memref<128x64xi32, #tpu.memory_space<vmem>>) offsets(%dma_start3A_39 : memref<128xi32, #tpu.memory_space<vmem>>) semaphore(%dma_start3A_44 : memref<!tpu.dma_semaphore, #tpu.memory_space<semaphore_mem>>)
      %dma_start3A_45 = arith.constant 1 : i32
      %dma_start3A_46 = arith.constant 1 : i32
      %dma_start3A_47 = arith.constant 1 : i32
      %dma_start3A_48 = arith.constant 0 : i32
      %dma_start3A_49 = arith.constant 0 : i32
      %dma_start3A_50 = tpu.memref_slice %arg8[%dma_start3A_46, %dma_start3A_48, %dma_start3A_49] : memref<3x128x64xi32, #tpu.memory_space<vmem>> -> memref<1x128x64xi32, #tpu.memory_space<vmem>>
      %dma_start3A_51 = tpu.memref_squeeze %dma_start3A_50 : memref<1x128x64xi32, #tpu.memory_space<vmem>> -> memref<128x64xi32, #tpu.memory_space<vmem>>
      %dma_start3A_52 = arith.constant 0 : i32
      %dma_start3A_53 = tpu.memref_slice %arg7[%dma_start3A_45, %dma_start3A_52] : memref<16x128xi32, #tpu.memory_space<vmem>> -> memref<1x128xi32, #tpu.memory_space<vmem>>
      %dma_start3A_54 = tpu.memref_squeeze %dma_start3A_53 : memref<1x128xi32, #tpu.memory_space<vmem>> -> memref<128xi32, #tpu.memory_space<vmem>>
      %dma_start3A_55 = arith.constant 0 : i32
      %dma_start3A_56 = arith.constant 0 : i32
      %dma_start3A_57 = tpu.memref_slice %arg2[%dma_start3A_55, %dma_start3A_56] : memref<10240x64xi32, #tpu.memory_space<hbm>> -> memref<10240x64xi32, #tpu.memory_space<hbm>>
      %dma_start3A_58 = tpu.memref_slice %arg11[%dma_start3A_47] : memref<3x!tpu.dma_semaphore, #tpu.memory_space<semaphore_mem>> -> memref<1x!tpu.dma_semaphore, #tpu.memory_space<semaphore_mem>>
      %dma_start3A_59 = tpu.memref_squeeze %dma_start3A_58 : memref<1x!tpu.dma_semaphore, #tpu.memory_space<semaphore_mem>> -> memref<!tpu.dma_semaphore, #tpu.memory_space<semaphore_mem>>
      tpu.enqueue_indirect_dma source(%dma_start3A_57 : memref<10240x64xi32, #tpu.memory_space<hbm>>) target(%dma_start3A_51 : memref<128x64xi32, #tpu.memory_space<vmem>>) offsets(%dma_start3A_54 : memref<128xi32, #tpu.memory_space<vmem>>) semaphore(%dma_start3A_59 : memref<!tpu.dma_semaphore, #tpu.memory_space<semaphore_mem>>)
      %dma_start3A_60 = arith.constant 2 : i32
      %dma_start3A_61 = arith.constant 2 : i32
      %dma_start3A_62 = arith.constant 2 : i32
      %dma_start3A_63 = arith.constant 0 : i32
      %dma_start3A_64 = arith.constant 0 : i32
      %dma_start3A_65 = tpu.memref_slice %arg8[%dma_start3A_61, %dma_start3A_63, %dma_start3A_64] : memref<3x128x64xi32, #tpu.memory_space<vmem>> -> memref<1x128x64xi32, #tpu.memory_space<vmem>>
      %dma_start3A_66 = tpu.memref_squeeze %dma_start3A_65 : memref<1x128x64xi32, #tpu.memory_space<vmem>> -> memref<128x64xi32, #tpu.memory_space<vmem>>
      %dma_start3A_67 = arith.constant 0 : i32
      %dma_start3A_68 = tpu.memref_slice %arg7[%dma_start3A_60, %dma_start3A_67] : memref<16x128xi32, #tpu.memory_space<vmem>> -> memref<1x128xi32, #tpu.memory_space<vmem>>
      %dma_start3A_69 = tpu.memref_squeeze %dma_start3A_68 : memref<1x128xi32, #tpu.memory_space<vmem>> -> memref<128xi32, #tpu.memory_space<vmem>>
      %dma_start3A_70 = arith.constant 0 : i32
      %dma_start3A_71 = arith.constant 0 : i32
      %dma_start3A_72 = tpu.memref_slice %arg2[%dma_start3A_70, %dma_start3A_71] : memref<10240x64xi32, #tpu.memory_space<hbm>> -> memref<10240x64xi32, #tpu.memory_space<hbm>>
      %dma_start3A_73 = tpu.memref_slice %arg11[%dma_start3A_62] : memref<3x!tpu.dma_semaphore, #tpu.memory_space<semaphore_mem>> -> memref<1x!tpu.dma_semaphore, #tpu.memory_space<semaphore_mem>>
      %dma_start3A_74 = tpu.memref_squeeze %dma_start3A_73 : memref<1x!tpu.dma_semaphore, #tpu.memory_space<semaphore_mem>> -> memref<!tpu.dma_semaphore, #tpu.memory_space<semaphore_mem>>
      tpu.enqueue_indirect_dma source(%dma_start3A_72 : memref<10240x64xi32, #tpu.memory_space<hbm>>) target(%dma_start3A_66 : memref<128x64xi32, #tpu.memory_space<vmem>>) offsets(%dma_start3A_69 : memref<128xi32, #tpu.memory_space<vmem>>) semaphore(%dma_start3A_74 : memref<!tpu.dma_semaphore, #tpu.memory_space<semaphore_mem>>)
      %scan3A_75 = arith.constant 0 : i32
      %scan3A_76 = arith.constant 16 : i32
      %scan3A_77 = arith.addi %scan3A_75, %scan3A_76 : i32
      %scan3A_78 = arith.constant 1 : i32
      scf.for %scan3A_80 = %scan3A_75 to %scan3A_77 step %scan3A_78  : i32 {
        %mul3A_81 = arith.constant 1 : i32
        %mul3A_82 = arith.muli %scan3A_80, %mul3A_81 : i32
        %add3A_83 = arith.constant 0 : i32
        %add3A_84 = arith.addi %add3A_83, %mul3A_82 : i32
        %jit3A = arith.constant 3 : i32
        %eq3A = arith.constant 0 : i32
        %eq3A_85 = arith.cmpi eq, %jit3A, %eq3A : i32
        %jit3A_86 = arith.constant 1 : i32
        %select_n3A = arith.select %eq3A_85, %jit3A_86, %jit3A : i32
        %rem3A = arith.remsi %add3A_84, %select_n3A : i32
        %ne3A = arith.constant 0 : i32
        %ne3A_87 = arith.cmpi ne, %rem3A, %ne3A : i32
        %lt3A = arith.constant 0 : i32
        %lt3A_88 = arith.cmpi slt, %rem3A, %lt3A : i32
        %lt3A_89 = arith.constant 0 : i32
        %lt3A_90 = arith.cmpi slt, %select_n3A, %lt3A_89 : i32
        %ne3A_91 = arith.xori %lt3A_88, %lt3A_90 : i1
        %and3A = arith.andi %ne3A_91, %ne3A_87 : i1
        %add3A_92 = arith.addi %rem3A, %select_n3A : i32
        %select_n3A_93 = arith.select %and3A, %add3A_92, %rem3A : i32
        %dma_wait3A = arith.constant 0 : i32
        %dma_wait3A_94 = arith.constant 0 : i32
        %dma_wait3A_95 = tpu.memref_slice %arg8[%select_n3A_93, %dma_wait3A, %dma_wait3A_94] : memref<3x128x64xi32, #tpu.memory_space<vmem>> -> memref<1x128x64xi32, #tpu.memory_space<vmem>>
        %dma_wait3A_96 = tpu.memref_squeeze %dma_wait3A_95 : memref<1x128x64xi32, #tpu.memory_space<vmem>> -> memref<128x64xi32, #tpu.memory_space<vmem>>
        %dma_wait3A_97 = arith.constant 0 : i32
        %dma_wait3A_98 = tpu.memref_slice %arg7[%add3A_84, %dma_wait3A_97] : memref<16x128xi32, #tpu.memory_space<vmem>> -> memref<1x128xi32, #tpu.memory_space<vmem>>
        %dma_wait3A_99 = tpu.memref_squeeze %dma_wait3A_98 : memref<1x128xi32, #tpu.memory_space<vmem>> -> memref<128xi32, #tpu.memory_space<vmem>>
        %dma_wait3A_100 = arith.constant 0 : i32
        %dma_wait3A_101 = arith.constant 0 : i32
        %dma_wait3A_102 = tpu.memref_slice %arg2[%dma_wait3A_100, %dma_wait3A_101] : memref<10240x64xi32, #tpu.memory_space<hbm>> -> memref<10240x64xi32, #tpu.memory_space<hbm>>
        %dma_wait3A_103 = tpu.memref_slice %arg11[%select_n3A_93] : memref<3x!tpu.dma_semaphore, #tpu.memory_space<semaphore_mem>> -> memref<1x!tpu.dma_semaphore, #tpu.memory_space<semaphore_mem>>
        %dma_wait3A_104 = tpu.memref_squeeze %dma_wait3A_103 : memref<1x!tpu.dma_semaphore, #tpu.memory_space<semaphore_mem>> -> memref<!tpu.dma_semaphore, #tpu.memory_space<semaphore_mem>>
        tpu.wait_indirect_dma semaphore(%dma_wait3A_104 : memref<!tpu.dma_semaphore, #tpu.memory_space<semaphore_mem>>) src(%dma_wait3A_102 : memref<10240x64xi32, #tpu.memory_space<hbm>>) dst(%dma_wait3A_96 : memref<128x64xi32, #tpu.memory_space<vmem>>)
        %scan3A_105 = arith.constant 0 : i32
        %scan3A_106 = arith.constant 512 : i32
        %scan3A_107 = arith.addi %scan3A_105, %scan3A_106 : i32
        %scan3A_108 = arith.constant 8 : i32
        scf.for %scan3A_115 = %scan3A_105 to %scan3A_107 step %scan3A_108  : i32 {
          %mul3A_116 = arith.constant 1 : i32
          %mul3A_117 = arith.muli %scan3A_115, %mul3A_116 : i32
          %add3A_118 = arith.constant 0 : i32
          %add3A_119 = arith.addi %add3A_118, %mul3A_117 : i32
          %jit3A_120 = arith.constant 4 : i32
          %div3A = arith.divsi %add3A_119, %jit3A_120 : i32
          %sign3A = arith.constant 0 : i32
          %sign3A_121 = arith.cmpi sgt, %add3A_119, %sign3A : i32
          %sign3A_122 = arith.extui %sign3A_121 : i1 to i32
          %sign3A_123 = arith.constant 0 : i32
          %sign3A_124 = arith.cmpi slt, %add3A_119, %sign3A_123 : i32
          %sign3A_125 = arith.extui %sign3A_124 : i1 to i32
          %sign3A_126 = arith.subi %sign3A_122, %sign3A_125 : i32
          %sign3A_127 = arith.constant 0 : i32
          %sign3A_128 = arith.cmpi sgt, %jit3A_120, %sign3A_127 : i32
          %sign3A_129 = arith.extui %sign3A_128 : i1 to i32
          %sign3A_130 = arith.constant 0 : i32
          %sign3A_131 = arith.cmpi slt, %jit3A_120, %sign3A_130 : i32
          %sign3A_132 = arith.extui %sign3A_131 : i1 to i32
          %sign3A_133 = arith.subi %sign3A_129, %sign3A_132 : i32
          %ne3A_134 = arith.cmpi ne, %sign3A_126, %sign3A_133 : i32
          %rem3A_135 = arith.remsi %add3A_119, %jit3A_120 : i32
          %ne3A_136 = arith.constant 0 : i32
          %ne3A_137 = arith.cmpi ne, %rem3A_135, %ne3A_136 : i32
          %and3A_138 = arith.andi %ne3A_134, %ne3A_137 : i1
          %sub3A = arith.constant 1 : i32
          %sub3A_139 = arith.subi %div3A, %sub3A : i32
          %select_n3A_140 = arith.select %and3A_138, %sub3A_139, %div3A : i32
          %jit3A_141 = arith.constant 4 : i32
          %eq3A_142 = arith.constant 0 : i32
          %eq3A_143 = arith.cmpi eq, %jit3A_141, %eq3A_142 : i32
          %jit3A_144 = arith.constant 1 : i32
          %select_n3A_145 = arith.select %eq3A_143, %jit3A_144, %jit3A_141 : i32
          %rem3A_146 = arith.remsi %add3A_119, %select_n3A_145 : i32
          %ne3A_147 = arith.constant 0 : i32
          %ne3A_148 = arith.cmpi ne, %rem3A_146, %ne3A_147 : i32
          %lt3A_149 = arith.constant 0 : i32
          %lt3A_150 = arith.cmpi slt, %rem3A_146, %lt3A_149 : i32
          %lt3A_151 = arith.constant 0 : i32
          %lt3A_152 = arith.cmpi slt, %select_n3A_145, %lt3A_151 : i32
          %ne3A_153 = arith.xori %lt3A_150, %lt3A_152 : i1
          %and3A_154 = arith.andi %ne3A_153, %ne3A_148 : i1
          %add3A_155 = arith.addi %rem3A_146, %select_n3A_145 : i32
          %select_n3A_156 = arith.select %and3A_154, %add3A_155, %rem3A_146 : i32
          %mul3A_157 = arith.constant 16 : i32
          %mul3A_158 = arith.muli %select_n3A_156, %mul3A_157 : i32
          %get3A = arith.index_cast %select_n3A_93 : i32 to index
          %get3A_159 = arith.index_cast %select_n3A_140 : i32 to index
          %get3A_160 = arith.index_cast %mul3A_158 : i32 to index
          %get3A_161 = tpu.vector_load %arg8[%get3A, %get3A_159, %get3A_160] {strides = array<i32>} : memref<3x128x64xi32, #tpu.memory_space<vmem>>, vector<16xi32>,
          %shift_left3A = arith.constant 16 : i32
          %shift_left3A_162 = vector.broadcast %shift_left3A : i32 to vector<16xi32>
          %shift_left3A_163 = arith.shli %get3A_161, %shift_left3A_162 : vector<16xi32>
          %bitcast3A = vector.bitcast %shift_left3A_163 : vector<16xi32> to vector<16xf32>
          %and3A_164 = arith.andi %get3A_161, %broadcast_in_dim3A_12 : vector<16xi32>
          %bitcast3A_165 = vector.bitcast %and3A_164 : vector<16xi32> to vector<16xf32>
          %broadcast_in_dim3A_166 = arith.constant 0 : i32
          %broadcast_in_dim3A_167 = vector.broadcast %broadcast_in_dim3A_166 : i32 to vector<16xi32>
          %add3A_168 = vector.broadcast %select_n3A_140 : i32 to vector<16xi32>
          %add3A_169 = arith.addi %broadcast_in_dim3A_167, %add3A_168 : vector<16xi32>
          %mul3A_170 = arith.constant 2 : i32
          %mul3A_171 = vector.broadcast %mul3A_170 : i32 to vector<16xi32>
          %mul3A_172 = arith.muli %iota3A, %mul3A_171 : vector<16xi32>
          %mul3A_173 = arith.constant 32 : i32
          %mul3A_174 = arith.muli %select_n3A_156, %mul3A_173 : i32
          %add3A_175 = vector.broadcast %mul3A_174 : i32 to vector<16xi32>
          %add3A_176 = arith.addi %mul3A_172, %add3A_175 : vector<16xi32>
          tpu.vector_store_idx %arg9[%add3A_169, %add3A_176], %bitcast3A : memref<128x128xf32, #tpu.memory_space<vmem>>[vector<16xi32>, vector<16xi32>], vector<16xf32>,
          %add3A_177 = arith.constant 1 : i32
          %add3A_178 = vector.broadcast %add3A_177 : i32 to vector<16xi32>
          %add3A_179 = arith.addi %add3A_176, %add3A_178 : vector<16xi32>
          tpu.vector_store_idx %arg9[%add3A_169, %add3A_179], %bitcast3A_165 : memref<128x128xf32, #tpu.memory_space<vmem>>[vector<16xi32>, vector<16xi32>], vector<16xf32>,
          %scan3A_180 = arith.constant 1 : i32
          %scan3A_181 = arith.addi %scan3A_115, %scan3A_180 : i32
          %mul3A_182 = arith.constant 1 : i32
          %mul3A_183 = arith.muli %scan3A_181, %mul3A_182 : i32
          %add3A_184 = arith.constant 0 : i32
          %add3A_185 = arith.addi %add3A_184, %mul3A_183 : i32
          %jit3A_186 = arith.constant 4 : i32
          %div3A_187 = arith.divsi %add3A_185, %jit3A_186 : i32
          %sign3A_188 = arith.constant 0 : i32
          %sign3A_189 = arith.cmpi sgt, %add3A_185, %sign3A_188 : i32
          %sign3A_190 = arith.extui %sign3A_189 : i1 to i32
          %sign3A_191 = arith.constant 0 : i32
          %sign3A_192 = arith.cmpi slt, %add3A_185, %sign3A_191 : i32
          %sign3A_193 = arith.extui %sign3A_192 : i1 to i32
          %sign3A_194 = arith.subi %sign3A_190, %sign3A_193 : i32
          %sign3A_195 = arith.constant 0 : i32
          %sign3A_196 = arith.cmpi sgt, %jit3A_186, %sign3A_195 : i32
          %sign3A_197 = arith.extui %sign3A_196 : i1 to i32
          %sign3A_198 = arith.constant 0 : i32
          %sign3A_199 = arith.cmpi slt, %jit3A_186, %sign3A_198 : i32
          %sign3A_200 = arith.extui %sign3A_199 : i1 to i32
          %sign3A_201 = arith.subi %sign3A_197, %sign3A_200 : i32
          %ne3A_202 = arith.cmpi ne, %sign3A_194, %sign3A_201 : i32
          %rem3A_203 = arith.remsi %add3A_185, %jit3A_186 : i32
          %ne3A_204 = arith.constant 0 : i32
          %ne3A_205 = arith.cmpi ne, %rem3A_203, %ne3A_204 : i32
          %and3A_206 = arith.andi %ne3A_202, %ne3A_205 : i1
          %sub3A_207 = arith.constant 1 : i32
          %sub3A_208 = arith.subi %div3A_187, %sub3A_207 : i32
          %select_n3A_209 = arith.select %and3A_206, %sub3A_208, %div3A_187 : i32
          %jit3A_210 = arith.constant 4 : i32
          %eq3A_211 = arith.constant 0 : i32
          %eq3A_212 = arith.cmpi eq, %jit3A_210, %eq3A_211 : i32
          %jit3A_213 = arith.constant 1 : i32
          %select_n3A_214 = arith.select %eq3A_212, %jit3A_213, %jit3A_210 : i32
          %rem3A_215 = arith.remsi %add3A_185, %select_n3A_214 : i32
          %ne3A_216 = arith.constant 0 : i32
          %ne3A_217 = arith.cmpi ne, %rem3A_215, %ne3A_216 : i32
          %lt3A_218 = arith.constant 0 : i32
          %lt3A_219 = arith.cmpi slt, %rem3A_215, %lt3A_218 : i32
          %lt3A_220 = arith.constant 0 : i32
          %lt3A_221 = arith.cmpi slt, %select_n3A_214, %lt3A_220 : i32
          %ne3A_222 = arith.xori %lt3A_219, %lt3A_221 : i1
          %and3A_223 = arith.andi %ne3A_222, %ne3A_217 : i1
          %add3A_224 = arith.addi %rem3A_215, %select_n3A_214 : i32
          %select_n3A_225 = arith.select %and3A_223, %add3A_224, %rem3A_215 : i32
          %mul3A_226 = arith.constant 16 : i32
          %mul3A_227 = arith.muli %select_n3A_225, %mul3A_226 : i32
          %get3A_228 = arith.index_cast %select_n3A_93 : i32 to index
          %get3A_229 = arith.index_cast %select_n3A_209 : i32 to index
          %get3A_230 = arith.index_cast %mul3A_227 : i32 to index
          %get3A_231 = tpu.vector_load %arg8[%get3A_228, %get3A_229, %get3A_230] {strides = array<i32>} : memref<3x128x64xi32, #tpu.memory_space<vmem>>, vector<16xi32>,
          %shift_left3A_232 = arith.constant 16 : i32
          %shift_left3A_233 = vector.broadcast %shift_left3A_232 : i32 to vector<16xi32>
          %shift_left3A_234 = arith.shli %get3A_231, %shift_left3A_233 : vector<16xi32>
          %bitcast3A_235 = vector.bitcast %shift_left3A_234 : vector<16xi32> to vector<16xf32>
          %and3A_236 = arith.andi %get3A_231, %broadcast_in_dim3A_12 : vector<16xi32>
          %bitcast3A_237 = vector.bitcast %and3A_236 : vector<16xi32> to vector<16xf32>
          %broadcast_in_dim3A_238 = arith.constant 0 : i32
          %broadcast_in_dim3A_239 = vector.broadcast %broadcast_in_dim3A_238 : i32 to vector<16xi32>
          %add3A_240 = vector.broadcast %select_n3A_209 : i32 to vector<16xi32>
          %add3A_241 = arith.addi %broadcast_in_dim3A_239, %add3A_240 : vector<16xi32>
          %mul3A_242 = arith.constant 2 : i32
          %mul3A_243 = vector.broadcast %mul3A_242 : i32 to vector<16xi32>
          %mul3A_244 = arith.muli %iota3A, %mul3A_243 : vector<16xi32>
          %mul3A_245 = arith.constant 32 : i32
          %mul3A_246 = arith.muli %select_n3A_225, %mul3A_245 : i32
          %add3A_247 = vector.broadcast %mul3A_246 : i32 to vector<16xi32>
          %add3A_248 = arith.addi %mul3A_244, %add3A_247 : vector<16xi32>
          tpu.vector_store_idx %arg9[%add3A_241, %add3A_248], %bitcast3A_235 : memref<128x128xf32, #tpu.memory_space<vmem>>[vector<16xi32>, vector<16xi32>], vector<16xf32>,
          %add3A_249 = arith.constant 1 : i32
          %add3A_250 = vector.broadcast %add3A_249 : i32 to vector<16xi32>
          %add3A_251 = arith.addi %add3A_248, %add3A_250 : vector<16xi32>
          tpu.vector_store_idx %arg9[%add3A_241, %add3A_251], %bitcast3A_237 : memref<128x128xf32, #tpu.memory_space<vmem>>[vector<16xi32>, vector<16xi32>], vector<16xf32>,
          %scan3A_252 = arith.constant 2 : i32
          %scan3A_253 = arith.addi %scan3A_115, %scan3A_252 : i32
          %mul3A_254 = arith.constant 1 : i32
          %mul3A_255 = arith.muli %scan3A_253, %mul3A_254 : i32
          %add3A_256 = arith.constant 0 : i32
          %add3A_257 = arith.addi %add3A_256, %mul3A_255 : i32
          %jit3A_258 = arith.constant 4 : i32
          %div3A_259 = arith.divsi %add3A_257, %jit3A_258 : i32
          %sign3A_260 = arith.constant 0 : i32
          %sign3A_261 = arith.cmpi sgt, %add3A_257, %sign3A_260 : i32
          %sign3A_262 = arith.extui %sign3A_261 : i1 to i32
          %sign3A_263 = arith.constant 0 : i32
          %sign3A_264 = arith.cmpi slt, %add3A_257, %sign3A_263 : i32
          %sign3A_265 = arith.extui %sign3A_264 : i1 to i32
          %sign3A_266 = arith.subi %sign3A_262, %sign3A_265 : i32
          %sign3A_267 = arith.constant 0 : i32
          %sign3A_268 = arith.cmpi sgt, %jit3A_258, %sign3A_267 : i32
          %sign3A_269 = arith.extui %sign3A_268 : i1 to i32
          %sign3A_270 = arith.constant 0 : i32
          %sign3A_271 = arith.cmpi slt, %jit3A_258, %sign3A_270 : i32
          %sign3A_272 = arith.extui %sign3A_271 : i1 to i32
          %sign3A_273 = arith.subi %sign3A_269, %sign3A_272 : i32
          %ne3A_274 = arith.cmpi ne, %sign3A_266, %sign3A_273 : i32
          %rem3A_275 = arith.remsi %add3A_257, %jit3A_258 : i32
          %ne3A_276 = arith.constant 0 : i32
          %ne3A_277 = arith.cmpi ne, %rem3A_275, %ne3A_276 : i32
          %and3A_278 = arith.andi %ne3A_274, %ne3A_277 : i1
          %sub3A_279 = arith.constant 1 : i32
          %sub3A_280 = arith.subi %div3A_259, %sub3A_279 : i32
          %select_n3A_281 = arith.select %and3A_278, %sub3A_280, %div3A_259 : i32
          %jit3A_282 = arith.constant 4 : i32
          %eq3A_283 = arith.constant 0 : i32
          %eq3A_284 = arith.cmpi eq, %jit3A_282, %eq3A_283 : i32
          %jit3A_285 = arith.constant 1 : i32
          %select_n3A_286 = arith.select %eq3A_284, %jit3A_285, %jit3A_282 : i32
          %rem3A_287 = arith.remsi %add3A_257, %select_n3A_286 : i32
          %ne3A_288 = arith.constant 0 : i32
          %ne3A_289 = arith.cmpi ne, %rem3A_287, %ne3A_288 : i32
          %lt3A_290 = arith.constant 0 : i32
          %lt3A_291 = arith.cmpi slt, %rem3A_287, %lt3A_290 : i32
          %lt3A_292 = arith.constant 0 : i32
          %lt3A_293 = arith.cmpi slt, %select_n3A_286, %lt3A_292 : i32
          %ne3A_294 = arith.xori %lt3A_291, %lt3A_293 : i1
          %and3A_295 = arith.andi %ne3A_294, %ne3A_289 : i1
          %add3A_296 = arith.addi %rem3A_287, %select_n3A_286 : i32
          %select_n3A_297 = arith.select %and3A_295, %add3A_296, %rem3A_287 : i32
          %mul3A_298 = arith.constant 16 : i32
          %mul3A_299 = arith.muli %select_n3A_297, %mul3A_298 : i32
          %get3A_300 = arith.index_cast %select_n3A_93 : i32 to index
          %get3A_301 = arith.index_cast %select_n3A_281 : i32 to index
          %get3A_302 = arith.index_cast %mul3A_299 : i32 to index
          %get3A_303 = tpu.vector_load %arg8[%get3A_300, %get3A_301, %get3A_302] {strides = array<i32>} : memref<3x128x64xi32, #tpu.memory_space<vmem>>, vector<16xi32>,
          %shift_left3A_304 = arith.constant 16 : i32
          %shift_left3A_305 = vector.broadcast %shift_left3A_304 : i32 to vector<16xi32>
          %shift_left3A_306 = arith.shli %get3A_303, %shift_left3A_305 : vector<16xi32>
          %bitcast3A_307 = vector.bitcast %shift_left3A_306 : vector<16xi32> to vector<16xf32>
          %and3A_308 = arith.andi %get3A_303, %broadcast_in_dim3A_12 : vector<16xi32>
          %bitcast3A_309 = vector.bitcast %and3A_308 : vector<16xi32> to vector<16xf32>
          %broadcast_in_dim3A_310 = arith.constant 0 : i32
          %broadcast_in_dim3A_311 = vector.broadcast %broadcast_in_dim3A_310 : i32 to vector<16xi32>
          %add3A_312 = vector.broadcast %select_n3A_281 : i32 to vector<16xi32>
          %add3A_313 = arith.addi %broadcast_in_dim3A_311, %add3A_312 : vector<16xi32>
          %mul3A_314 = arith.constant 2 : i32
          %mul3A_315 = vector.broadcast %mul3A_314 : i32 to vector<16xi32>
          %mul3A_316 = arith.muli %iota3A, %mul3A_315 : vector<16xi32>
          %mul3A_317 = arith.constant 32 : i32
          %mul3A_318 = arith.muli %select_n3A_297, %mul3A_317 : i32
          %add3A_319 = vector.broadcast %mul3A_318 : i32 to vector<16xi32>
          %add3A_320 = arith.addi %mul3A_316, %add3A_319 : vector<16xi32>
          tpu.vector_store_idx %arg9[%add3A_313, %add3A_320], %bitcast3A_307 : memref<128x128xf32, #tpu.memory_space<vmem>>[vector<16xi32>, vector<16xi32>], vector<16xf32>,
          %add3A_321 = arith.constant 1 : i32
          %add3A_322 = vector.broadcast %add3A_321 : i32 to vector<16xi32>
          %add3A_323 = arith.addi %add3A_320, %add3A_322 : vector<16xi32>
          tpu.vector_store_idx %arg9[%add3A_313, %add3A_323], %bitcast3A_309 : memref<128x128xf32, #tpu.memory_space<vmem>>[vector<16xi32>, vector<16xi32>], vector<16xf32>,
          %scan3A_324 = arith.constant 3 : i32
          %scan3A_325 = arith.addi %scan3A_115, %scan3A_324 : i32
          %mul3A_326 = arith.constant 1 : i32
          %mul3A_327 = arith.muli %scan3A_325, %mul3A_326 : i32
          %add3A_328 = arith.constant 0 : i32
          %add3A_329 = arith.addi %add3A_328, %mul3A_327 : i32
          %jit3A_330 = arith.constant 4 : i32
          %div3A_331 = arith.divsi %add3A_329, %jit3A_330 : i32
          %sign3A_332 = arith.constant 0 : i32
          %sign3A_333 = arith.cmpi sgt, %add3A_329, %sign3A_332 : i32
          %sign3A_334 = arith.extui %sign3A_333 : i1 to i32
          %sign3A_335 = arith.constant 0 : i32
          %sign3A_336 = arith.cmpi slt, %add3A_329, %sign3A_335 : i32
          %sign3A_337 = arith.extui %sign3A_336 : i1 to i32
          %sign3A_338 = arith.subi %sign3A_334, %sign3A_337 : i32
          %sign3A_339 = arith.constant 0 : i32
          %sign3A_340 = arith.cmpi sgt, %jit3A_330, %sign3A_339 : i32
          %sign3A_341 = arith.extui %sign3A_340 : i1 to i32
          %sign3A_342 = arith.constant 0 : i32
          %sign3A_343 = arith.cmpi slt, %jit3A_330, %sign3A_342 : i32
          %sign3A_344 = arith.extui %sign3A_343 : i1 to i32
          %sign3A_345 = arith.subi %sign3A_341, %sign3A_344 : i32
          %ne3A_346 = arith.cmpi ne, %sign3A_338, %sign3A_345 : i32
          %rem3A_347 = arith.remsi %add3A_329, %jit3A_330 : i32
          %ne3A_348 = arith.constant 0 : i32
          %ne3A_349 = arith.cmpi ne, %rem3A_347, %ne3A_348 : i32
          %and3A_350 = arith.andi %ne3A_346, %ne3A_349 : i1
          %sub3A_351 = arith.constant 1 : i32
          %sub3A_352 = arith.subi %div3A_331, %sub3A_351 : i32
          %select_n3A_353 = arith.select %and3A_350, %sub3A_352, %div3A_331 : i32
          %jit3A_354 = arith.constant 4 : i32
          %eq3A_355 = arith.constant 0 : i32
          %eq3A_356 = arith.cmpi eq, %jit3A_354, %eq3A_355 : i32
          %jit3A_357 = arith.constant 1 : i32
          %select_n3A_358 = arith.select %eq3A_356, %jit3A_357, %jit3A_354 : i32
          %rem3A_359 = arith.remsi %add3A_329, %select_n3A_358 : i32
          %ne3A_360 = arith.constant 0 : i32
          %ne3A_361 = arith.cmpi ne, %rem3A_359, %ne3A_360 : i32
          %lt3A_362 = arith.constant 0 : i32
          %lt3A_363 = arith.cmpi slt, %rem3A_359, %lt3A_362 : i32
          %lt3A_364 = arith.constant 0 : i32
          %lt3A_365 = arith.cmpi slt, %select_n3A_358, %lt3A_364 : i32
          %ne3A_366 = arith.xori %lt3A_363, %lt3A_365 : i1
          %and3A_367 = arith.andi %ne3A_366, %ne3A_361 : i1
          %add3A_368 = arith.addi %rem3A_359, %select_n3A_358 : i32
          %select_n3A_369 = arith.select %and3A_367, %add3A_368, %rem3A_359 : i32
          %mul3A_370 = arith.constant 16 : i32
          %mul3A_371 = arith.muli %select_n3A_369, %mul3A_370 : i32
          %get3A_372 = arith.index_cast %select_n3A_93 : i32 to index
          %get3A_373 = arith.index_cast %select_n3A_353 : i32 to index
          %get3A_374 = arith.index_cast %mul3A_371 : i32 to index
          %get3A_375 = tpu.vector_load %arg8[%get3A_372, %get3A_373, %get3A_374] {strides = array<i32>} : memref<3x128x64xi32, #tpu.memory_space<vmem>>, vector<16xi32>,
          %shift_left3A_376 = arith.constant 16 : i32
          %shift_left3A_377 = vector.broadcast %shift_left3A_376 : i32 to vector<16xi32>
          %shift_left3A_378 = arith.shli %get3A_375, %shift_left3A_377 : vector<16xi32>
          %bitcast3A_379 = vector.bitcast %shift_left3A_378 : vector<16xi32> to vector<16xf32>
          %and3A_380 = arith.andi %get3A_375, %broadcast_in_dim3A_12 : vector<16xi32>
          %bitcast3A_381 = vector.bitcast %and3A_380 : vector<16xi32> to vector<16xf32>
          %broadcast_in_dim3A_382 = arith.constant 0 : i32
          %broadcast_in_dim3A_383 = vector.broadcast %broadcast_in_dim3A_382 : i32 to vector<16xi32>
          %add3A_384 = vector.broadcast %select_n3A_353 : i32 to vector<16xi32>
          %add3A_385 = arith.addi %broadcast_in_dim3A_383, %add3A_384 : vector<16xi32>
          %mul3A_386 = arith.constant 2 : i32
          %mul3A_387 = vector.broadcast %mul3A_386 : i32 to vector<16xi32>
          %mul3A_388 = arith.muli %iota3A, %mul3A_387 : vector<16xi32>
          %mul3A_389 = arith.constant 32 : i32
          %mul3A_390 = arith.muli %select_n3A_369, %mul3A_389 : i32
          %add3A_391 = vector.broadcast %mul3A_390 : i32 to vector<16xi32>
          %add3A_392 = arith.addi %mul3A_388, %add3A_391 : vector<16xi32>
          tpu.vector_store_idx %arg9[%add3A_385, %add3A_392], %bitcast3A_379 : memref<128x128xf32, #tpu.memory_space<vmem>>[vector<16xi32>, vector<16xi32>], vector<16xf32>,
          %add3A_393 = arith.constant 1 : i32
          %add3A_394 = vector.broadcast %add3A_393 : i32 to vector<16xi32>
          %add3A_395 = arith.addi %add3A_392, %add3A_394 : vector<16xi32>
          tpu.vector_store_idx %arg9[%add3A_385, %add3A_395], %bitcast3A_381 : memref<128x128xf32, #tpu.memory_space<vmem>>[vector<16xi32>, vector<16xi32>], vector<16xf32>,
          %scan3A_396 = arith.constant 4 : i32
          %scan3A_397 = arith.addi %scan3A_115, %scan3A_396 : i32
          %mul3A_398 = arith.constant 1 : i32
          %mul3A_399 = arith.muli %scan3A_397, %mul3A_398 : i32
          %add3A_400 = arith.constant 0 : i32
          %add3A_401 = arith.addi %add3A_400, %mul3A_399 : i32
          %jit3A_402 = arith.constant 4 : i32
          %div3A_403 = arith.divsi %add3A_401, %jit3A_402 : i32
          %sign3A_404 = arith.constant 0 : i32
          %sign3A_405 = arith.cmpi sgt, %add3A_401, %sign3A_404 : i32
          %sign3A_406 = arith.extui %sign3A_405 : i1 to i32
          %sign3A_407 = arith.constant 0 : i32
          %sign3A_408 = arith.cmpi slt, %add3A_401, %sign3A_407 : i32
          %sign3A_409 = arith.extui %sign3A_408 : i1 to i32
          %sign3A_410 = arith.subi %sign3A_406, %sign3A_409 : i32
          %sign3A_411 = arith.constant 0 : i32
          %sign3A_412 = arith.cmpi sgt, %jit3A_402, %sign3A_411 : i32
          %sign3A_413 = arith.extui %sign3A_412 : i1 to i32
          %sign3A_414 = arith.constant 0 : i32
          %sign3A_415 = arith.cmpi slt, %jit3A_402, %sign3A_414 : i32
          %sign3A_416 = arith.extui %sign3A_415 : i1 to i32
          %sign3A_417 = arith.subi %sign3A_413, %sign3A_416 : i32
          %ne3A_418 = arith.cmpi ne, %sign3A_410, %sign3A_417 : i32
          %rem3A_419 = arith.remsi %add3A_401, %jit3A_402 : i32
          %ne3A_420 = arith.constant 0 : i32
          %ne3A_421 = arith.cmpi ne, %rem3A_419, %ne3A_420 : i32
          %and3A_422 = arith.andi %ne3A_418, %ne3A_421 : i1
          %sub3A_423 = arith.constant 1 : i32
          %sub3A_424 = arith.subi %div3A_403, %sub3A_423 : i32
          %select_n3A_425 = arith.select %and3A_422, %sub3A_424, %div3A_403 : i32
          %jit3A_426 = arith.constant 4 : i32
          %eq3A_427 = arith.constant 0 : i32
          %eq3A_428 = arith.cmpi eq, %jit3A_426, %eq3A_427 : i32
          %jit3A_429 = arith.constant 1 : i32
          %select_n3A_430 = arith.select %eq3A_428, %jit3A_429, %jit3A_426 : i32
          %rem3A_431 = arith.remsi %add3A_401, %select_n3A_430 : i32
          %ne3A_432 = arith.constant 0 : i32
          %ne3A_433 = arith.cmpi ne, %rem3A_431, %ne3A_432 : i32
          %lt3A_434 = arith.constant 0 : i32
          %lt3A_435 = arith.cmpi slt, %rem3A_431, %lt3A_434 : i32
          %lt3A_436 = arith.constant 0 : i32
          %lt3A_437 = arith.cmpi slt, %select_n3A_430, %lt3A_436 : i32
          %ne3A_438 = arith.xori %lt3A_435, %lt3A_437 : i1
          %and3A_439 = arith.andi %ne3A_438, %ne3A_433 : i1
          %add3A_440 = arith.addi %rem3A_431, %select_n3A_430 : i32
          %select_n3A_441 = arith.select %and3A_439, %add3A_440, %rem3A_431 : i32
          %mul3A_442 = arith.constant 16 : i32
          %mul3A_443 = arith.muli %select_n3A_441, %mul3A_442 : i32
          %get3A_444 = arith.index_cast %select_n3A_93 : i32 to index
          %get3A_445 = arith.index_cast %select_n3A_425 : i32 to index
          %get3A_446 = arith.index_cast %mul3A_443 : i32 to index
          %get3A_447 = tpu.vector_load %arg8[%get3A_444, %get3A_445, %get3A_446] {strides = array<i32>} : memref<3x128x64xi32, #tpu.memory_space<vmem>>, vector<16xi32>,
          %shift_left3A_448 = arith.constant 16 : i32
          %shift_left3A_449 = vector.broadcast %shift_left3A_448 : i32 to vector<16xi32>
          %shift_left3A_450 = arith.shli %get3A_447, %shift_left3A_449 : vector<16xi32>
          %bitcast3A_451 = vector.bitcast %shift_left3A_450 : vector<16xi32> to vector<16xf32>
          %and3A_452 = arith.andi %get3A_447, %broadcast_in_dim3A_12 : vector<16xi32>
          %bitcast3A_453 = vector.bitcast %and3A_452 : vector<16xi32> to vector<16xf32>
          %broadcast_in_dim3A_454 = arith.constant 0 : i32
          %broadcast_in_dim3A_455 = vector.broadcast %broadcast_in_dim3A_454 : i32 to vector<16xi32>
          %add3A_456 = vector.broadcast %select_n3A_425 : i32 to vector<16xi32>
          %add3A_457 = arith.addi %broadcast_in_dim3A_455, %add3A_456 : vector<16xi32>
          %mul3A_458 = arith.constant 2 : i32
          %mul3A_459 = vector.broadcast %mul3A_458 : i32 to vector<16xi32>
          %mul3A_460 = arith.muli %iota3A, %mul3A_459 : vector<16xi32>
          %mul3A_461 = arith.constant 32 : i32
          %mul3A_462 = arith.muli %select_n3A_441, %mul3A_461 : i32
          %add3A_463 = vector.broadcast %mul3A_462 : i32 to vector<16xi32>
          %add3A_464 = arith.addi %mul3A_460, %add3A_463 : vector<16xi32>
          tpu.vector_store_idx %arg9[%add3A_457, %add3A_464], %bitcast3A_451 : memref<128x128xf32, #tpu.memory_space<vmem>>[vector<16xi32>, vector<16xi32>], vector<16xf32>,
          %add3A_465 = arith.constant 1 : i32
          %add3A_466 = vector.broadcast %add3A_465 : i32 to vector<16xi32>
          %add3A_467 = arith.addi %add3A_464, %add3A_466 : vector<16xi32>
          tpu.vector_store_idx %arg9[%add3A_457, %add3A_467], %bitcast3A_453 : memref<128x128xf32, #tpu.memory_space<vmem>>[vector<16xi32>, vector<16xi32>], vector<16xf32>,
          %scan3A_468 = arith.constant 5 : i32
          %scan3A_469 = arith.addi %scan3A_115, %scan3A_468 : i32
          %mul3A_470 = arith.constant 1 : i32
          %mul3A_471 = arith.muli %scan3A_469, %mul3A_470 : i32
          %add3A_472 = arith.constant 0 : i32
          %add3A_473 = arith.addi %add3A_472, %mul3A_471 : i32
          %jit3A_474 = arith.constant 4 : i32
          %div3A_475 = arith.divsi %add3A_473, %jit3A_474 : i32
          %sign3A_476 = arith.constant 0 : i32
          %sign3A_477 = arith.cmpi sgt, %add3A_473, %sign3A_476 : i32
          %sign3A_478 = arith.extui %sign3A_477 : i1 to i32
          %sign3A_479 = arith.constant 0 : i32
          %sign3A_480 = arith.cmpi slt, %add3A_473, %sign3A_479 : i32
          %sign3A_481 = arith.extui %sign3A_480 : i1 to i32
          %sign3A_482 = arith.subi %sign3A_478, %sign3A_481 : i32
          %sign3A_483 = arith.constant 0 : i32
          %sign3A_484 = arith.cmpi sgt, %jit3A_474, %sign3A_483 : i32
          %sign3A_485 = arith.extui %sign3A_484 : i1 to i32
          %sign3A_486 = arith.constant 0 : i32
          %sign3A_487 = arith.cmpi slt, %jit3A_474, %sign3A_486 : i32
          %sign3A_488 = arith.extui %sign3A_487 : i1 to i32
          %sign3A_489 = arith.subi %sign3A_485, %sign3A_488 : i32
          %ne3A_490 = arith.cmpi ne, %sign3A_482, %sign3A_489 : i32
          %rem3A_491 = arith.remsi %add3A_473, %jit3A_474 : i32
          %ne3A_492 = arith.constant 0 : i32
          %ne3A_493 = arith.cmpi ne, %rem3A_491, %ne3A_492 : i32
          %and3A_494 = arith.andi %ne3A_490, %ne3A_493 : i1
          %sub3A_495 = arith.constant 1 : i32
          %sub3A_496 = arith.subi %div3A_475, %sub3A_495 : i32
          %select_n3A_497 = arith.select %and3A_494, %sub3A_496, %div3A_475 : i32
          %jit3A_498 = arith.constant 4 : i32
          %eq3A_499 = arith.constant 0 : i32
          %eq3A_500 = arith.cmpi eq, %jit3A_498, %eq3A_499 : i32
          %jit3A_501 = arith.constant 1 : i32
          %select_n3A_502 = arith.select %eq3A_500, %jit3A_501, %jit3A_498 : i32
          %rem3A_503 = arith.remsi %add3A_473, %select_n3A_502 : i32
          %ne3A_504 = arith.constant 0 : i32
          %ne3A_505 = arith.cmpi ne, %rem3A_503, %ne3A_504 : i32
          %lt3A_506 = arith.constant 0 : i32
          %lt3A_507 = arith.cmpi slt, %rem3A_503, %lt3A_506 : i32
          %lt3A_508 = arith.constant 0 : i32
          %lt3A_509 = arith.cmpi slt, %select_n3A_502, %lt3A_508 : i32
          %ne3A_510 = arith.xori %lt3A_507, %lt3A_509 : i1
          %and3A_511 = arith.andi %ne3A_510, %ne3A_505 : i1
          %add3A_512 = arith.addi %rem3A_503, %select_n3A_502 : i32
          %select_n3A_513 = arith.select %and3A_511, %add3A_512, %rem3A_503 : i32
          %mul3A_514 = arith.constant 16 : i32
          %mul3A_515 = arith.muli %select_n3A_513, %mul3A_514 : i32
          %get3A_516 = arith.index_cast %select_n3A_93 : i32 to index
          %get3A_517 = arith.index_cast %select_n3A_497 : i32 to index
          %get3A_518 = arith.index_cast %mul3A_515 : i32 to index
          %get3A_519 = tpu.vector_load %arg8[%get3A_516, %get3A_517, %get3A_518] {strides = array<i32>} : memref<3x128x64xi32, #tpu.memory_space<vmem>>, vector<16xi32>,
          %shift_left3A_520 = arith.constant 16 : i32
          %shift_left3A_521 = vector.broadcast %shift_left3A_520 : i32 to vector<16xi32>
          %shift_left3A_522 = arith.shli %get3A_519, %shift_left3A_521 : vector<16xi32>
          %bitcast3A_523 = vector.bitcast %shift_left3A_522 : vector<16xi32> to vector<16xf32>
          %and3A_524 = arith.andi %get3A_519, %broadcast_in_dim3A_12 : vector<16xi32>
          %bitcast3A_525 = vector.bitcast %and3A_524 : vector<16xi32> to vector<16xf32>
          %broadcast_in_dim3A_526 = arith.constant 0 : i32
          %broadcast_in_dim3A_527 = vector.broadcast %broadcast_in_dim3A_526 : i32 to vector<16xi32>
          %add3A_528 = vector.broadcast %select_n3A_497 : i32 to vector<16xi32>
          %add3A_529 = arith.addi %broadcast_in_dim3A_527, %add3A_528 : vector<16xi32>
          %mul3A_530 = arith.constant 2 : i32
          %mul3A_531 = vector.broadcast %mul3A_530 : i32 to vector<16xi32>
          %mul3A_532 = arith.muli %iota3A, %mul3A_531 : vector<16xi32>
          %mul3A_533 = arith.constant 32 : i32
          %mul3A_534 = arith.muli %select_n3A_513, %mul3A_533 : i32
          %add3A_535 = vector.broadcast %mul3A_534 : i32 to vector<16xi32>
          %add3A_536 = arith.addi %mul3A_532, %add3A_535 : vector<16xi32>
          tpu.vector_store_idx %arg9[%add3A_529, %add3A_536], %bitcast3A_523 : memref<128x128xf32, #tpu.memory_space<vmem>>[vector<16xi32>, vector<16xi32>], vector<16xf32>,
          %add3A_537 = arith.constant 1 : i32
          %add3A_538 = vector.broadcast %add3A_537 : i32 to vector<16xi32>
          %add3A_539 = arith.addi %add3A_536, %add3A_538 : vector<16xi32>
          tpu.vector_store_idx %arg9[%add3A_529, %add3A_539], %bitcast3A_525 : memref<128x128xf32, #tpu.memory_space<vmem>>[vector<16xi32>, vector<16xi32>], vector<16xf32>,
          %scan3A_540 = arith.constant 6 : i32
          %scan3A_541 = arith.addi %scan3A_115, %scan3A_540 : i32
          %mul3A_542 = arith.constant 1 : i32
          %mul3A_543 = arith.muli %scan3A_541, %mul3A_542 : i32
          %add3A_544 = arith.constant 0 : i32
          %add3A_545 = arith.addi %add3A_544, %mul3A_543 : i32
          %jit3A_546 = arith.constant 4 : i32
          %div3A_547 = arith.divsi %add3A_545, %jit3A_546 : i32
          %sign3A_548 = arith.constant 0 : i32
          %sign3A_549 = arith.cmpi sgt, %add3A_545, %sign3A_548 : i32
          %sign3A_550 = arith.extui %sign3A_549 : i1 to i32
          %sign3A_551 = arith.constant 0 : i32
          %sign3A_552 = arith.cmpi slt, %add3A_545, %sign3A_551 : i32
          %sign3A_553 = arith.extui %sign3A_552 : i1 to i32
          %sign3A_554 = arith.subi %sign3A_550, %sign3A_553 : i32
          %sign3A_555 = arith.constant 0 : i32
          %sign3A_556 = arith.cmpi sgt, %jit3A_546, %sign3A_555 : i32
          %sign3A_557 = arith.extui %sign3A_556 : i1 to i32
          %sign3A_558 = arith.constant 0 : i32
          %sign3A_559 = arith.cmpi slt, %jit3A_546, %sign3A_558 : i32
          %sign3A_560 = arith.extui %sign3A_559 : i1 to i32
          %sign3A_561 = arith.subi %sign3A_557, %sign3A_560 : i32
          %ne3A_562 = arith.cmpi ne, %sign3A_554, %sign3A_561 : i32
          %rem3A_563 = arith.remsi %add3A_545, %jit3A_546 : i32
          %ne3A_564 = arith.constant 0 : i32
          %ne3A_565 = arith.cmpi ne, %rem3A_563, %ne3A_564 : i32
          %and3A_566 = arith.andi %ne3A_562, %ne3A_565 : i1
          %sub3A_567 = arith.constant 1 : i32
          %sub3A_568 = arith.subi %div3A_547, %sub3A_567 : i32
          %select_n3A_569 = arith.select %and3A_566, %sub3A_568, %div3A_547 : i32
          %jit3A_570 = arith.constant 4 : i32
          %eq3A_571 = arith.constant 0 : i32
          %eq3A_572 = arith.cmpi eq, %jit3A_570, %eq3A_571 : i32
          %jit3A_573 = arith.constant 1 : i32
          %select_n3A_574 = arith.select %eq3A_572, %jit3A_573, %jit3A_570 : i32
          %rem3A_575 = arith.remsi %add3A_545, %select_n3A_574 : i32
          %ne3A_576 = arith.constant 0 : i32
          %ne3A_577 = arith.cmpi ne, %rem3A_575, %ne3A_576 : i32
          %lt3A_578 = arith.constant 0 : i32
          %lt3A_579 = arith.cmpi slt, %rem3A_575, %lt3A_578 : i32
          %lt3A_580 = arith.constant 0 : i32
          %lt3A_581 = arith.cmpi slt, %select_n3A_574, %lt3A_580 : i32
          %ne3A_582 = arith.xori %lt3A_579, %lt3A_581 : i1
          %and3A_583 = arith.andi %ne3A_582, %ne3A_577 : i1
          %add3A_584 = arith.addi %rem3A_575, %select_n3A_574 : i32
          %select_n3A_585 = arith.select %and3A_583, %add3A_584, %rem3A_575 : i32
          %mul3A_586 = arith.constant 16 : i32
          %mul3A_587 = arith.muli %select_n3A_585, %mul3A_586 : i32
          %get3A_588 = arith.index_cast %select_n3A_93 : i32 to index
          %get3A_589 = arith.index_cast %select_n3A_569 : i32 to index
          %get3A_590 = arith.index_cast %mul3A_587 : i32 to index
          %get3A_591 = tpu.vector_load %arg8[%get3A_588, %get3A_589, %get3A_590] {strides = array<i32>} : memref<3x128x64xi32, #tpu.memory_space<vmem>>, vector<16xi32>,
          %shift_left3A_592 = arith.constant 16 : i32
          %shift_left3A_593 = vector.broadcast %shift_left3A_592 : i32 to vector<16xi32>
          %shift_left3A_594 = arith.shli %get3A_591, %shift_left3A_593 : vector<16xi32>
          %bitcast3A_595 = vector.bitcast %shift_left3A_594 : vector<16xi32> to vector<16xf32>
          %and3A_596 = arith.andi %get3A_591, %broadcast_in_dim3A_12 : vector<16xi32>
          %bitcast3A_597 = vector.bitcast %and3A_596 : vector<16xi32> to vector<16xf32>
          %broadcast_in_dim3A_598 = arith.constant 0 : i32
          %broadcast_in_dim3A_599 = vector.broadcast %broadcast_in_dim3A_598 : i32 to vector<16xi32>
          %add3A_600 = vector.broadcast %select_n3A_569 : i32 to vector<16xi32>
          %add3A_601 = arith.addi %broadcast_in_dim3A_599, %add3A_600 : vector<16xi32>
          %mul3A_602 = arith.constant 2 : i32
          %mul3A_603 = vector.broadcast %mul3A_602 : i32 to vector<16xi32>
          %mul3A_604 = arith.muli %iota3A, %mul3A_603 : vector<16xi32>
          %mul3A_605 = arith.constant 32 : i32
          %mul3A_606 = arith.muli %select_n3A_585, %mul3A_605 : i32
          %add3A_607 = vector.broadcast %mul3A_606 : i32 to vector<16xi32>
          %add3A_608 = arith.addi %mul3A_604, %add3A_607 : vector<16xi32>
          tpu.vector_store_idx %arg9[%add3A_601, %add3A_608], %bitcast3A_595 : memref<128x128xf32, #tpu.memory_space<vmem>>[vector<16xi32>, vector<16xi32>], vector<16xf32>,
          %add3A_609 = arith.constant 1 : i32
          %add3A_610 = vector.broadcast %add3A_609 : i32 to vector<16xi32>
          %add3A_611 = arith.addi %add3A_608, %add3A_610 : vector<16xi32>
          tpu.vector_store_idx %arg9[%add3A_601, %add3A_611], %bitcast3A_597 : memref<128x128xf32, #tpu.memory_space<vmem>>[vector<16xi32>, vector<16xi32>], vector<16xf32>,
          %scan3A_612 = arith.constant 7 : i32
          %scan3A_613 = arith.addi %scan3A_115, %scan3A_612 : i32
          %mul3A_614 = arith.constant 1 : i32
          %mul3A_615 = arith.muli %scan3A_613, %mul3A_614 : i32
          %add3A_616 = arith.constant 0 : i32
          %add3A_617 = arith.addi %add3A_616, %mul3A_615 : i32
          %jit3A_618 = arith.constant 4 : i32
          %div3A_619 = arith.divsi %add3A_617, %jit3A_618 : i32
          %sign3A_620 = arith.constant 0 : i32
          %sign3A_621 = arith.cmpi sgt, %add3A_617, %sign3A_620 : i32
          %sign3A_622 = arith.extui %sign3A_621 : i1 to i32
          %sign3A_623 = arith.constant 0 : i32
          %sign3A_624 = arith.cmpi slt, %add3A_617, %sign3A_623 : i32
          %sign3A_625 = arith.extui %sign3A_624 : i1 to i32
          %sign3A_626 = arith.subi %sign3A_622, %sign3A_625 : i32
          %sign3A_627 = arith.constant 0 : i32
          %sign3A_628 = arith.cmpi sgt, %jit3A_618, %sign3A_627 : i32
          %sign3A_629 = arith.extui %sign3A_628 : i1 to i32
          %sign3A_630 = arith.constant 0 : i32
          %sign3A_631 = arith.cmpi slt, %jit3A_618, %sign3A_630 : i32
          %sign3A_632 = arith.extui %sign3A_631 : i1 to i32
          %sign3A_633 = arith.subi %sign3A_629, %sign3A_632 : i32
          %ne3A_634 = arith.cmpi ne, %sign3A_626, %sign3A_633 : i32
          %rem3A_635 = arith.remsi %add3A_617, %jit3A_618 : i32
          %ne3A_636 = arith.constant 0 : i32
          %ne3A_637 = arith.cmpi ne, %rem3A_635, %ne3A_636 : i32
          %and3A_638 = arith.andi %ne3A_634, %ne3A_637 : i1
          %sub3A_639 = arith.constant 1 : i32
          %sub3A_640 = arith.subi %div3A_619, %sub3A_639 : i32
          %select_n3A_641 = arith.select %and3A_638, %sub3A_640, %div3A_619 : i32
          %jit3A_642 = arith.constant 4 : i32
          %eq3A_643 = arith.constant 0 : i32
          %eq3A_644 = arith.cmpi eq, %jit3A_642, %eq3A_643 : i32
          %jit3A_645 = arith.constant 1 : i32
          %select_n3A_646 = arith.select %eq3A_644, %jit3A_645, %jit3A_642 : i32
          %rem3A_647 = arith.remsi %add3A_617, %select_n3A_646 : i32
          %ne3A_648 = arith.constant 0 : i32
          %ne3A_649 = arith.cmpi ne, %rem3A_647, %ne3A_648 : i32
          %lt3A_650 = arith.constant 0 : i32
          %lt3A_651 = arith.cmpi slt, %rem3A_647, %lt3A_650 : i32
          %lt3A_652 = arith.constant 0 : i32
          %lt3A_653 = arith.cmpi slt, %select_n3A_646, %lt3A_652 : i32
          %ne3A_654 = arith.xori %lt3A_651, %lt3A_653 : i1
          %and3A_655 = arith.andi %ne3A_654, %ne3A_649 : i1
          %add3A_656 = arith.addi %rem3A_647, %select_n3A_646 : i32
          %select_n3A_657 = arith.select %and3A_655, %add3A_656, %rem3A_647 : i32
          %mul3A_658 = arith.constant 16 : i32
          %mul3A_659 = arith.muli %select_n3A_657, %mul3A_658 : i32
          %get3A_660 = arith.index_cast %select_n3A_93 : i32 to index
          %get3A_661 = arith.index_cast %select_n3A_641 : i32 to index
          %get3A_662 = arith.index_cast %mul3A_659 : i32 to index
          %get3A_663 = tpu.vector_load %arg8[%get3A_660, %get3A_661, %get3A_662] {strides = array<i32>} : memref<3x128x64xi32, #tpu.memory_space<vmem>>, vector<16xi32>,
          %shift_left3A_664 = arith.constant 16 : i32
          %shift_left3A_665 = vector.broadcast %shift_left3A_664 : i32 to vector<16xi32>
          %shift_left3A_666 = arith.shli %get3A_663, %shift_left3A_665 : vector<16xi32>
          %bitcast3A_667 = vector.bitcast %shift_left3A_666 : vector<16xi32> to vector<16xf32>
          %and3A_668 = arith.andi %get3A_663, %broadcast_in_dim3A_12 : vector<16xi32>
          %bitcast3A_669 = vector.bitcast %and3A_668 : vector<16xi32> to vector<16xf32>
          %broadcast_in_dim3A_670 = arith.constant 0 : i32
          %broadcast_in_dim3A_671 = vector.broadcast %broadcast_in_dim3A_670 : i32 to vector<16xi32>
          %add3A_672 = vector.broadcast %select_n3A_641 : i32 to vector<16xi32>
          %add3A_673 = arith.addi %broadcast_in_dim3A_671, %add3A_672 : vector<16xi32>
          %mul3A_674 = arith.constant 2 : i32
          %mul3A_675 = vector.broadcast %mul3A_674 : i32 to vector<16xi32>
          %mul3A_676 = arith.muli %iota3A, %mul3A_675 : vector<16xi32>
          %mul3A_677 = arith.constant 32 : i32
          %mul3A_678 = arith.muli %select_n3A_657, %mul3A_677 : i32
          %add3A_679 = vector.broadcast %mul3A_678 : i32 to vector<16xi32>
          %add3A_680 = arith.addi %mul3A_676, %add3A_679 : vector<16xi32>
          tpu.vector_store_idx %arg9[%add3A_673, %add3A_680], %bitcast3A_667 : memref<128x128xf32, #tpu.memory_space<vmem>>[vector<16xi32>, vector<16xi32>], vector<16xf32>,
          %add3A_681 = arith.constant 1 : i32
          %add3A_682 = vector.broadcast %add3A_681 : i32 to vector<16xi32>
          %add3A_683 = arith.addi %add3A_680, %add3A_682 : vector<16xi32>
          tpu.vector_store_idx %arg9[%add3A_673, %add3A_683], %bitcast3A_669 : memref<128x128xf32, #tpu.memory_space<vmem>>[vector<16xi32>, vector<16xi32>], vector<16xf32>,
        }
        %scan3A_109 = arith.constant 512 : i32
        %add3A_110 = arith.constant 3 : i32
        %add3A_111 = arith.addi %add3A_84, %add3A_110 : i32
        %lt3A_112 = arith.constant 16 : i32
        %lt3A_113 = arith.cmpi slt, %add3A_111, %lt3A_112 : i32
        %convert_element_type3A = arith.extui %lt3A_113 : i1 to i32
        %cond3A = arith.constant 0 : i32
        %cond3A_114 = arith.cmpi ne, %convert_element_type3A, %cond3A : i32
        scf.if %cond3A_114 {
          %dma_start3A_115 = arith.constant 0 : i32
          %dma_start3A_116 = arith.constant 0 : i32
          %dma_start3A_117 = tpu.memref_slice %arg8[%select_n3A_93, %dma_start3A_115, %dma_start3A_116] : memref<3x128x64xi32, #tpu.memory_space<vmem>> -> memref<1x128x64xi32, #tpu.memory_space<vmem>>
          %dma_start3A_118 = tpu.memref_squeeze %dma_start3A_117 : memref<1x128x64xi32, #tpu.memory_space<vmem>> -> memref<128x64xi32, #tpu.memory_space<vmem>>
          %dma_start3A_119 = arith.constant 0 : i32
          %dma_start3A_120 = tpu.memref_slice %arg7[%add3A_111, %dma_start3A_119] : memref<16x128xi32, #tpu.memory_space<vmem>> -> memref<1x128xi32, #tpu.memory_space<vmem>>
          %dma_start3A_121 = tpu.memref_squeeze %dma_start3A_120 : memref<1x128xi32, #tpu.memory_space<vmem>> -> memref<128xi32, #tpu.memory_space<vmem>>
          %dma_start3A_122 = arith.constant 0 : i32
          %dma_start3A_123 = arith.constant 0 : i32
          %dma_start3A_124 = tpu.memref_slice %arg2[%dma_start3A_122, %dma_start3A_123] : memref<10240x64xi32, #tpu.memory_space<hbm>> -> memref<10240x64xi32, #tpu.memory_space<hbm>>
          %dma_start3A_125 = tpu.memref_slice %arg11[%select_n3A_93] : memref<3x!tpu.dma_semaphore, #tpu.memory_space<semaphore_mem>> -> memref<1x!tpu.dma_semaphore, #tpu.memory_space<semaphore_mem>>
          %dma_start3A_126 = tpu.memref_squeeze %dma_start3A_125 : memref<1x!tpu.dma_semaphore, #tpu.memory_space<semaphore_mem>> -> memref<!tpu.dma_semaphore, #tpu.memory_space<semaphore_mem>>
          tpu.enqueue_indirect_dma source(%dma_start3A_124 : memref<10240x64xi32, #tpu.memory_space<hbm>>) target(%dma_start3A_118 : memref<128x64xi32, #tpu.memory_space<vmem>>) offsets(%dma_start3A_121 : memref<128xi32, #tpu.memory_space<vmem>>) semaphore(%dma_start3A_126 : memref<!tpu.dma_semaphore, #tpu.memory_space<semaphore_mem>>)
        } else {
        }
        "tpu.region"() ({
          %run_scoped3A = tpu.sem_alloc : memref<!tpu.dma_semaphore, #tpu.memory_space<semaphore_mem>>
          %dma_start3A_115 = arith.constant 0 : i32
          %dma_start3A_116 = tpu.memref_slice %arg6[%add3A_84, %dma_start3A_115] : memref<16x128xi32, #tpu.memory_space<vmem>> -> memref<1x128xi32, #tpu.memory_space<vmem>>
          %dma_start3A_117 = tpu.memref_squeeze %dma_start3A_116 : memref<1x128xi32, #tpu.memory_space<vmem>> -> memref<128xi32, #tpu.memory_space<vmem>>
          %dma_start3A_118 = arith.constant 0 : i32
          %dma_start3A_119 = arith.constant 0 : i32
          %dma_start3A_120 = tpu.memref_slice %arg10[%dma_start3A_118, %dma_start3A_119] : memref<10240x128xf32, #tpu.memory_space<vmem_shared>> -> memref<10240x128xf32, #tpu.memory_space<vmem_shared>>
          tpu.enqueue_indirect_dma source(%arg9 : memref<128x128xf32, #tpu.memory_space<vmem>>) target(%dma_start3A_120 : memref<10240x128xf32, #tpu.memory_space<vmem_shared>>) offsets(%dma_start3A_117 : memref<128xi32, #tpu.memory_space<vmem>>) semaphore(%run_scoped3A : memref<!tpu.dma_semaphore, #tpu.memory_space<semaphore_mem>>) {add = true}
          %dma_wait3A_121 = arith.constant 0 : i32
          %dma_wait3A_122 = tpu.memref_slice %arg6[%add3A_84, %dma_wait3A_121] : memref<16x128xi32, #tpu.memory_space<vmem>> -> memref<1x128xi32, #tpu.memory_space<vmem>>
          %dma_wait3A_123 = tpu.memref_squeeze %dma_wait3A_122 : memref<1x128xi32, #tpu.memory_space<vmem>> -> memref<128xi32, #tpu.memory_space<vmem>>
          %dma_wait3A_124 = arith.constant 0 : i32
          %dma_wait3A_125 = arith.constant 0 : i32
          %dma_wait3A_126 = tpu.memref_slice %arg10[%dma_wait3A_124, %dma_wait3A_125] : memref<10240x128xf32, #tpu.memory_space<vmem_shared>> -> memref<10240x128xf32, #tpu.memory_space<vmem_shared>>
          tpu.wait_indirect_dma semaphore(%run_scoped3A : memref<!tpu.dma_semaphore, #tpu.memory_space<semaphore_mem>>) src(%arg9 : memref<128x128xf32, #tpu.memory_space<vmem>>) dst(%dma_wait3A_126 : memref<10240x128xf32, #tpu.memory_space<vmem_shared>>)
          tpu.yield
        }) : () -> ()
      }
      %scan3A_79 = arith.constant 16 : i32
    }
    %scan3A_17 = arith.constant 5 : i32
    %barrier3A_18 = arith.constant 0 : index
    tpu.barrier barrier_id(%barrier3A_18)
    %mul3A_19 = arith.constant 640 : i32
    %mul3A_20 = arith.muli %arg1, %mul3A_19 : i32
    %mul3A_21 = arith.constant 640 : i32
    %mul3A_22 = arith.muli %arg1, %mul3A_21 : i32
    "tpu.region"() ({
      %run_scoped3A = tpu.sem_alloc : memref<!tpu.dma_semaphore, #tpu.memory_space<semaphore_mem>>
      %dma_start3A = arith.constant 0 : i32
      %dma_start3A_23 = tpu.memref_slice %arg5[%arg0, %mul3A_22, %dma_start3A] : memref<2x10240x128xf32, #tpu.memory_space<hbm>> -> memref<1x640x128xf32, #tpu.memory_space<hbm>>
      %dma_start3A_24 = tpu.memref_squeeze %dma_start3A_23 : memref<1x640x128xf32, #tpu.memory_space<hbm>> -> memref<640x128xf32, #tpu.memory_space<hbm>>
      %dma_start3A_25 = arith.constant 0 : i32
      %dma_start3A_26 = tpu.memref_slice %arg10[%mul3A_20, %dma_start3A_25] : memref<10240x128xf32, #tpu.memory_space<vmem_shared>> -> memref<640x128xf32, #tpu.memory_space<vmem_shared>>
      tpu.enqueue_dma source(%dma_start3A_26 : memref<640x128xf32, #tpu.memory_space<vmem_shared>>) target(%dma_start3A_24 : memref<640x128xf32, #tpu.memory_space<hbm>>) target_semaphore(%run_scoped3A : memref<!tpu.dma_semaphore, #tpu.memory_space<semaphore_mem>>)
      %dma_wait3A = arith.constant 0 : i32
      %dma_wait3A_27 = tpu.memref_slice %arg5[%arg0, %mul3A_22, %dma_wait3A] : memref<2x10240x128xf32, #tpu.memory_space<hbm>> -> memref<1x640x128xf32, #tpu.memory_space<hbm>>
      %dma_wait3A_28 = tpu.memref_squeeze %dma_wait3A_27 : memref<1x640x128xf32, #tpu.memory_space<hbm>> -> memref<640x128xf32, #tpu.memory_space<hbm>>
      %dma_wait3A_29 = arith.constant 0 : i32
      %dma_wait3A_30 = tpu.memref_slice %arg10[%mul3A_20, %dma_wait3A_29] : memref<10240x128xf32, #tpu.memory_space<vmem_shared>> -> memref<640x128xf32, #tpu.memory_space<vmem_shared>>
      tpu.wait_dma2 semaphore(%run_scoped3A : memref<!tpu.dma_semaphore, #tpu.memory_space<semaphore_mem>>) src(%dma_wait3A_30 : memref<640x128xf32, #tpu.memory_space<vmem_shared>>) dst(%dma_wait3A_28 : memref<640x128xf32, #tpu.memory_space<hbm>>)
      tpu.yield
    }) : () -> ()
    return
  }
}

#map = affine_map<(d0, d1) -> (0, 0)>
#map1 = affine_map<(d0, d1) -> (0, 0, 0)>
module attributes {stable_mosaic.version = 14 : i64} {
  func.func @_spmm(%arg0: i32, %arg1: i32, %arg2: memref<10240x64xi32, #tpu.memory_space<hbm>>, %arg3: memref<2560x128xi32, #tpu.memory_space<hbm>>, %arg4: memref<2560x128xi32, #tpu.memory_space<hbm>>, %arg5: memref<2x10240x128xf32, #tpu.memory_space<hbm>>, %arg6: memref<16x128xi32, #tpu.memory_space<vmem>>, %arg7: memref<16x128xi32, #tpu.memory_space<vmem>>, %arg8: memref<3x128x64xi32, #tpu.memory_space<vmem>>, %arg9: memref<128x128xf32, #tpu.memory_space<vmem>>, %arg10: memref<10240x128xf32, #tpu.memory_space<vmem_shared>>, %arg11: memref<3x!tpu.dma_semaphore, #tpu.memory_space<semaphore_mem>>) attributes {dimension_semantics = [#tpu.dimension_semantics<core_parallel>, #tpu.dimension_semantics<subcore_parallel>], iteration_bounds = array<i64: 2, 16>, scalar_prefetch = 0 : i64, scratch_operands = 6 : i64, tpu.core_type = #tpu.core_type<sc_vector_subcore>, window_params = [{transform_indices = #map}, {transform_indices = #map}, {transform_indices = #map}, {transform_indices = #map1}]} {
    %mul3A = arith.constant 16 : i32
    %mul3A_0 = arith.muli %arg0, %mul3A : i32
    %add3A = arith.addi %mul3A_0, %arg1 : i32
    %mul3A_1 = arith.constant 80 : i32
    %mul3A_2 = arith.muli %add3A, %mul3A_1 : i32
    %scan3A = arith.constant 0 : i32
    %scan3A_3 = arith.constant 1024 : i32
    %scan3A_4 = arith.addi %scan3A, %scan3A_3 : i32
    %scan3A_5 = arith.constant 1 : i32
    scf.for %scan3A_23 = %scan3A to %scan3A_4 step %scan3A_5  : i32 {
      %mul3A_24 = arith.constant 1 : i32
      %mul3A_25 = arith.muli %scan3A_23, %mul3A_24 : i32
      %add3A_26 = arith.constant 0 : i32
      %add3A_27 = arith.addi %add3A_26, %mul3A_25 : i32
      %broadcast_in_dim3A_28 = arith.constant 0.000000e+00 : f32
      %broadcast_in_dim3A_29 = vector.broadcast %broadcast_in_dim3A_28 : f32 to vector<16xf32>
      %jit3A = arith.constant 8 : i32
      %div3A = arith.divsi %add3A_27, %jit3A : i32
      %sign3A = arith.constant 0 : i32
      %sign3A_30 = arith.cmpi sgt, %add3A_27, %sign3A : i32
      %sign3A_31 = arith.extui %sign3A_30 : i1 to i32
      %sign3A_32 = arith.constant 0 : i32
      %sign3A_33 = arith.cmpi slt, %add3A_27, %sign3A_32 : i32
      %sign3A_34 = arith.extui %sign3A_33 : i1 to i32
      %sign3A_35 = arith.subi %sign3A_31, %sign3A_34 : i32
      %sign3A_36 = arith.constant 0 : i32
      %sign3A_37 = arith.cmpi sgt, %jit3A, %sign3A_36 : i32
      %sign3A_38 = arith.extui %sign3A_37 : i1 to i32
      %sign3A_39 = arith.constant 0 : i32
      %sign3A_40 = arith.cmpi slt, %jit3A, %sign3A_39 : i32
      %sign3A_41 = arith.extui %sign3A_40 : i1 to i32
      %sign3A_42 = arith.subi %sign3A_38, %sign3A_41 : i32
      %ne3A = arith.cmpi ne, %sign3A_35, %sign3A_42 : i32
      %rem3A = arith.remsi %add3A_27, %jit3A : i32
      %ne3A_43 = arith.constant 0 : i32
      %ne3A_44 = arith.cmpi ne, %rem3A, %ne3A_43 : i32
      %and3A = arith.andi %ne3A, %ne3A_44 : i1
      %sub3A = arith.constant 1 : i32
      %sub3A_45 = arith.subi %div3A, %sub3A : i32
      %select_n3A = arith.select %and3A, %sub3A_45, %div3A : i32
      %jit3A_46 = arith.constant 8 : i32
      %eq3A = arith.constant 0 : i32
      %eq3A_47 = arith.cmpi eq, %jit3A_46, %eq3A : i32
      %jit3A_48 = arith.constant 1 : i32
      %select_n3A_49 = arith.select %eq3A_47, %jit3A_48, %jit3A_46 : i32
      %rem3A_50 = arith.remsi %add3A_27, %select_n3A_49 : i32
      %ne3A_51 = arith.constant 0 : i32
      %ne3A_52 = arith.cmpi ne, %rem3A_50, %ne3A_51 : i32
      %lt3A = arith.constant 0 : i32
      %lt3A_53 = arith.cmpi slt, %rem3A_50, %lt3A : i32
      %lt3A_54 = arith.constant 0 : i32
      %lt3A_55 = arith.cmpi slt, %select_n3A_49, %lt3A_54 : i32
      %ne3A_56 = arith.xori %lt3A_53, %lt3A_55 : i1
      %and3A_57 = arith.andi %ne3A_56, %ne3A_52 : i1
      %add3A_58 = arith.addi %rem3A_50, %select_n3A_49 : i32
      %select_n3A_59 = arith.select %and3A_57, %add3A_58, %rem3A_50 : i32
      %mul3A_60 = arith.constant 16 : i32
      %mul3A_61 = arith.muli %select_n3A_59, %mul3A_60 : i32
      %swap3A = arith.index_cast %select_n3A : i32 to index
      %swap3A_62 = arith.index_cast %mul3A_61 : i32 to index
      %swap3A_63 = tpu.vector_load %arg9[%swap3A, %swap3A_62] {strides = array<i32>} : memref<128x128xf32, #tpu.memory_space<vmem>>, vector<16xf32>,
      tpu.vector_store %arg9[%swap3A, %swap3A_62], %broadcast_in_dim3A_29 {strides = array<i32>} : memref<128x128xf32, #tpu.memory_space<vmem>>, vector<16xf32>,
    }
    %scan3A_6 = arith.constant 1024 : i32
    %scan3A_7 = arith.constant 0 : i32
    %scan3A_8 = arith.constant 5 : i32
    %scan3A_9 = arith.addi %scan3A_7, %scan3A_8 : i32
    %scan3A_10 = arith.constant 1 : i32
    scf.for %scan3A_23 = %scan3A_7 to %scan3A_9 step %scan3A_10  : i32 {
      %mul3A_24 = arith.constant 1 : i32
      %mul3A_25 = arith.muli %scan3A_23, %mul3A_24 : i32
      %add3A_26 = arith.constant 0 : i32
      %add3A_27 = arith.addi %add3A_26, %mul3A_25 : i32
      %mul3A_28 = arith.constant 640 : i32
      %mul3A_29 = arith.muli %arg1, %mul3A_28 : i32
      %mul3A_30 = arith.constant 128 : i32
      %mul3A_31 = arith.muli %add3A_27, %mul3A_30 : i32
      %add3A_32 = arith.addi %mul3A_29, %mul3A_31 : i32
      "tpu.region"() ({
        %run_scoped3A = tpu.sem_alloc : memref<!tpu.dma_semaphore, #tpu.memory_space<semaphore_mem>>
        %dma_start3A = arith.constant 0 : i32
        %dma_start3A_33 = tpu.memref_slice %arg10[%add3A_32, %dma_start3A] : memref<10240x128xf32, #tpu.memory_space<vmem_shared>> -> memref<128x128xf32, #tpu.memory_space<vmem_shared>>
        %dma_start3A_34 = arith.constant 0 : i32
        %dma_start3A_35 = tpu.memref_slice %arg10[%add3A_32, %dma_start3A_34] : memref<10240x128xf32, #tpu.memory_space<vmem_shared>> -> memref<128x128xf32, #tpu.memory_space<vmem_shared>>
        tpu.enqueue_dma source(%arg9 : memref<128x128xf32, #tpu.memory_space<vmem>>) target(%dma_start3A_35 : memref<128x128xf32, #tpu.memory_space<vmem_shared>>) target_semaphore(%run_scoped3A : memref<!tpu.dma_semaphore, #tpu.memory_space<semaphore_mem>>)
        %dma_wait3A = arith.constant 0 : i32
        %dma_wait3A_36 = tpu.memref_slice %arg10[%add3A_32, %dma_wait3A] : memref<10240x128xf32, #tpu.memory_space<vmem_shared>> -> memref<128x128xf32, #tpu.memory_space<vmem_shared>>
        %dma_wait3A_37 = arith.constant 0 : i32
        %dma_wait3A_38 = tpu.memref_slice %arg10[%add3A_32, %dma_wait3A_37] : memref<10240x128xf32, #tpu.memory_space<vmem_shared>> -> memref<128x128xf32, #tpu.memory_space<vmem_shared>>
        tpu.wait_dma2 semaphore(%run_scoped3A : memref<!tpu.dma_semaphore, #tpu.memory_space<semaphore_mem>>) src(%arg9 : memref<128x128xf32, #tpu.memory_space<vmem>>) dst(%dma_wait3A_38 : memref<128x128xf32, #tpu.memory_space<vmem_shared>>)
        tpu.yield
      }) : () -> ()
    }
    %scan3A_11 = arith.constant 5 : i32
    %barrier3A = arith.constant 0 : index
    tpu.barrier barrier_id(%barrier3A)
    %iota3A = tpu.iota {dimensions = array<i32: 0>} : vector<16xi32>
    %broadcast_in_dim3A = arith.constant -65536 : i32
    %broadcast_in_dim3A_12 = vector.broadcast %broadcast_in_dim3A : i32 to vector<16xi32>
    %scan3A_13 = arith.constant 0 : i32
    %scan3A_14 = arith.constant 5 : i32
    %scan3A_15 = arith.addi %scan3A_13, %scan3A_14 : i32
    %scan3A_16 = arith.constant 1 : i32
    scf.for %scan3A_23 = %scan3A_13 to %scan3A_15 step %scan3A_16  : i32 {
      %mul3A_24 = arith.constant 1 : i32
      %mul3A_25 = arith.muli %scan3A_23, %mul3A_24 : i32
      %add3A_26 = arith.constant 0 : i32
      %add3A_27 = arith.addi %add3A_26, %mul3A_25 : i32
      %mul3A_28 = arith.constant 16 : i32
      %mul3A_29 = arith.muli %add3A_27, %mul3A_28 : i32
      %add3A_30 = arith.addi %mul3A_2, %mul3A_29 : i32
      "tpu.region"() ({
        %run_scoped3A = tpu.sem_alloc : memref<!tpu.dma_semaphore, #tpu.memory_space<semaphore_mem>>
        %dma_start3A_80 = arith.constant 0 : i32
        %dma_start3A_81 = tpu.memref_slice %arg3[%add3A_30, %dma_start3A_80] : memref<2560x128xi32, #tpu.memory_space<hbm>> -> memref<16x128xi32, #tpu.memory_space<hbm>>
        %dma_start3A_82 = arith.constant 0 : i32
        %dma_start3A_83 = tpu.memref_slice %arg3[%add3A_30, %dma_start3A_82] : memref<2560x128xi32, #tpu.memory_space<hbm>> -> memref<16x128xi32, #tpu.memory_space<hbm>>
        tpu.enqueue_dma source(%dma_start3A_83 : memref<16x128xi32, #tpu.memory_space<hbm>>) target(%arg6 : memref<16x128xi32, #tpu.memory_space<vmem>>) target_semaphore(%run_scoped3A : memref<!tpu.dma_semaphore, #tpu.memory_space<semaphore_mem>>)
        %dma_wait3A = arith.constant 0 : i32
        %dma_wait3A_84 = tpu.memref_slice %arg3[%add3A_30, %dma_wait3A] : memref<2560x128xi32, #tpu.memory_space<hbm>> -> memref<16x128xi32, #tpu.memory_space<hbm>>
        %dma_wait3A_85 = arith.constant 0 : i32
        %dma_wait3A_86 = tpu.memref_slice %arg3[%add3A_30, %dma_wait3A_85] : memref<2560x128xi32, #tpu.memory_space<hbm>> -> memref<16x128xi32, #tpu.memory_space<hbm>>
        tpu.wait_dma2 semaphore(%run_scoped3A : memref<!tpu.dma_semaphore, #tpu.memory_space<semaphore_mem>>) src(%dma_wait3A_86 : memref<16x128xi32, #tpu.memory_space<hbm>>) dst(%arg6 : memref<16x128xi32, #tpu.memory_space<vmem>>)
        tpu.yield
      }) : () -> ()
      "tpu.region"() ({
        %run_scoped3A = tpu.sem_alloc : memref<!tpu.dma_semaphore, #tpu.memory_space<semaphore_mem>>
        %dma_start3A_80 = arith.constant 0 : i32
        %dma_start3A_81 = tpu.memref_slice %arg4[%add3A_30, %dma_start3A_80] : memref<2560x128xi32, #tpu.memory_space<hbm>> -> memref<16x128xi32, #tpu.memory_space<hbm>>
        %dma_start3A_82 = arith.constant 0 : i32
        %dma_start3A_83 = tpu.memref_slice %arg4[%add3A_30, %dma_start3A_82] : memref<2560x128xi32, #tpu.memory_space<hbm>> -> memref<16x128xi32, #tpu.memory_space<hbm>>
        tpu.enqueue_dma source(%dma_start3A_83 : memref<16x128xi32, #tpu.memory_space<hbm>>) target(%arg7 : memref<16x128xi32, #tpu.memory_space<vmem>>) target_semaphore(%run_scoped3A : memref<!tpu.dma_semaphore, #tpu.memory_space<semaphore_mem>>)
        %dma_wait3A = arith.constant 0 : i32
        %dma_wait3A_84 = tpu.memref_slice %arg4[%add3A_30, %dma_wait3A] : memref<2560x128xi32, #tpu.memory_space<hbm>> -> memref<16x128xi32, #tpu.memory_space<hbm>>
        %dma_wait3A_85 = arith.constant 0 : i32
        %dma_wait3A_86 = tpu.memref_slice %arg4[%add3A_30, %dma_wait3A_85] : memref<2560x128xi32, #tpu.memory_space<hbm>> -> memref<16x128xi32, #tpu.memory_space<hbm>>
        tpu.wait_dma2 semaphore(%run_scoped3A : memref<!tpu.dma_semaphore, #tpu.memory_space<semaphore_mem>>) src(%dma_wait3A_86 : memref<16x128xi32, #tpu.memory_space<hbm>>) dst(%arg7 : memref<16x128xi32, #tpu.memory_space<vmem>>)
        tpu.yield
      }) : () -> ()
      %dma_start3A = arith.constant 0 : i32
      %dma_start3A_31 = arith.constant 0 : i32
      %dma_start3A_32 = arith.constant 0 : i32
      %dma_start3A_33 = arith.constant 0 : i32
      %dma_start3A_34 = arith.constant 0 : i32
      %dma_start3A_35 = tpu.memref_slice %arg8[%dma_start3A_31, %dma_start3A_33, %dma_start3A_34] : memref<3x128x64xi32, #tpu.memory_space<vmem>> -> memref<1x128x64xi32, #tpu.memory_space<vmem>>
      %dma_start3A_36 = tpu.memref_squeeze %dma_start3A_35 : memref<1x128x64xi32, #tpu.memory_space<vmem>> -> memref<128x64xi32, #tpu.memory_space<vmem>>
      %dma_start3A_37 = arith.constant 0 : i32
      %dma_start3A_38 = tpu.memref_slice %arg7[%dma_start3A, %dma_start3A_37] : memref<16x128xi32, #tpu.memory_space<vmem>> -> memref<1x128xi32, #tpu.memory_space<vmem>>
      %dma_start3A_39 = tpu.memref_squeeze %dma_start3A_38 : memref<1x128xi32, #tpu.memory_space<vmem>> -> memref<128xi32, #tpu.memory_space<vmem>>
      %dma_start3A_40 = arith.constant 0 : i32
      %dma_start3A_41 = arith.constant 0 : i32
      %dma_start3A_42 = tpu.memref_slice %arg2[%dma_start3A_40, %dma_start3A_41] : memref<10240x64xi32, #tpu.memory_space<hbm>> -> memref<10240x64xi32, #tpu.memory_space<hbm>>
      %dma_start3A_43 = tpu.memref_slice %arg11[%dma_start3A_32] : memref<3x!tpu.dma_semaphore, #tpu.memory_space<semaphore_mem>> -> memref<1x!tpu.dma_semaphore, #tpu.memory_space<semaphore_mem>>
      %dma_start3A_44 = tpu.memref_squeeze %dma_start3A_43 : memref<1x!tpu.dma_semaphore, #tpu.memory_space<semaphore_mem>> -> memref<!tpu.dma_semaphore, #tpu.memory_space<semaphore_mem>>
      tpu.enqueue_indirect_dma source(%dma_start3A_42 : memref<10240x64xi32, #tpu.memory_space<hbm>>) target(%dma_start3A_36 : memref<128x64xi32, #tpu.memory_space<vmem>>) offsets(%dma_start3A_39 : memref<128xi32, #tpu.memory_space<vmem>>) semaphore(%dma_start3A_44 : memref<!tpu.dma_semaphore, #tpu.memory_space<semaphore_mem>>)
      %dma_start3A_45 = arith.constant 1 : i32
      %dma_start3A_46 = arith.constant 1 : i32
      %dma_start3A_47 = arith.constant 1 : i32
      %dma_start3A_48 = arith.constant 0 : i32
      %dma_start3A_49 = arith.constant 0 : i32
      %dma_start3A_50 = tpu.memref_slice %arg8[%dma_start3A_46, %dma_start3A_48, %dma_start3A_49] : memref<3x128x64xi32, #tpu.memory_space<vmem>> -> memref<1x128x64xi32, #tpu.memory_space<vmem>>
      %dma_start3A_51 = tpu.memref_squeeze %dma_start3A_50 : memref<1x128x64xi32, #tpu.memory_space<vmem>> -> memref<128x64xi32, #tpu.memory_space<vmem>>
      %dma_start3A_52 = arith.constant 0 : i32
      %dma_start3A_53 = tpu.memref_slice %arg7[%dma_start3A_45, %dma_start3A_52] : memref<16x128xi32, #tpu.memory_space<vmem>> -> memref<1x128xi32, #tpu.memory_space<vmem>>
      %dma_start3A_54 = tpu.memref_squeeze %dma_start3A_53 : memref<1x128xi32, #tpu.memory_space<vmem>> -> memref<128xi32, #tpu.memory_space<vmem>>
      %dma_start3A_55 = arith.constant 0 : i32
      %dma_start3A_56 = arith.constant 0 : i32
      %dma_start3A_57 = tpu.memref_slice %arg2[%dma_start3A_55, %dma_start3A_56] : memref<10240x64xi32, #tpu.memory_space<hbm>> -> memref<10240x64xi32, #tpu.memory_space<hbm>>
      %dma_start3A_58 = tpu.memref_slice %arg11[%dma_start3A_47] : memref<3x!tpu.dma_semaphore, #tpu.memory_space<semaphore_mem>> -> memref<1x!tpu.dma_semaphore, #tpu.memory_space<semaphore_mem>>
      %dma_start3A_59 = tpu.memref_squeeze %dma_start3A_58 : memref<1x!tpu.dma_semaphore, #tpu.memory_space<semaphore_mem>> -> memref<!tpu.dma_semaphore, #tpu.memory_space<semaphore_mem>>
      tpu.enqueue_indirect_dma source(%dma_start3A_57 : memref<10240x64xi32, #tpu.memory_space<hbm>>) target(%dma_start3A_51 : memref<128x64xi32, #tpu.memory_space<vmem>>) offsets(%dma_start3A_54 : memref<128xi32, #tpu.memory_space<vmem>>) semaphore(%dma_start3A_59 : memref<!tpu.dma_semaphore, #tpu.memory_space<semaphore_mem>>)
      %dma_start3A_60 = arith.constant 2 : i32
      %dma_start3A_61 = arith.constant 2 : i32
      %dma_start3A_62 = arith.constant 2 : i32
      %dma_start3A_63 = arith.constant 0 : i32
      %dma_start3A_64 = arith.constant 0 : i32
      %dma_start3A_65 = tpu.memref_slice %arg8[%dma_start3A_61, %dma_start3A_63, %dma_start3A_64] : memref<3x128x64xi32, #tpu.memory_space<vmem>> -> memref<1x128x64xi32, #tpu.memory_space<vmem>>
      %dma_start3A_66 = tpu.memref_squeeze %dma_start3A_65 : memref<1x128x64xi32, #tpu.memory_space<vmem>> -> memref<128x64xi32, #tpu.memory_space<vmem>>
      %dma_start3A_67 = arith.constant 0 : i32
      %dma_start3A_68 = tpu.memref_slice %arg7[%dma_start3A_60, %dma_start3A_67] : memref<16x128xi32, #tpu.memory_space<vmem>> -> memref<1x128xi32, #tpu.memory_space<vmem>>
      %dma_start3A_69 = tpu.memref_squeeze %dma_start3A_68 : memref<1x128xi32, #tpu.memory_space<vmem>> -> memref<128xi32, #tpu.memory_space<vmem>>
      %dma_start3A_70 = arith.constant 0 : i32
      %dma_start3A_71 = arith.constant 0 : i32
      %dma_start3A_72 = tpu.memref_slice %arg2[%dma_start3A_70, %dma_start3A_71] : memref<10240x64xi32, #tpu.memory_space<hbm>> -> memref<10240x64xi32, #tpu.memory_space<hbm>>
      %dma_start3A_73 = tpu.memref_slice %arg11[%dma_start3A_62] : memref<3x!tpu.dma_semaphore, #tpu.memory_space<semaphore_mem>> -> memref<1x!tpu.dma_semaphore, #tpu.memory_space<semaphore_mem>>
      %dma_start3A_74 = tpu.memref_squeeze %dma_start3A_73 : memref<1x!tpu.dma_semaphore, #tpu.memory_space<semaphore_mem>> -> memref<!tpu.dma_semaphore, #tpu.memory_space<semaphore_mem>>
      tpu.enqueue_indirect_dma source(%dma_start3A_72 : memref<10240x64xi32, #tpu.memory_space<hbm>>) target(%dma_start3A_66 : memref<128x64xi32, #tpu.memory_space<vmem>>) offsets(%dma_start3A_69 : memref<128xi32, #tpu.memory_space<vmem>>) semaphore(%dma_start3A_74 : memref<!tpu.dma_semaphore, #tpu.memory_space<semaphore_mem>>)
      %scan3A_75 = arith.constant 0 : i32
      %scan3A_76 = arith.constant 16 : i32
      %scan3A_77 = arith.addi %scan3A_75, %scan3A_76 : i32
      %scan3A_78 = arith.constant 1 : i32
      scf.for %scan3A_80 = %scan3A_75 to %scan3A_77 step %scan3A_78  : i32 {
        %mul3A_81 = arith.constant 1 : i32
        %mul3A_82 = arith.muli %scan3A_80, %mul3A_81 : i32
        %add3A_83 = arith.constant 0 : i32
        %add3A_84 = arith.addi %add3A_83, %mul3A_82 : i32
        %jit3A = arith.constant 3 : i32
        %eq3A = arith.constant 0 : i32
        %eq3A_85 = arith.cmpi eq, %jit3A, %eq3A : i32
        %jit3A_86 = arith.constant 1 : i32
        %select_n3A = arith.select %eq3A_85, %jit3A_86, %jit3A : i32
        %rem3A = arith.remsi %add3A_84, %select_n3A : i32
        %ne3A = arith.constant 0 : i32
        %ne3A_87 = arith.cmpi ne, %rem3A, %ne3A : i32
        %lt3A = arith.constant 0 : i32
        %lt3A_88 = arith.cmpi slt, %rem3A, %lt3A : i32
        %lt3A_89 = arith.constant 0 : i32
        %lt3A_90 = arith.cmpi slt, %select_n3A, %lt3A_89 : i32
        %ne3A_91 = arith.xori %lt3A_88, %lt3A_90 : i1
        %and3A = arith.andi %ne3A_91, %ne3A_87 : i1
        %add3A_92 = arith.addi %rem3A, %select_n3A : i32
        %select_n3A_93 = arith.select %and3A, %add3A_92, %rem3A : i32
        %dma_wait3A = arith.constant 0 : i32
        %dma_wait3A_94 = arith.constant 0 : i32
        %dma_wait3A_95 = tpu.memref_slice %arg8[%select_n3A_93, %dma_wait3A, %dma_wait3A_94] : memref<3x128x64xi32, #tpu.memory_space<vmem>> -> memref<1x128x64xi32, #tpu.memory_space<vmem>>
        %dma_wait3A_96 = tpu.memref_squeeze %dma_wait3A_95 : memref<1x128x64xi32, #tpu.memory_space<vmem>> -> memref<128x64xi32, #tpu.memory_space<vmem>>
        %dma_wait3A_97 = arith.constant 0 : i32
        %dma_wait3A_98 = tpu.memref_slice %arg7[%add3A_84, %dma_wait3A_97] : memref<16x128xi32, #tpu.memory_space<vmem>> -> memref<1x128xi32, #tpu.memory_space<vmem>>
        %dma_wait3A_99 = tpu.memref_squeeze %dma_wait3A_98 : memref<1x128xi32, #tpu.memory_space<vmem>> -> memref<128xi32, #tpu.memory_space<vmem>>
        %dma_wait3A_100 = arith.constant 0 : i32
        %dma_wait3A_101 = arith.constant 0 : i32
        %dma_wait3A_102 = tpu.memref_slice %arg2[%dma_wait3A_100, %dma_wait3A_101] : memref<10240x64xi32, #tpu.memory_space<hbm>> -> memref<10240x64xi32, #tpu.memory_space<hbm>>
        %dma_wait3A_103 = tpu.memref_slice %arg11[%select_n3A_93] : memref<3x!tpu.dma_semaphore, #tpu.memory_space<semaphore_mem>> -> memref<1x!tpu.dma_semaphore, #tpu.memory_space<semaphore_mem>>
        %dma_wait3A_104 = tpu.memref_squeeze %dma_wait3A_103 : memref<1x!tpu.dma_semaphore, #tpu.memory_space<semaphore_mem>> -> memref<!tpu.dma_semaphore, #tpu.memory_space<semaphore_mem>>
        tpu.wait_indirect_dma semaphore(%dma_wait3A_104 : memref<!tpu.dma_semaphore, #tpu.memory_space<semaphore_mem>>) src(%dma_wait3A_102 : memref<10240x64xi32, #tpu.memory_space<hbm>>) dst(%dma_wait3A_96 : memref<128x64xi32, #tpu.memory_space<vmem>>)
        %scan3A_105 = arith.constant 0 : i32
        %scan3A_106 = arith.constant 512 : i32
        %scan3A_107 = arith.addi %scan3A_105, %scan3A_106 : i32
        %scan3A_108 = arith.constant 8 : i32
        scf.for %scan3A_115 = %scan3A_105 to %scan3A_107 step %scan3A_108  : i32 {
          %mul3A_116 = arith.constant 1 : i32
          %mul3A_117 = arith.muli %scan3A_115, %mul3A_116 : i32
          %add3A_118 = arith.constant 0 : i32
          %add3A_119 = arith.addi %add3A_118, %mul3A_117 : i32
          %jit3A_120 = arith.constant 4 : i32
          %div3A = arith.divsi %add3A_119, %jit3A_120 : i32
          %sign3A = arith.constant 0 : i32
          %sign3A_121 = arith.cmpi sgt, %add3A_119, %sign3A : i32
          %sign3A_122 = arith.extui %sign3A_121 : i1 to i32
          %sign3A_123 = arith.constant 0 : i32
          %sign3A_124 = arith.cmpi slt, %add3A_119, %sign3A_123 : i32
          %sign3A_125 = arith.extui %sign3A_124 : i1 to i32
          %sign3A_126 = arith.subi %sign3A_122, %sign3A_125 : i32
          %sign3A_127 = arith.constant 0 : i32
          %sign3A_128 = arith.cmpi sgt, %jit3A_120, %sign3A_127 : i32
          %sign3A_129 = arith.extui %sign3A_128 : i1 to i32
          %sign3A_130 = arith.constant 0 : i32
          %sign3A_131 = arith.cmpi slt, %jit3A_120, %sign3A_130 : i32
          %sign3A_132 = arith.extui %sign3A_131 : i1 to i32
          %sign3A_133 = arith.subi %sign3A_129, %sign3A_132 : i32
          %ne3A_134 = arith.cmpi ne, %sign3A_126, %sign3A_133 : i32
          %rem3A_135 = arith.remsi %add3A_119, %jit3A_120 : i32
          %ne3A_136 = arith.constant 0 : i32
          %ne3A_137 = arith.cmpi ne, %rem3A_135, %ne3A_136 : i32
          %and3A_138 = arith.andi %ne3A_134, %ne3A_137 : i1
          %sub3A = arith.constant 1 : i32
          %sub3A_139 = arith.subi %div3A, %sub3A : i32
          %select_n3A_140 = arith.select %and3A_138, %sub3A_139, %div3A : i32
          %jit3A_141 = arith.constant 4 : i32
          %eq3A_142 = arith.constant 0 : i32
          %eq3A_143 = arith.cmpi eq, %jit3A_141, %eq3A_142 : i32
          %jit3A_144 = arith.constant 1 : i32
          %select_n3A_145 = arith.select %eq3A_143, %jit3A_144, %jit3A_141 : i32
          %rem3A_146 = arith.remsi %add3A_119, %select_n3A_145 : i32
          %ne3A_147 = arith.constant 0 : i32
          %ne3A_148 = arith.cmpi ne, %rem3A_146, %ne3A_147 : i32
          %lt3A_149 = arith.constant 0 : i32
          %lt3A_150 = arith.cmpi slt, %rem3A_146, %lt3A_149 : i32
          %lt3A_151 = arith.constant 0 : i32
          %lt3A_152 = arith.cmpi slt, %select_n3A_145, %lt3A_151 : i32
          %ne3A_153 = arith.xori %lt3A_150, %lt3A_152 : i1
          %and3A_154 = arith.andi %ne3A_153, %ne3A_148 : i1
          %add3A_155 = arith.addi %rem3A_146, %select_n3A_145 : i32
          %select_n3A_156 = arith.select %and3A_154, %add3A_155, %rem3A_146 : i32
          %mul3A_157 = arith.constant 16 : i32
          %mul3A_158 = arith.muli %select_n3A_156, %mul3A_157 : i32
          %get3A = arith.index_cast %select_n3A_93 : i32 to index
          %get3A_159 = arith.index_cast %select_n3A_140 : i32 to index
          %get3A_160 = arith.index_cast %mul3A_158 : i32 to index
          %get3A_161 = tpu.vector_load %arg8[%get3A, %get3A_159, %get3A_160] {strides = array<i32>} : memref<3x128x64xi32, #tpu.memory_space<vmem>>, vector<16xi32>,
          %shift_left3A = arith.constant 16 : i32
          %shift_left3A_162 = vector.broadcast %shift_left3A : i32 to vector<16xi32>
          %shift_left3A_163 = arith.shli %get3A_161, %shift_left3A_162 : vector<16xi32>
          %bitcast3A = vector.bitcast %shift_left3A_163 : vector<16xi32> to vector<16xf32>
          %and3A_164 = arith.andi %get3A_161, %broadcast_in_dim3A_12 : vector<16xi32>
          %bitcast3A_165 = vector.bitcast %and3A_164 : vector<16xi32> to vector<16xf32>
          %broadcast_in_dim3A_166 = arith.constant 0 : i32
          %broadcast_in_dim3A_167 = vector.broadcast %broadcast_in_dim3A_166 : i32 to vector<16xi32>
          %add3A_168 = vector.broadcast %select_n3A_140 : i32 to vector<16xi32>
          %add3A_169 = arith.addi %broadcast_in_dim3A_167, %add3A_168 : vector<16xi32>
          %mul3A_170 = arith.constant 2 : i32
          %mul3A_171 = vector.broadcast %mul3A_170 : i32 to vector<16xi32>
          %mul3A_172 = arith.muli %iota3A, %mul3A_171 : vector<16xi32>
          %mul3A_173 = arith.constant 32 : i32
          %mul3A_174 = arith.muli %select_n3A_156, %mul3A_173 : i32
          %add3A_175 = vector.broadcast %mul3A_174 : i32 to vector<16xi32>
          %add3A_176 = arith.addi %mul3A_172, %add3A_175 : vector<16xi32>
          tpu.vector_store_idx %arg9[%add3A_169, %add3A_176], %bitcast3A : memref<128x128xf32, #tpu.memory_space<vmem>>[vector<16xi32>, vector<16xi32>], vector<16xf32>,
          %add3A_177 = arith.constant 1 : i32
          %add3A_178 = vector.broadcast %add3A_177 : i32 to vector<16xi32>
          %add3A_179 = arith.addi %add3A_176, %add3A_178 : vector<16xi32>
          tpu.vector_store_idx %arg9[%add3A_169, %add3A_179], %bitcast3A_165 : memref<128x128xf32, #tpu.memory_space<vmem>>[vector<16xi32>, vector<16xi32>], vector<16xf32>,
          %scan3A_180 = arith.constant 1 : i32
          %scan3A_181 = arith.addi %scan3A_115, %scan3A_180 : i32
          %mul3A_182 = arith.constant 1 : i32
          %mul3A_183 = arith.muli %scan3A_181, %mul3A_182 : i32
          %add3A_184 = arith.constant 0 : i32
          %add3A_185 = arith.addi %add3A_184, %mul3A_183 : i32
          %jit3A_186 = arith.constant 4 : i32
          %div3A_187 = arith.divsi %add3A_185, %jit3A_186 : i32
          %sign3A_188 = arith.constant 0 : i32
          %sign3A_189 = arith.cmpi sgt, %add3A_185, %sign3A_188 : i32
          %sign3A_190 = arith.extui %sign3A_189 : i1 to i32
          %sign3A_191 = arith.constant 0 : i32
          %sign3A_192 = arith.cmpi slt, %add3A_185, %sign3A_191 : i32
          %sign3A_193 = arith.extui %sign3A_192 : i1 to i32
          %sign3A_194 = arith.subi %sign3A_190, %sign3A_193 : i32
          %sign3A_195 = arith.constant 0 : i32
          %sign3A_196 = arith.cmpi sgt, %jit3A_186, %sign3A_195 : i32
          %sign3A_197 = arith.extui %sign3A_196 : i1 to i32
          %sign3A_198 = arith.constant 0 : i32
          %sign3A_199 = arith.cmpi slt, %jit3A_186, %sign3A_198 : i32
          %sign3A_200 = arith.extui %sign3A_199 : i1 to i32
          %sign3A_201 = arith.subi %sign3A_197, %sign3A_200 : i32
          %ne3A_202 = arith.cmpi ne, %sign3A_194, %sign3A_201 : i32
          %rem3A_203 = arith.remsi %add3A_185, %jit3A_186 : i32
          %ne3A_204 = arith.constant 0 : i32
          %ne3A_205 = arith.cmpi ne, %rem3A_203, %ne3A_204 : i32
          %and3A_206 = arith.andi %ne3A_202, %ne3A_205 : i1
          %sub3A_207 = arith.constant 1 : i32
          %sub3A_208 = arith.subi %div3A_187, %sub3A_207 : i32
          %select_n3A_209 = arith.select %and3A_206, %sub3A_208, %div3A_187 : i32
          %jit3A_210 = arith.constant 4 : i32
          %eq3A_211 = arith.constant 0 : i32
          %eq3A_212 = arith.cmpi eq, %jit3A_210, %eq3A_211 : i32
          %jit3A_213 = arith.constant 1 : i32
          %select_n3A_214 = arith.select %eq3A_212, %jit3A_213, %jit3A_210 : i32
          %rem3A_215 = arith.remsi %add3A_185, %select_n3A_214 : i32
          %ne3A_216 = arith.constant 0 : i32
          %ne3A_217 = arith.cmpi ne, %rem3A_215, %ne3A_216 : i32
          %lt3A_218 = arith.constant 0 : i32
          %lt3A_219 = arith.cmpi slt, %rem3A_215, %lt3A_218 : i32
          %lt3A_220 = arith.constant 0 : i32
          %lt3A_221 = arith.cmpi slt, %select_n3A_214, %lt3A_220 : i32
          %ne3A_222 = arith.xori %lt3A_219, %lt3A_221 : i1
          %and3A_223 = arith.andi %ne3A_222, %ne3A_217 : i1
          %add3A_224 = arith.addi %rem3A_215, %select_n3A_214 : i32
          %select_n3A_225 = arith.select %and3A_223, %add3A_224, %rem3A_215 : i32
          %mul3A_226 = arith.constant 16 : i32
          %mul3A_227 = arith.muli %select_n3A_225, %mul3A_226 : i32
          %get3A_228 = arith.index_cast %select_n3A_93 : i32 to index
          %get3A_229 = arith.index_cast %select_n3A_209 : i32 to index
          %get3A_230 = arith.index_cast %mul3A_227 : i32 to index
          %get3A_231 = tpu.vector_load %arg8[%get3A_228, %get3A_229, %get3A_230] {strides = array<i32>} : memref<3x128x64xi32, #tpu.memory_space<vmem>>, vector<16xi32>,
          %shift_left3A_232 = arith.constant 16 : i32
          %shift_left3A_233 = vector.broadcast %shift_left3A_232 : i32 to vector<16xi32>
          %shift_left3A_234 = arith.shli %get3A_231, %shift_left3A_233 : vector<16xi32>
          %bitcast3A_235 = vector.bitcast %shift_left3A_234 : vector<16xi32> to vector<16xf32>
          %and3A_236 = arith.andi %get3A_231, %broadcast_in_dim3A_12 : vector<16xi32>
          %bitcast3A_237 = vector.bitcast %and3A_236 : vector<16xi32> to vector<16xf32>
          %broadcast_in_dim3A_238 = arith.constant 0 : i32
          %broadcast_in_dim3A_239 = vector.broadcast %broadcast_in_dim3A_238 : i32 to vector<16xi32>
          %add3A_240 = vector.broadcast %select_n3A_209 : i32 to vector<16xi32>
          %add3A_241 = arith.addi %broadcast_in_dim3A_239, %add3A_240 : vector<16xi32>
          %mul3A_242 = arith.constant 2 : i32
          %mul3A_243 = vector.broadcast %mul3A_242 : i32 to vector<16xi32>
          %mul3A_244 = arith.muli %iota3A, %mul3A_243 : vector<16xi32>
          %mul3A_245 = arith.constant 32 : i32
          %mul3A_246 = arith.muli %select_n3A_225, %mul3A_245 : i32
          %add3A_247 = vector.broadcast %mul3A_246 : i32 to vector<16xi32>
          %add3A_248 = arith.addi %mul3A_244, %add3A_247 : vector<16xi32>
          tpu.vector_store_idx %arg9[%add3A_241, %add3A_248], %bitcast3A_235 : memref<128x128xf32, #tpu.memory_space<vmem>>[vector<16xi32>, vector<16xi32>], vector<16xf32>,
          %add3A_249 = arith.constant 1 : i32
          %add3A_250 = vector.broadcast %add3A_249 : i32 to vector<16xi32>
          %add3A_251 = arith.addi %add3A_248, %add3A_250 : vector<16xi32>
          tpu.vector_store_idx %arg9[%add3A_241, %add3A_251], %bitcast3A_237 : memref<128x128xf32, #tpu.memory_space<vmem>>[vector<16xi32>, vector<16xi32>], vector<16xf32>,
          %scan3A_252 = arith.constant 2 : i32
          %scan3A_253 = arith.addi %scan3A_115, %scan3A_252 : i32
          %mul3A_254 = arith.constant 1 : i32
          %mul3A_255 = arith.muli %scan3A_253, %mul3A_254 : i32
          %add3A_256 = arith.constant 0 : i32
          %add3A_257 = arith.addi %add3A_256, %mul3A_255 : i32
          %jit3A_258 = arith.constant 4 : i32
          %div3A_259 = arith.divsi %add3A_257, %jit3A_258 : i32
          %sign3A_260 = arith.constant 0 : i32
          %sign3A_261 = arith.cmpi sgt, %add3A_257, %sign3A_260 : i32
          %sign3A_262 = arith.extui %sign3A_261 : i1 to i32
          %sign3A_263 = arith.constant 0 : i32
          %sign3A_264 = arith.cmpi slt, %add3A_257, %sign3A_263 : i32
          %sign3A_265 = arith.extui %sign3A_264 : i1 to i32
          %sign3A_266 = arith.subi %sign3A_262, %sign3A_265 : i32
          %sign3A_267 = arith.constant 0 : i32
          %sign3A_268 = arith.cmpi sgt, %jit3A_258, %sign3A_267 : i32
          %sign3A_269 = arith.extui %sign3A_268 : i1 to i32
          %sign3A_270 = arith.constant 0 : i32
          %sign3A_271 = arith.cmpi slt, %jit3A_258, %sign3A_270 : i32
          %sign3A_272 = arith.extui %sign3A_271 : i1 to i32
          %sign3A_273 = arith.subi %sign3A_269, %sign3A_272 : i32
          %ne3A_274 = arith.cmpi ne, %sign3A_266, %sign3A_273 : i32
          %rem3A_275 = arith.remsi %add3A_257, %jit3A_258 : i32
          %ne3A_276 = arith.constant 0 : i32
          %ne3A_277 = arith.cmpi ne, %rem3A_275, %ne3A_276 : i32
          %and3A_278 = arith.andi %ne3A_274, %ne3A_277 : i1
          %sub3A_279 = arith.constant 1 : i32
          %sub3A_280 = arith.subi %div3A_259, %sub3A_279 : i32
          %select_n3A_281 = arith.select %and3A_278, %sub3A_280, %div3A_259 : i32
          %jit3A_282 = arith.constant 4 : i32
          %eq3A_283 = arith.constant 0 : i32
          %eq3A_284 = arith.cmpi eq, %jit3A_282, %eq3A_283 : i32
          %jit3A_285 = arith.constant 1 : i32
          %select_n3A_286 = arith.select %eq3A_284, %jit3A_285, %jit3A_282 : i32
          %rem3A_287 = arith.remsi %add3A_257, %select_n3A_286 : i32
          %ne3A_288 = arith.constant 0 : i32
          %ne3A_289 = arith.cmpi ne, %rem3A_287, %ne3A_288 : i32
          %lt3A_290 = arith.constant 0 : i32
          %lt3A_291 = arith.cmpi slt, %rem3A_287, %lt3A_290 : i32
          %lt3A_292 = arith.constant 0 : i32
          %lt3A_293 = arith.cmpi slt, %select_n3A_286, %lt3A_292 : i32
          %ne3A_294 = arith.xori %lt3A_291, %lt3A_293 : i1
          %and3A_295 = arith.andi %ne3A_294, %ne3A_289 : i1
          %add3A_296 = arith.addi %rem3A_287, %select_n3A_286 : i32
          %select_n3A_297 = arith.select %and3A_295, %add3A_296, %rem3A_287 : i32
          %mul3A_298 = arith.constant 16 : i32
          %mul3A_299 = arith.muli %select_n3A_297, %mul3A_298 : i32
          %get3A_300 = arith.index_cast %select_n3A_93 : i32 to index
          %get3A_301 = arith.index_cast %select_n3A_281 : i32 to index
          %get3A_302 = arith.index_cast %mul3A_299 : i32 to index
          %get3A_303 = tpu.vector_load %arg8[%get3A_300, %get3A_301, %get3A_302] {strides = array<i32>} : memref<3x128x64xi32, #tpu.memory_space<vmem>>, vector<16xi32>,
          %shift_left3A_304 = arith.constant 16 : i32
          %shift_left3A_305 = vector.broadcast %shift_left3A_304 : i32 to vector<16xi32>
          %shift_left3A_306 = arith.shli %get3A_303, %shift_left3A_305 : vector<16xi32>
          %bitcast3A_307 = vector.bitcast %shift_left3A_306 : vector<16xi32> to vector<16xf32>
          %and3A_308 = arith.andi %get3A_303, %broadcast_in_dim3A_12 : vector<16xi32>
          %bitcast3A_309 = vector.bitcast %and3A_308 : vector<16xi32> to vector<16xf32>
          %broadcast_in_dim3A_310 = arith.constant 0 : i32
          %broadcast_in_dim3A_311 = vector.broadcast %broadcast_in_dim3A_310 : i32 to vector<16xi32>
          %add3A_312 = vector.broadcast %select_n3A_281 : i32 to vector<16xi32>
          %add3A_313 = arith.addi %broadcast_in_dim3A_311, %add3A_312 : vector<16xi32>
          %mul3A_314 = arith.constant 2 : i32
          %mul3A_315 = vector.broadcast %mul3A_314 : i32 to vector<16xi32>
          %mul3A_316 = arith.muli %iota3A, %mul3A_315 : vector<16xi32>
          %mul3A_317 = arith.constant 32 : i32
          %mul3A_318 = arith.muli %select_n3A_297, %mul3A_317 : i32
          %add3A_319 = vector.broadcast %mul3A_318 : i32 to vector<16xi32>
          %add3A_320 = arith.addi %mul3A_316, %add3A_319 : vector<16xi32>
          tpu.vector_store_idx %arg9[%add3A_313, %add3A_320], %bitcast3A_307 : memref<128x128xf32, #tpu.memory_space<vmem>>[vector<16xi32>, vector<16xi32>], vector<16xf32>,
          %add3A_321 = arith.constant 1 : i32
          %add3A_322 = vector.broadcast %add3A_321 : i32 to vector<16xi32>
          %add3A_323 = arith.addi %add3A_320, %add3A_322 : vector<16xi32>
          tpu.vector_store_idx %arg9[%add3A_313, %add3A_323], %bitcast3A_309 : memref<128x128xf32, #tpu.memory_space<vmem>>[vector<16xi32>, vector<16xi32>], vector<16xf32>,
          %scan3A_324 = arith.constant 3 : i32
          %scan3A_325 = arith.addi %scan3A_115, %scan3A_324 : i32
          %mul3A_326 = arith.constant 1 : i32
          %mul3A_327 = arith.muli %scan3A_325, %mul3A_326 : i32
          %add3A_328 = arith.constant 0 : i32
          %add3A_329 = arith.addi %add3A_328, %mul3A_327 : i32
          %jit3A_330 = arith.constant 4 : i32
          %div3A_331 = arith.divsi %add3A_329, %jit3A_330 : i32
          %sign3A_332 = arith.constant 0 : i32
          %sign3A_333 = arith.cmpi sgt, %add3A_329, %sign3A_332 : i32
          %sign3A_334 = arith.extui %sign3A_333 : i1 to i32
          %sign3A_335 = arith.constant 0 : i32
          %sign3A_336 = arith.cmpi slt, %add3A_329, %sign3A_335 : i32
          %sign3A_337 = arith.extui %sign3A_336 : i1 to i32
          %sign3A_338 = arith.subi %sign3A_334, %sign3A_337 : i32
          %sign3A_339 = arith.constant 0 : i32
          %sign3A_340 = arith.cmpi sgt, %jit3A_330, %sign3A_339 : i32
          %sign3A_341 = arith.extui %sign3A_340 : i1 to i32
          %sign3A_342 = arith.constant 0 : i32
          %sign3A_343 = arith.cmpi slt, %jit3A_330, %sign3A_342 : i32
          %sign3A_344 = arith.extui %sign3A_343 : i1 to i32
          %sign3A_345 = arith.subi %sign3A_341, %sign3A_344 : i32
          %ne3A_346 = arith.cmpi ne, %sign3A_338, %sign3A_345 : i32
          %rem3A_347 = arith.remsi %add3A_329, %jit3A_330 : i32
          %ne3A_348 = arith.constant 0 : i32
          %ne3A_349 = arith.cmpi ne, %rem3A_347, %ne3A_348 : i32
          %and3A_350 = arith.andi %ne3A_346, %ne3A_349 : i1
          %sub3A_351 = arith.constant 1 : i32
          %sub3A_352 = arith.subi %div3A_331, %sub3A_351 : i32
          %select_n3A_353 = arith.select %and3A_350, %sub3A_352, %div3A_331 : i32
          %jit3A_354 = arith.constant 4 : i32
          %eq3A_355 = arith.constant 0 : i32
          %eq3A_356 = arith.cmpi eq, %jit3A_354, %eq3A_355 : i32
          %jit3A_357 = arith.constant 1 : i32
          %select_n3A_358 = arith.select %eq3A_356, %jit3A_357, %jit3A_354 : i32
          %rem3A_359 = arith.remsi %add3A_329, %select_n3A_358 : i32
          %ne3A_360 = arith.constant 0 : i32
          %ne3A_361 = arith.cmpi ne, %rem3A_359, %ne3A_360 : i32
          %lt3A_362 = arith.constant 0 : i32
          %lt3A_363 = arith.cmpi slt, %rem3A_359, %lt3A_362 : i32
          %lt3A_364 = arith.constant 0 : i32
          %lt3A_365 = arith.cmpi slt, %select_n3A_358, %lt3A_364 : i32
          %ne3A_366 = arith.xori %lt3A_363, %lt3A_365 : i1
          %and3A_367 = arith.andi %ne3A_366, %ne3A_361 : i1
          %add3A_368 = arith.addi %rem3A_359, %select_n3A_358 : i32
          %select_n3A_369 = arith.select %and3A_367, %add3A_368, %rem3A_359 : i32
          %mul3A_370 = arith.constant 16 : i32
          %mul3A_371 = arith.muli %select_n3A_369, %mul3A_370 : i32
          %get3A_372 = arith.index_cast %select_n3A_93 : i32 to index
          %get3A_373 = arith.index_cast %select_n3A_353 : i32 to index
          %get3A_374 = arith.index_cast %mul3A_371 : i32 to index
          %get3A_375 = tpu.vector_load %arg8[%get3A_372, %get3A_373, %get3A_374] {strides = array<i32>} : memref<3x128x64xi32, #tpu.memory_space<vmem>>, vector<16xi32>,
          %shift_left3A_376 = arith.constant 16 : i32
          %shift_left3A_377 = vector.broadcast %shift_left3A_376 : i32 to vector<16xi32>
          %shift_left3A_378 = arith.shli %get3A_375, %shift_left3A_377 : vector<16xi32>
          %bitcast3A_379 = vector.bitcast %shift_left3A_378 : vector<16xi32> to vector<16xf32>
          %and3A_380 = arith.andi %get3A_375, %broadcast_in_dim3A_12 : vector<16xi32>
          %bitcast3A_381 = vector.bitcast %and3A_380 : vector<16xi32> to vector<16xf32>
          %broadcast_in_dim3A_382 = arith.constant 0 : i32
          %broadcast_in_dim3A_383 = vector.broadcast %broadcast_in_dim3A_382 : i32 to vector<16xi32>
          %add3A_384 = vector.broadcast %select_n3A_353 : i32 to vector<16xi32>
          %add3A_385 = arith.addi %broadcast_in_dim3A_383, %add3A_384 : vector<16xi32>
          %mul3A_386 = arith.constant 2 : i32
          %mul3A_387 = vector.broadcast %mul3A_386 : i32 to vector<16xi32>
          %mul3A_388 = arith.muli %iota3A, %mul3A_387 : vector<16xi32>
          %mul3A_389 = arith.constant 32 : i32
          %mul3A_390 = arith.muli %select_n3A_369, %mul3A_389 : i32
          %add3A_391 = vector.broadcast %mul3A_390 : i32 to vector<16xi32>
          %add3A_392 = arith.addi %mul3A_388, %add3A_391 : vector<16xi32>
          tpu.vector_store_idx %arg9[%add3A_385, %add3A_392], %bitcast3A_379 : memref<128x128xf32, #tpu.memory_space<vmem>>[vector<16xi32>, vector<16xi32>], vector<16xf32>,
          %add3A_393 = arith.constant 1 : i32
          %add3A_394 = vector.broadcast %add3A_393 : i32 to vector<16xi32>
          %add3A_395 = arith.addi %add3A_392, %add3A_394 : vector<16xi32>
          tpu.vector_store_idx %arg9[%add3A_385, %add3A_395], %bitcast3A_381 : memref<128x128xf32, #tpu.memory_space<vmem>>[vector<16xi32>, vector<16xi32>], vector<16xf32>,
          %scan3A_396 = arith.constant 4 : i32
          %scan3A_397 = arith.addi %scan3A_115, %scan3A_396 : i32
          %mul3A_398 = arith.constant 1 : i32
          %mul3A_399 = arith.muli %scan3A_397, %mul3A_398 : i32
          %add3A_400 = arith.constant 0 : i32
          %add3A_401 = arith.addi %add3A_400, %mul3A_399 : i32
          %jit3A_402 = arith.constant 4 : i32
          %div3A_403 = arith.divsi %add3A_401, %jit3A_402 : i32
          %sign3A_404 = arith.constant 0 : i32
          %sign3A_405 = arith.cmpi sgt, %add3A_401, %sign3A_404 : i32
          %sign3A_406 = arith.extui %sign3A_405 : i1 to i32
          %sign3A_407 = arith.constant 0 : i32
          %sign3A_408 = arith.cmpi slt, %add3A_401, %sign3A_407 : i32
          %sign3A_409 = arith.extui %sign3A_408 : i1 to i32
          %sign3A_410 = arith.subi %sign3A_406, %sign3A_409 : i32
          %sign3A_411 = arith.constant 0 : i32
          %sign3A_412 = arith.cmpi sgt, %jit3A_402, %sign3A_411 : i32
          %sign3A_413 = arith.extui %sign3A_412 : i1 to i32
          %sign3A_414 = arith.constant 0 : i32
          %sign3A_415 = arith.cmpi slt, %jit3A_402, %sign3A_414 : i32
          %sign3A_416 = arith.extui %sign3A_415 : i1 to i32
          %sign3A_417 = arith.subi %sign3A_413, %sign3A_416 : i32
          %ne3A_418 = arith.cmpi ne, %sign3A_410, %sign3A_417 : i32
          %rem3A_419 = arith.remsi %add3A_401, %jit3A_402 : i32
          %ne3A_420 = arith.constant 0 : i32
          %ne3A_421 = arith.cmpi ne, %rem3A_419, %ne3A_420 : i32
          %and3A_422 = arith.andi %ne3A_418, %ne3A_421 : i1
          %sub3A_423 = arith.constant 1 : i32
          %sub3A_424 = arith.subi %div3A_403, %sub3A_423 : i32
          %select_n3A_425 = arith.select %and3A_422, %sub3A_424, %div3A_403 : i32
          %jit3A_426 = arith.constant 4 : i32
          %eq3A_427 = arith.constant 0 : i32
          %eq3A_428 = arith.cmpi eq, %jit3A_426, %eq3A_427 : i32
          %jit3A_429 = arith.constant 1 : i32
          %select_n3A_430 = arith.select %eq3A_428, %jit3A_429, %jit3A_426 : i32
          %rem3A_431 = arith.remsi %add3A_401, %select_n3A_430 : i32
          %ne3A_432 = arith.constant 0 : i32
          %ne3A_433 = arith.cmpi ne, %rem3A_431, %ne3A_432 : i32
          %lt3A_434 = arith.constant 0 : i32
          %lt3A_435 = arith.cmpi slt, %rem3A_431, %lt3A_434 : i32
          %lt3A_436 = arith.constant 0 : i32
          %lt3A_437 = arith.cmpi slt, %select_n3A_430, %lt3A_436 : i32
          %ne3A_438 = arith.xori %lt3A_435, %lt3A_437 : i1
          %and3A_439 = arith.andi %ne3A_438, %ne3A_433 : i1
          %add3A_440 = arith.addi %rem3A_431, %select_n3A_430 : i32
          %select_n3A_441 = arith.select %and3A_439, %add3A_440, %rem3A_431 : i32
          %mul3A_442 = arith.constant 16 : i32
          %mul3A_443 = arith.muli %select_n3A_441, %mul3A_442 : i32
          %get3A_444 = arith.index_cast %select_n3A_93 : i32 to index
          %get3A_445 = arith.index_cast %select_n3A_425 : i32 to index
          %get3A_446 = arith.index_cast %mul3A_443 : i32 to index
          %get3A_447 = tpu.vector_load %arg8[%get3A_444, %get3A_445, %get3A_446] {strides = array<i32>} : memref<3x128x64xi32, #tpu.memory_space<vmem>>, vector<16xi32>,
          %shift_left3A_448 = arith.constant 16 : i32
          %shift_left3A_449 = vector.broadcast %shift_left3A_448 : i32 to vector<16xi32>
          %shift_left3A_450 = arith.shli %get3A_447, %shift_left3A_449 : vector<16xi32>
          %bitcast3A_451 = vector.bitcast %shift_left3A_450 : vector<16xi32> to vector<16xf32>
          %and3A_452 = arith.andi %get3A_447, %broadcast_in_dim3A_12 : vector<16xi32>
          %bitcast3A_453 = vector.bitcast %and3A_452 : vector<16xi32> to vector<16xf32>
          %broadcast_in_dim3A_454 = arith.constant 0 : i32
          %broadcast_in_dim3A_455 = vector.broadcast %broadcast_in_dim3A_454 : i32 to vector<16xi32>
          %add3A_456 = vector.broadcast %select_n3A_425 : i32 to vector<16xi32>
          %add3A_457 = arith.addi %broadcast_in_dim3A_455, %add3A_456 : vector<16xi32>
          %mul3A_458 = arith.constant 2 : i32
          %mul3A_459 = vector.broadcast %mul3A_458 : i32 to vector<16xi32>
          %mul3A_460 = arith.muli %iota3A, %mul3A_459 : vector<16xi32>
          %mul3A_461 = arith.constant 32 : i32
          %mul3A_462 = arith.muli %select_n3A_441, %mul3A_461 : i32
          %add3A_463 = vector.broadcast %mul3A_462 : i32 to vector<16xi32>
          %add3A_464 = arith.addi %mul3A_460, %add3A_463 : vector<16xi32>
          tpu.vector_store_idx %arg9[%add3A_457, %add3A_464], %bitcast3A_451 : memref<128x128xf32, #tpu.memory_space<vmem>>[vector<16xi32>, vector<16xi32>], vector<16xf32>,
          %add3A_465 = arith.constant 1 : i32
          %add3A_466 = vector.broadcast %add3A_465 : i32 to vector<16xi32>
          %add3A_467 = arith.addi %add3A_464, %add3A_466 : vector<16xi32>
          tpu.vector_store_idx %arg9[%add3A_457, %add3A_467], %bitcast3A_453 : memref<128x128xf32, #tpu.memory_space<vmem>>[vector<16xi32>, vector<16xi32>], vector<16xf32>,
          %scan3A_468 = arith.constant 5 : i32
          %scan3A_469 = arith.addi %scan3A_115, %scan3A_468 : i32
          %mul3A_470 = arith.constant 1 : i32
          %mul3A_471 = arith.muli %scan3A_469, %mul3A_470 : i32
          %add3A_472 = arith.constant 0 : i32
          %add3A_473 = arith.addi %add3A_472, %mul3A_471 : i32
          %jit3A_474 = arith.constant 4 : i32
          %div3A_475 = arith.divsi %add3A_473, %jit3A_474 : i32
          %sign3A_476 = arith.constant 0 : i32
          %sign3A_477 = arith.cmpi sgt, %add3A_473, %sign3A_476 : i32
          %sign3A_478 = arith.extui %sign3A_477 : i1 to i32
          %sign3A_479 = arith.constant 0 : i32
          %sign3A_480 = arith.cmpi slt, %add3A_473, %sign3A_479 : i32
          %sign3A_481 = arith.extui %sign3A_480 : i1 to i32
          %sign3A_482 = arith.subi %sign3A_478, %sign3A_481 : i32
          %sign3A_483 = arith.constant 0 : i32
          %sign3A_484 = arith.cmpi sgt, %jit3A_474, %sign3A_483 : i32
          %sign3A_485 = arith.extui %sign3A_484 : i1 to i32
          %sign3A_486 = arith.constant 0 : i32
          %sign3A_487 = arith.cmpi slt, %jit3A_474, %sign3A_486 : i32
          %sign3A_488 = arith.extui %sign3A_487 : i1 to i32
          %sign3A_489 = arith.subi %sign3A_485, %sign3A_488 : i32
          %ne3A_490 = arith.cmpi ne, %sign3A_482, %sign3A_489 : i32
          %rem3A_491 = arith.remsi %add3A_473, %jit3A_474 : i32
          %ne3A_492 = arith.constant 0 : i32
          %ne3A_493 = arith.cmpi ne, %rem3A_491, %ne3A_492 : i32
          %and3A_494 = arith.andi %ne3A_490, %ne3A_493 : i1
          %sub3A_495 = arith.constant 1 : i32
          %sub3A_496 = arith.subi %div3A_475, %sub3A_495 : i32
          %select_n3A_497 = arith.select %and3A_494, %sub3A_496, %div3A_475 : i32
          %jit3A_498 = arith.constant 4 : i32
          %eq3A_499 = arith.constant 0 : i32
          %eq3A_500 = arith.cmpi eq, %jit3A_498, %eq3A_499 : i32
          %jit3A_501 = arith.constant 1 : i32
          %select_n3A_502 = arith.select %eq3A_500, %jit3A_501, %jit3A_498 : i32
          %rem3A_503 = arith.remsi %add3A_473, %select_n3A_502 : i32
          %ne3A_504 = arith.constant 0 : i32
          %ne3A_505 = arith.cmpi ne, %rem3A_503, %ne3A_504 : i32
          %lt3A_506 = arith.constant 0 : i32
          %lt3A_507 = arith.cmpi slt, %rem3A_503, %lt3A_506 : i32
          %lt3A_508 = arith.constant 0 : i32
          %lt3A_509 = arith.cmpi slt, %select_n3A_502, %lt3A_508 : i32
          %ne3A_510 = arith.xori %lt3A_507, %lt3A_509 : i1
          %and3A_511 = arith.andi %ne3A_510, %ne3A_505 : i1
          %add3A_512 = arith.addi %rem3A_503, %select_n3A_502 : i32
          %select_n3A_513 = arith.select %and3A_511, %add3A_512, %rem3A_503 : i32
          %mul3A_514 = arith.constant 16 : i32
          %mul3A_515 = arith.muli %select_n3A_513, %mul3A_514 : i32
          %get3A_516 = arith.index_cast %select_n3A_93 : i32 to index
          %get3A_517 = arith.index_cast %select_n3A_497 : i32 to index
          %get3A_518 = arith.index_cast %mul3A_515 : i32 to index
          %get3A_519 = tpu.vector_load %arg8[%get3A_516, %get3A_517, %get3A_518] {strides = array<i32>} : memref<3x128x64xi32, #tpu.memory_space<vmem>>, vector<16xi32>,
          %shift_left3A_520 = arith.constant 16 : i32
          %shift_left3A_521 = vector.broadcast %shift_left3A_520 : i32 to vector<16xi32>
          %shift_left3A_522 = arith.shli %get3A_519, %shift_left3A_521 : vector<16xi32>
          %bitcast3A_523 = vector.bitcast %shift_left3A_522 : vector<16xi32> to vector<16xf32>
          %and3A_524 = arith.andi %get3A_519, %broadcast_in_dim3A_12 : vector<16xi32>
          %bitcast3A_525 = vector.bitcast %and3A_524 : vector<16xi32> to vector<16xf32>
          %broadcast_in_dim3A_526 = arith.constant 0 : i32
          %broadcast_in_dim3A_527 = vector.broadcast %broadcast_in_dim3A_526 : i32 to vector<16xi32>
          %add3A_528 = vector.broadcast %select_n3A_497 : i32 to vector<16xi32>
          %add3A_529 = arith.addi %broadcast_in_dim3A_527, %add3A_528 : vector<16xi32>
          %mul3A_530 = arith.constant 2 : i32
          %mul3A_531 = vector.broadcast %mul3A_530 : i32 to vector<16xi32>
          %mul3A_532 = arith.muli %iota3A, %mul3A_531 : vector<16xi32>
          %mul3A_533 = arith.constant 32 : i32
          %mul3A_534 = arith.muli %select_n3A_513, %mul3A_533 : i32
          %add3A_535 = vector.broadcast %mul3A_534 : i32 to vector<16xi32>
          %add3A_536 = arith.addi %mul3A_532, %add3A_535 : vector<16xi32>
          tpu.vector_store_idx %arg9[%add3A_529, %add3A_536], %bitcast3A_523 : memref<128x128xf32, #tpu.memory_space<vmem>>[vector<16xi32>, vector<16xi32>], vector<16xf32>,
          %add3A_537 = arith.constant 1 : i32
          %add3A_538 = vector.broadcast %add3A_537 : i32 to vector<16xi32>
          %add3A_539 = arith.addi %add3A_536, %add3A_538 : vector<16xi32>
          tpu.vector_store_idx %arg9[%add3A_529, %add3A_539], %bitcast3A_525 : memref<128x128xf32, #tpu.memory_space<vmem>>[vector<16xi32>, vector<16xi32>], vector<16xf32>,
          %scan3A_540 = arith.constant 6 : i32
          %scan3A_541 = arith.addi %scan3A_115, %scan3A_540 : i32
          %mul3A_542 = arith.constant 1 : i32
          %mul3A_543 = arith.muli %scan3A_541, %mul3A_542 : i32
          %add3A_544 = arith.constant 0 : i32
          %add3A_545 = arith.addi %add3A_544, %mul3A_543 : i32
          %jit3A_546 = arith.constant 4 : i32
          %div3A_547 = arith.divsi %add3A_545, %jit3A_546 : i32
          %sign3A_548 = arith.constant 0 : i32
          %sign3A_549 = arith.cmpi sgt, %add3A_545, %sign3A_548 : i32
          %sign3A_550 = arith.extui %sign3A_549 : i1 to i32
          %sign3A_551 = arith.constant 0 : i32
          %sign3A_552 = arith.cmpi slt, %add3A_545, %sign3A_551 : i32
          %sign3A_553 = arith.extui %sign3A_552 : i1 to i32
          %sign3A_554 = arith.subi %sign3A_550, %sign3A_553 : i32
          %sign3A_555 = arith.constant 0 : i32
          %sign3A_556 = arith.cmpi sgt, %jit3A_546, %sign3A_555 : i32
          %sign3A_557 = arith.extui %sign3A_556 : i1 to i32
          %sign3A_558 = arith.constant 0 : i32
          %sign3A_559 = arith.cmpi slt, %jit3A_546, %sign3A_558 : i32
          %sign3A_560 = arith.extui %sign3A_559 : i1 to i32
          %sign3A_561 = arith.subi %sign3A_557, %sign3A_560 : i32
          %ne3A_562 = arith.cmpi ne, %sign3A_554, %sign3A_561 : i32
          %rem3A_563 = arith.remsi %add3A_545, %jit3A_546 : i32
          %ne3A_564 = arith.constant 0 : i32
          %ne3A_565 = arith.cmpi ne, %rem3A_563, %ne3A_564 : i32
          %and3A_566 = arith.andi %ne3A_562, %ne3A_565 : i1
          %sub3A_567 = arith.constant 1 : i32
          %sub3A_568 = arith.subi %div3A_547, %sub3A_567 : i32
          %select_n3A_569 = arith.select %and3A_566, %sub3A_568, %div3A_547 : i32
          %jit3A_570 = arith.constant 4 : i32
          %eq3A_571 = arith.constant 0 : i32
          %eq3A_572 = arith.cmpi eq, %jit3A_570, %eq3A_571 : i32
          %jit3A_573 = arith.constant 1 : i32
          %select_n3A_574 = arith.select %eq3A_572, %jit3A_573, %jit3A_570 : i32
          %rem3A_575 = arith.remsi %add3A_545, %select_n3A_574 : i32
          %ne3A_576 = arith.constant 0 : i32
          %ne3A_577 = arith.cmpi ne, %rem3A_575, %ne3A_576 : i32
          %lt3A_578 = arith.constant 0 : i32
          %lt3A_579 = arith.cmpi slt, %rem3A_575, %lt3A_578 : i32
          %lt3A_580 = arith.constant 0 : i32
          %lt3A_581 = arith.cmpi slt, %select_n3A_574, %lt3A_580 : i32
          %ne3A_582 = arith.xori %lt3A_579, %lt3A_581 : i1
          %and3A_583 = arith.andi %ne3A_582, %ne3A_577 : i1
          %add3A_584 = arith.addi %rem3A_575, %select_n3A_574 : i32
          %select_n3A_585 = arith.select %and3A_583, %add3A_584, %rem3A_575 : i32
          %mul3A_586 = arith.constant 16 : i32
          %mul3A_587 = arith.muli %select_n3A_585, %mul3A_586 : i32
          %get3A_588 = arith.index_cast %select_n3A_93 : i32 to index
          %get3A_589 = arith.index_cast %select_n3A_569 : i32 to index
          %get3A_590 = arith.index_cast %mul3A_587 : i32 to index
          %get3A_591 = tpu.vector_load %arg8[%get3A_588, %get3A_589, %get3A_590] {strides = array<i32>} : memref<3x128x64xi32, #tpu.memory_space<vmem>>, vector<16xi32>,
          %shift_left3A_592 = arith.constant 16 : i32
          %shift_left3A_593 = vector.broadcast %shift_left3A_592 : i32 to vector<16xi32>
          %shift_left3A_594 = arith.shli %get3A_591, %shift_left3A_593 : vector<16xi32>
          %bitcast3A_595 = vector.bitcast %shift_left3A_594 : vector<16xi32> to vector<16xf32>
          %and3A_596 = arith.andi %get3A_591, %broadcast_in_dim3A_12 : vector<16xi32>
          %bitcast3A_597 = vector.bitcast %and3A_596 : vector<16xi32> to vector<16xf32>
          %broadcast_in_dim3A_598 = arith.constant 0 : i32
          %broadcast_in_dim3A_599 = vector.broadcast %broadcast_in_dim3A_598 : i32 to vector<16xi32>
          %add3A_600 = vector.broadcast %select_n3A_569 : i32 to vector<16xi32>
          %add3A_601 = arith.addi %broadcast_in_dim3A_599, %add3A_600 : vector<16xi32>
          %mul3A_602 = arith.constant 2 : i32
          %mul3A_603 = vector.broadcast %mul3A_602 : i32 to vector<16xi32>
          %mul3A_604 = arith.muli %iota3A, %mul3A_603 : vector<16xi32>
          %mul3A_605 = arith.constant 32 : i32
          %mul3A_606 = arith.muli %select_n3A_585, %mul3A_605 : i32
          %add3A_607 = vector.broadcast %mul3A_606 : i32 to vector<16xi32>
          %add3A_608 = arith.addi %mul3A_604, %add3A_607 : vector<16xi32>
          tpu.vector_store_idx %arg9[%add3A_601, %add3A_608], %bitcast3A_595 : memref<128x128xf32, #tpu.memory_space<vmem>>[vector<16xi32>, vector<16xi32>], vector<16xf32>,
          %add3A_609 = arith.constant 1 : i32
          %add3A_610 = vector.broadcast %add3A_609 : i32 to vector<16xi32>
          %add3A_611 = arith.addi %add3A_608, %add3A_610 : vector<16xi32>
          tpu.vector_store_idx %arg9[%add3A_601, %add3A_611], %bitcast3A_597 : memref<128x128xf32, #tpu.memory_space<vmem>>[vector<16xi32>, vector<16xi32>], vector<16xf32>,
          %scan3A_612 = arith.constant 7 : i32
          %scan3A_613 = arith.addi %scan3A_115, %scan3A_612 : i32
          %mul3A_614 = arith.constant 1 : i32
          %mul3A_615 = arith.muli %scan3A_613, %mul3A_614 : i32
          %add3A_616 = arith.constant 0 : i32
          %add3A_617 = arith.addi %add3A_616, %mul3A_615 : i32
          %jit3A_618 = arith.constant 4 : i32
          %div3A_619 = arith.divsi %add3A_617, %jit3A_618 : i32
          %sign3A_620 = arith.constant 0 : i32
          %sign3A_621 = arith.cmpi sgt, %add3A_617, %sign3A_620 : i32
          %sign3A_622 = arith.extui %sign3A_621 : i1 to i32
          %sign3A_623 = arith.constant 0 : i32
          %sign3A_624 = arith.cmpi slt, %add3A_617, %sign3A_623 : i32
          %sign3A_625 = arith.extui %sign3A_624 : i1 to i32
          %sign3A_626 = arith.subi %sign3A_622, %sign3A_625 : i32
          %sign3A_627 = arith.constant 0 : i32
          %sign3A_628 = arith.cmpi sgt, %jit3A_618, %sign3A_627 : i32
          %sign3A_629 = arith.extui %sign3A_628 : i1 to i32
          %sign3A_630 = arith.constant 0 : i32
          %sign3A_631 = arith.cmpi slt, %jit3A_618, %sign3A_630 : i32
          %sign3A_632 = arith.extui %sign3A_631 : i1 to i32
          %sign3A_633 = arith.subi %sign3A_629, %sign3A_632 : i32
          %ne3A_634 = arith.cmpi ne, %sign3A_626, %sign3A_633 : i32
          %rem3A_635 = arith.remsi %add3A_617, %jit3A_618 : i32
          %ne3A_636 = arith.constant 0 : i32
          %ne3A_637 = arith.cmpi ne, %rem3A_635, %ne3A_636 : i32
          %and3A_638 = arith.andi %ne3A_634, %ne3A_637 : i1
          %sub3A_639 = arith.constant 1 : i32
          %sub3A_640 = arith.subi %div3A_619, %sub3A_639 : i32
          %select_n3A_641 = arith.select %and3A_638, %sub3A_640, %div3A_619 : i32
          %jit3A_642 = arith.constant 4 : i32
          %eq3A_643 = arith.constant 0 : i32
          %eq3A_644 = arith.cmpi eq, %jit3A_642, %eq3A_643 : i32
          %jit3A_645 = arith.constant 1 : i32
          %select_n3A_646 = arith.select %eq3A_644, %jit3A_645, %jit3A_642 : i32
          %rem3A_647 = arith.remsi %add3A_617, %select_n3A_646 : i32
          %ne3A_648 = arith.constant 0 : i32
          %ne3A_649 = arith.cmpi ne, %rem3A_647, %ne3A_648 : i32
          %lt3A_650 = arith.constant 0 : i32
          %lt3A_651 = arith.cmpi slt, %rem3A_647, %lt3A_650 : i32
          %lt3A_652 = arith.constant 0 : i32
          %lt3A_653 = arith.cmpi slt, %select_n3A_646, %lt3A_652 : i32
          %ne3A_654 = arith.xori %lt3A_651, %lt3A_653 : i1
          %and3A_655 = arith.andi %ne3A_654, %ne3A_649 : i1
          %add3A_656 = arith.addi %rem3A_647, %select_n3A_646 : i32
          %select_n3A_657 = arith.select %and3A_655, %add3A_656, %rem3A_647 : i32
          %mul3A_658 = arith.constant 16 : i32
          %mul3A_659 = arith.muli %select_n3A_657, %mul3A_658 : i32
          %get3A_660 = arith.index_cast %select_n3A_93 : i32 to index
          %get3A_661 = arith.index_cast %select_n3A_641 : i32 to index
          %get3A_662 = arith.index_cast %mul3A_659 : i32 to index
          %get3A_663 = tpu.vector_load %arg8[%get3A_660, %get3A_661, %get3A_662] {strides = array<i32>} : memref<3x128x64xi32, #tpu.memory_space<vmem>>, vector<16xi32>,
          %shift_left3A_664 = arith.constant 16 : i32
          %shift_left3A_665 = vector.broadcast %shift_left3A_664 : i32 to vector<16xi32>
          %shift_left3A_666 = arith.shli %get3A_663, %shift_left3A_665 : vector<16xi32>
          %bitcast3A_667 = vector.bitcast %shift_left3A_666 : vector<16xi32> to vector<16xf32>
          %and3A_668 = arith.andi %get3A_663, %broadcast_in_dim3A_12 : vector<16xi32>
          %bitcast3A_669 = vector.bitcast %and3A_668 : vector<16xi32> to vector<16xf32>
          %broadcast_in_dim3A_670 = arith.constant 0 : i32
          %broadcast_in_dim3A_671 = vector.broadcast %broadcast_in_dim3A_670 : i32 to vector<16xi32>
          %add3A_672 = vector.broadcast %select_n3A_641 : i32 to vector<16xi32>
          %add3A_673 = arith.addi %broadcast_in_dim3A_671, %add3A_672 : vector<16xi32>
          %mul3A_674 = arith.constant 2 : i32
          %mul3A_675 = vector.broadcast %mul3A_674 : i32 to vector<16xi32>
          %mul3A_676 = arith.muli %iota3A, %mul3A_675 : vector<16xi32>
          %mul3A_677 = arith.constant 32 : i32
          %mul3A_678 = arith.muli %select_n3A_657, %mul3A_677 : i32
          %add3A_679 = vector.broadcast %mul3A_678 : i32 to vector<16xi32>
          %add3A_680 = arith.addi %mul3A_676, %add3A_679 : vector<16xi32>
          tpu.vector_store_idx %arg9[%add3A_673, %add3A_680], %bitcast3A_667 : memref<128x128xf32, #tpu.memory_space<vmem>>[vector<16xi32>, vector<16xi32>], vector<16xf32>,
          %add3A_681 = arith.constant 1 : i32
          %add3A_682 = vector.broadcast %add3A_681 : i32 to vector<16xi32>
          %add3A_683 = arith.addi %add3A_680, %add3A_682 : vector<16xi32>
          tpu.vector_store_idx %arg9[%add3A_673, %add3A_683], %bitcast3A_669 : memref<128x128xf32, #tpu.memory_space<vmem>>[vector<16xi32>, vector<16xi32>], vector<16xf32>,
        }
        %scan3A_109 = arith.constant 512 : i32
        %add3A_110 = arith.constant 3 : i32
        %add3A_111 = arith.addi %add3A_84, %add3A_110 : i32
        %lt3A_112 = arith.constant 16 : i32
        %lt3A_113 = arith.cmpi slt, %add3A_111, %lt3A_112 : i32
        %convert_element_type3A = arith.extui %lt3A_113 : i1 to i32
        %cond3A = arith.constant 0 : i32
        %cond3A_114 = arith.cmpi ne, %convert_element_type3A, %cond3A : i32
        scf.if %cond3A_114 {
          %dma_start3A_115 = arith.constant 0 : i32
          %dma_start3A_116 = arith.constant 0 : i32
          %dma_start3A_117 = tpu.memref_slice %arg8[%select_n3A_93, %dma_start3A_115, %dma_start3A_116] : memref<3x128x64xi32, #tpu.memory_space<vmem>> -> memref<1x128x64xi32, #tpu.memory_space<vmem>>
          %dma_start3A_118 = tpu.memref_squeeze %dma_start3A_117 : memref<1x128x64xi32, #tpu.memory_space<vmem>> -> memref<128x64xi32, #tpu.memory_space<vmem>>
          %dma_start3A_119 = arith.constant 0 : i32
          %dma_start3A_120 = tpu.memref_slice %arg7[%add3A_111, %dma_start3A_119] : memref<16x128xi32, #tpu.memory_space<vmem>> -> memref<1x128xi32, #tpu.memory_space<vmem>>
          %dma_start3A_121 = tpu.memref_squeeze %dma_start3A_120 : memref<1x128xi32, #tpu.memory_space<vmem>> -> memref<128xi32, #tpu.memory_space<vmem>>
          %dma_start3A_122 = arith.constant 0 : i32
          %dma_start3A_123 = arith.constant 0 : i32
          %dma_start3A_124 = tpu.memref_slice %arg2[%dma_start3A_122, %dma_start3A_123] : memref<10240x64xi32, #tpu.memory_space<hbm>> -> memref<10240x64xi32, #tpu.memory_space<hbm>>
          %dma_start3A_125 = tpu.memref_slice %arg11[%select_n3A_93] : memref<3x!tpu.dma_semaphore, #tpu.memory_space<semaphore_mem>> -> memref<1x!tpu.dma_semaphore, #tpu.memory_space<semaphore_mem>>
          %dma_start3A_126 = tpu.memref_squeeze %dma_start3A_125 : memref<1x!tpu.dma_semaphore, #tpu.memory_space<semaphore_mem>> -> memref<!tpu.dma_semaphore, #tpu.memory_space<semaphore_mem>>
          tpu.enqueue_indirect_dma source(%dma_start3A_124 : memref<10240x64xi32, #tpu.memory_space<hbm>>) target(%dma_start3A_118 : memref<128x64xi32, #tpu.memory_space<vmem>>) offsets(%dma_start3A_121 : memref<128xi32, #tpu.memory_space<vmem>>) semaphore(%dma_start3A_126 : memref<!tpu.dma_semaphore, #tpu.memory_space<semaphore_mem>>)
        } else {
        }
        "tpu.region"() ({
          %run_scoped3A = tpu.sem_alloc : memref<!tpu.dma_semaphore, #tpu.memory_space<semaphore_mem>>
          %dma_start3A_115 = arith.constant 0 : i32
          %dma_start3A_116 = tpu.memref_slice %arg6[%add3A_84, %dma_start3A_115] : memref<16x128xi32, #tpu.memory_space<vmem>> -> memref<1x128xi32, #tpu.memory_space<vmem>>
          %dma_start3A_117 = tpu.memref_squeeze %dma_start3A_116 : memref<1x128xi32, #tpu.memory_space<vmem>> -> memref<128xi32, #tpu.memory_space<vmem>>
          %dma_start3A_118 = arith.constant 0 : i32
          %dma_start3A_119 = arith.constant 0 : i32
          %dma_start3A_120 = tpu.memref_slice %arg10[%dma_start3A_118, %dma_start3A_119] : memref<10240x128xf32, #tpu.memory_space<vmem_shared>> -> memref<10240x128xf32, #tpu.memory_space<vmem_shared>>
          tpu.enqueue_indirect_dma source(%arg9 : memref<128x128xf32, #tpu.memory_space<vmem>>) target(%dma_start3A_120 : memref<10240x128xf32, #tpu.memory_space<vmem_shared>>) offsets(%dma_start3A_117 : memref<128xi32, #tpu.memory_space<vmem>>) semaphore(%run_scoped3A : memref<!tpu.dma_semaphore, #tpu.memory_space<semaphore_mem>>) {add = true}
          %dma_wait3A_121 = arith.constant 0 : i32
          %dma_wait3A_122 = tpu.memref_slice %arg6[%add3A_84, %dma_wait3A_121] : memref<16x128xi32, #tpu.memory_space<vmem>> -> memref<1x128xi32, #tpu.memory_space<vmem>>
          %dma_wait3A_123 = tpu.memref_squeeze %dma_wait3A_122 : memref<1x128xi32, #tpu.memory_space<vmem>> -> memref<128xi32, #tpu.memory_space<vmem>>
          %dma_wait3A_124 = arith.constant 0 : i32
          %dma_wait3A_125 = arith.constant 0 : i32
          %dma_wait3A_126 = tpu.memref_slice %arg10[%dma_wait3A_124, %dma_wait3A_125] : memref<10240x128xf32, #tpu.memory_space<vmem_shared>> -> memref<10240x128xf32, #tpu.memory_space<vmem_shared>>
          tpu.wait_indirect_dma semaphore(%run_scoped3A : memref<!tpu.dma_semaphore, #tpu.memory_space<semaphore_mem>>) src(%arg9 : memref<128x128xf32, #tpu.memory_space<vmem>>) dst(%dma_wait3A_126 : memref<10240x128xf32, #tpu.memory_space<vmem_shared>>)
          tpu.yield
        }) : () -> ()
      }
      %scan3A_79 = arith.constant 16 : i32
    }
    %scan3A_17 = arith.constant 5 : i32
    %barrier3A_18 = arith.constant 0 : index
    tpu.barrier barrier_id(%barrier3A_18)
    %mul3A_19 = arith.constant 640 : i32
    %mul3A_20 = arith.muli %arg1, %mul3A_19 : i32
    %mul3A_21 = arith.constant 640 : i32
    %mul3A_22 = arith.muli %arg1, %mul3A_21 : i32
    "tpu.region"() ({
      %run_scoped3A = tpu.sem_alloc : memref<!tpu.dma_semaphore, #tpu.memory_space<semaphore_mem>>
      %dma_start3A = arith.constant 0 : i32
      %dma_start3A_23 = tpu.memref_slice %arg5[%arg0, %mul3A_22, %dma_start3A] : memref<2x10240x128xf32, #tpu.memory_space<hbm>> -> memref<1x640x128xf32, #tpu.memory_space<hbm>>
      %dma_start3A_24 = tpu.memref_squeeze %dma_start3A_23 : memref<1x640x128xf32, #tpu.memory_space<hbm>> -> memref<640x128xf32, #tpu.memory_space<hbm>>
      %dma_start3A_25 = arith.constant 0 : i32
      %dma_start3A_26 = tpu.memref_slice %arg10[%mul3A_20, %dma_start3A_25] : memref<10240x128xf32, #tpu.memory_space<vmem_shared>> -> memref<640x128xf32, #tpu.memory_space<vmem_shared>>
      tpu.enqueue_dma source(%dma_start3A_26 : memref<640x128xf32, #tpu.memory_space<vmem_shared>>) target(%dma_start3A_24 : memref<640x128xf32, #tpu.memory_space<hbm>>) target_semaphore(%run_scoped3A : memref<!tpu.dma_semaphore, #tpu.memory_space<semaphore_mem>>)
      %dma_wait3A = arith.constant 0 : i32
      %dma_wait3A_27 = tpu.memref_slice %arg5[%arg0, %mul3A_22, %dma_wait3A] : memref<2x10240x128xf32, #tpu.memory_space<hbm>> -> memref<1x640x128xf32, #tpu.memory_space<hbm>>
      %dma_wait3A_28 = tpu.memref_squeeze %dma_wait3A_27 : memref<1x640x128xf32, #tpu.memory_space<hbm>> -> memref<640x128xf32, #tpu.memory_space<hbm>>
      %dma_wait3A_29 = arith.constant 0 : i32
      %dma_wait3A_30 = tpu.memref_slice %arg10[%mul3A_20, %dma_wait3A_29] : memref<10240x128xf32, #tpu.memory_space<vmem_shared>> -> memref<640x128xf32, #tpu.memory_space<vmem_shared>>
      tpu.wait_dma2 semaphore(%run_scoped3A : memref<!tpu.dma_semaphore, #tpu.memory_space<semaphore_mem>>) src(%dma_wait3A_30 : memref<640x128xf32, #tpu.memory_space<vmem_shared>>) dst(%dma_wait3A_28 : memref<640x128xf32, #tpu.memory_space<hbm>>)
      tpu.yield
    }) : () -> ()
    return
  }
}

module attributes {stable_mosaic.version = 14 : i64} {
  func.func @_t0_body(%arg0: memref<10000x128xf32, #tpu.memory_space<vmem>>, %arg1: memref<128xf32, #tpu.memory_space<vmem>>, %arg2: memref<128xf32, #tpu.memory_space<vmem>>, %arg3: memref<128x128xf32, #tpu.memory_space<vmem>>, %arg4: memref<32x10240xf32, #tpu.memory_space<vmem>>, %arg5: memref<10240x128xf32, #tpu.memory_space<vmem>>, %arg6: memref<10240x128xbf16, #tpu.memory_space<vmem>>, %arg7: memref<10240xf32, #tpu.memory_space<vmem>>) attributes {dimension_semantics = [], scalar_prefetch = 0 : i64, scratch_operands = 0 : i64, tpu.core_type = #tpu.core_type<tc>} {
    %get3A = arith.constant 0 : index
    %get3A_0 = arith.constant 0 : index
    %get3A_1 = vector.load %arg4[%get3A, %get3A_0] : memref<32x10240xf32, #tpu.memory_space<vmem>>, vector<32x10240xf32>
    %reduce_sum3A = arith.constant dense<0.000000e+00> : vector<10240xf32>
    %reduce_sum3A_2 = vector.multi_reduction <add>, %get3A_1, %reduce_sum3A [0] : vector<32x10240xf32> to vector<10240xf32>
    %add3A = arith.constant 1.000000e+00 : f32
    %add3A_3 = vector.broadcast %add3A : f32 to vector<10240xf32>
    %add3A_4 = arith.addf %reduce_sum3A_2, %add3A_3 : vector<10240xf32>
    %rsqrt3A = math.rsqrt %add3A_4 : vector<10240xf32>
    %swap3A = arith.constant 0 : index
    %swap3A_5 = vector.load %arg7[%swap3A] : memref<10240xf32, #tpu.memory_space<vmem>>, vector<10240xf32>
    tpu.vector_store %arg7[%swap3A], %rsqrt3A {strides = array<i32>} : memref<10240xf32, #tpu.memory_space<vmem>>, vector<10240xf32>,
    %get3A_6 = arith.constant 0 : index
    %get3A_7 = arith.constant 0 : index
    %get3A_8 = vector.load %arg0[%get3A_6, %get3A_7] : memref<10000x128xf32, #tpu.memory_space<vmem>>, vector<10000x128xf32>
    %reduce_sum3A_9 = arith.constant dense<0.000000e+00> : vector<128xf32>
    %reduce_sum3A_10 = vector.multi_reduction <add>, %get3A_8, %reduce_sum3A_9 [0] : vector<10000x128xf32> to vector<128xf32>
    %div3A = arith.constant 1.000000e+04 : f32
    %div3A_11 = vector.broadcast %div3A : f32 to vector<128xf32>
    %div3A_12 = arith.divf %reduce_sum3A_10, %div3A_11 : vector<128xf32>
    %broadcast_in_dim3A = vector.shape_cast %div3A_12 : vector<128xf32> to vector<1x128xf32>
    %sub3A = vector.broadcast %broadcast_in_dim3A : vector<1x128xf32> to vector<10000x128xf32>
    %sub3A_13 = arith.subf %get3A_8, %sub3A : vector<10000x128xf32>
    %integer_pow3A = arith.mulf %sub3A_13, %sub3A_13 : vector<10000x128xf32>
    %reduce_sum3A_14 = arith.constant dense<0.000000e+00> : vector<128xf32>
    %reduce_sum3A_15 = vector.multi_reduction <add>, %integer_pow3A, %reduce_sum3A_14 [0] : vector<10000x128xf32> to vector<128xf32>
    %div3A_16 = arith.constant 1.000000e+04 : f32
    %div3A_17 = vector.broadcast %div3A_16 : f32 to vector<128xf32>
    %div3A_18 = arith.divf %reduce_sum3A_15, %div3A_17 : vector<128xf32>
    %broadcast_in_dim3A_19 = vector.shape_cast %div3A_12 : vector<128xf32> to vector<1x128xf32>
    %sub3A_20 = vector.broadcast %broadcast_in_dim3A_19 : vector<1x128xf32> to vector<10000x128xf32>
    %sub3A_21 = arith.subf %get3A_8, %sub3A_20 : vector<10000x128xf32>
    %add3A_22 = arith.constant 9.99999974E-6 : f32
    %add3A_23 = vector.broadcast %add3A_22 : f32 to vector<128xf32>
    %add3A_24 = arith.addf %div3A_18, %add3A_23 : vector<128xf32>
    %sqrt3A = math.sqrt %add3A_24 : vector<128xf32>
    %broadcast_in_dim3A_25 = vector.shape_cast %sqrt3A : vector<128xf32> to vector<1x128xf32>
    %div3A_26 = vector.broadcast %broadcast_in_dim3A_25 : vector<1x128xf32> to vector<10000x128xf32>
    %div3A_27 = arith.divf %sub3A_21, %div3A_26 : vector<10000x128xf32>
    %get3A_28 = arith.constant 0 : index
    %get3A_29 = vector.load %arg1[%get3A_28] : memref<128xf32, #tpu.memory_space<vmem>>, vector<128xf32>
    %broadcast_in_dim3A_30 = vector.shape_cast %get3A_29 : vector<128xf32> to vector<1x128xf32>
    %mul3A = vector.broadcast %broadcast_in_dim3A_30 : vector<1x128xf32> to vector<10000x128xf32>
    %mul3A_31 = arith.mulf %div3A_27, %mul3A : vector<10000x128xf32>
    %get3A_32 = arith.constant 0 : index
    %get3A_33 = vector.load %arg2[%get3A_32] : memref<128xf32, #tpu.memory_space<vmem>>, vector<128xf32>
    %broadcast_in_dim3A_34 = vector.shape_cast %get3A_33 : vector<128xf32> to vector<1x128xf32>
    %add3A_35 = vector.broadcast %broadcast_in_dim3A_34 : vector<1x128xf32> to vector<10000x128xf32>
    %add3A_36 = arith.addf %mul3A_31, %add3A_35 : vector<10000x128xf32>
    %get3A_37 = arith.constant 0 : index
    %get3A_38 = arith.constant 0 : index
    %get3A_39 = vector.load %arg3[%get3A_37, %get3A_38] : memref<128x128xf32, #tpu.memory_space<vmem>>, vector<128x128xf32>
    %dot_general3A = arith.constant dense<0.000000e+00> : vector<10000x128xf32>
    %dot_general3A_40 = tpu.matmul %add3A_36, %get3A_39, %dot_general3A {dimension_numbers = #tpu.dot_dimension_numbers<[1], [0], [0], [1], [0, 0, 1, 1], [], []>, transpose_lhs_hint = false} : vector<10000x128xf32>, vector<128x128xf32>, vector<10000x128xf32> -> vector<10000x128xf32>
    %slice3A = vector.extract_strided_slice %rsqrt3A {offsets = [0], sizes = [10000], strides = [1]} : vector<10240xf32> to vector<10000xf32>
    %broadcast_in_dim3A_41 = vector.shape_cast %slice3A : vector<10000xf32> to vector<10000x1xf32>
    %mul3A_42 = vector.broadcast %broadcast_in_dim3A_41 : vector<10000x1xf32> to vector<10000x128xf32>
    %mul3A_43 = arith.mulf %dot_general3A_40, %mul3A_42 : vector<10000x128xf32>
    %swap3A_44 = arith.constant 0 : index
    %swap3A_45 = arith.constant 0 : index
    %swap3A_46 = vector.load %arg5[%swap3A_44, %swap3A_45] : memref<10240x128xf32, #tpu.memory_space<vmem>>, vector<10000x128xf32>
    tpu.vector_store %arg5[%swap3A_44, %swap3A_45], %mul3A_43 {strides = array<i32>} : memref<10240x128xf32, #tpu.memory_space<vmem>>, vector<10000x128xf32>,
    %broadcast_in_dim3A_47 = arith.constant 0.000000e+00 : f32
    %broadcast_in_dim3A_48 = vector.broadcast %broadcast_in_dim3A_47 : f32 to vector<240x128xf32>
    %swap3A_49 = arith.constant 10000 : index
    %swap3A_50 = arith.constant 0 : index
    %swap3A_51 = vector.load %arg5[%swap3A_49, %swap3A_50] : memref<10240x128xf32, #tpu.memory_space<vmem>>, vector<240x128xf32>
    tpu.vector_store %arg5[%swap3A_49, %swap3A_50], %broadcast_in_dim3A_48 {strides = array<i32>} : memref<10240x128xf32, #tpu.memory_space<vmem>>, vector<240x128xf32>,
    %convert_element_type3A = arith.truncf %mul3A_43 : vector<10000x128xf32> to vector<10000x128xbf16>
    %swap3A_52 = arith.constant 0 : index
    %swap3A_53 = arith.constant 0 : index
    %swap3A_54 = vector.load %arg6[%swap3A_52, %swap3A_53] : memref<10240x128xbf16, #tpu.memory_space<vmem>>, vector<10000x128xbf16>
    tpu.vector_store %arg6[%swap3A_52, %swap3A_53], %convert_element_type3A {strides = array<i32>} : memref<10240x128xbf16, #tpu.memory_space<vmem>>, vector<10000x128xbf16>,
    %broadcast_in_dim3A_55 = arith.constant 0.000000e+00 : bf16
    %broadcast_in_dim3A_56 = vector.broadcast %broadcast_in_dim3A_55 : bf16 to vector<240x128xbf16>
    %swap3A_57 = arith.constant 10000 : index
    %swap3A_58 = arith.constant 0 : index
    %swap3A_59 = vector.load %arg6[%swap3A_57, %swap3A_58] : memref<10240x128xbf16, #tpu.memory_space<vmem>>, vector<240x128xbf16>
    tpu.vector_store %arg6[%swap3A_57, %swap3A_58], %broadcast_in_dim3A_56 {strides = array<i32>} : memref<10240x128xbf16, #tpu.memory_space<vmem>>, vector<240x128xbf16>,
    return
  }
}

module attributes {stable_mosaic.version = 14 : i64} {
  func.func @_t1_body(%arg0: memref<2x10240x128xf32, #tpu.memory_space<vmem>>, %arg1: memref<10240x128xf32, #tpu.memory_space<vmem>>, %arg2: memref<10240xf32, #tpu.memory_space<vmem>>, %arg3: memref<128xf32, #tpu.memory_space<vmem>>, %arg4: memref<128xf32, #tpu.memory_space<vmem>>, %arg5: memref<128xf32, #tpu.memory_space<vmem>>, %arg6: memref<128x128xf32, #tpu.memory_space<vmem>>, %arg7: memref<10240x128xf32, #tpu.memory_space<vmem>>, %arg8: memref<10240x128xbf16, #tpu.memory_space<vmem>>) attributes {dimension_semantics = [], scalar_prefetch = 0 : i64, scratch_operands = 0 : i64, tpu.core_type = #tpu.core_type<tc>} {
    %get3A = arith.constant 0 : index
    %get3A_0 = vector.load %arg2[%get3A] : memref<10240xf32, #tpu.memory_space<vmem>>, vector<10240xf32>
    %get3A_1 = arith.constant 0 : index
    %get3A_2 = arith.constant 0 : index
    %get3A_3 = arith.constant 0 : index
    %get3A_4 = vector.load %arg0[%get3A_1, %get3A_2, %get3A_3] : memref<2x10240x128xf32, #tpu.memory_space<vmem>>, vector<1x10000x128xf32>
    %get3A_5 = vector.shape_cast %get3A_4 : vector<1x10000x128xf32> to vector<10000x128xf32>
    %get3A_6 = arith.constant 1 : index
    %get3A_7 = arith.constant 0 : index
    %get3A_8 = arith.constant 0 : index
    %get3A_9 = vector.load %arg0[%get3A_6, %get3A_7, %get3A_8] : memref<2x10240x128xf32, #tpu.memory_space<vmem>>, vector<1x10000x128xf32>
    %get3A_10 = vector.shape_cast %get3A_9 : vector<1x10000x128xf32> to vector<10000x128xf32>
    %add3A = arith.addf %get3A_5, %get3A_10 : vector<10000x128xf32>
    %get3A_11 = arith.constant 0 : index
    %get3A_12 = arith.constant 0 : index
    %get3A_13 = vector.load %arg1[%get3A_11, %get3A_12] : memref<10240x128xf32, #tpu.memory_space<vmem>>, vector<10000x128xf32>
    %add3A_14 = arith.addf %add3A, %get3A_13 : vector<10000x128xf32>
    %slice3A = vector.extract_strided_slice %get3A_0 {offsets = [0], sizes = [10000], strides = [1]} : vector<10240xf32> to vector<10000xf32>
    %broadcast_in_dim3A = vector.shape_cast %slice3A : vector<10000xf32> to vector<10000x1xf32>
    %mul3A = vector.broadcast %broadcast_in_dim3A : vector<10000x1xf32> to vector<10000x128xf32>
    %mul3A_15 = arith.mulf %add3A_14, %mul3A : vector<10000x128xf32>
    %get3A_16 = arith.constant 0 : index
    %get3A_17 = vector.load %arg3[%get3A_16] : memref<128xf32, #tpu.memory_space<vmem>>, vector<128xf32>
    %broadcast_in_dim3A_18 = vector.shape_cast %get3A_17 : vector<128xf32> to vector<1x128xf32>
    %add3A_19 = vector.broadcast %broadcast_in_dim3A_18 : vector<1x128xf32> to vector<10000x128xf32>
    %add3A_20 = arith.addf %mul3A_15, %add3A_19 : vector<10000x128xf32>
    %max3A = arith.constant 0.000000e+00 : f32
    %max3A_21 = vector.broadcast %max3A : f32 to vector<10000x128xf32>
    %max3A_22 = arith.maximumf %add3A_20, %max3A_21 : vector<10000x128xf32>
    %reduce_sum3A = arith.constant dense<0.000000e+00> : vector<128xf32>
    %reduce_sum3A_23 = vector.multi_reduction <add>, %max3A_22, %reduce_sum3A [0] : vector<10000x128xf32> to vector<128xf32>
    %div3A = arith.constant 1.000000e+04 : f32
    %div3A_24 = vector.broadcast %div3A : f32 to vector<128xf32>
    %div3A_25 = arith.divf %reduce_sum3A_23, %div3A_24 : vector<128xf32>
    %broadcast_in_dim3A_26 = vector.shape_cast %div3A_25 : vector<128xf32> to vector<1x128xf32>
    %sub3A = vector.broadcast %broadcast_in_dim3A_26 : vector<1x128xf32> to vector<10000x128xf32>
    %sub3A_27 = arith.subf %max3A_22, %sub3A : vector<10000x128xf32>
    %integer_pow3A = arith.mulf %sub3A_27, %sub3A_27 : vector<10000x128xf32>
    %reduce_sum3A_28 = arith.constant dense<0.000000e+00> : vector<128xf32>
    %reduce_sum3A_29 = vector.multi_reduction <add>, %integer_pow3A, %reduce_sum3A_28 [0] : vector<10000x128xf32> to vector<128xf32>
    %div3A_30 = arith.constant 1.000000e+04 : f32
    %div3A_31 = vector.broadcast %div3A_30 : f32 to vector<128xf32>
    %div3A_32 = arith.divf %reduce_sum3A_29, %div3A_31 : vector<128xf32>
    %broadcast_in_dim3A_33 = vector.shape_cast %div3A_25 : vector<128xf32> to vector<1x128xf32>
    %sub3A_34 = vector.broadcast %broadcast_in_dim3A_33 : vector<1x128xf32> to vector<10000x128xf32>
    %sub3A_35 = arith.subf %max3A_22, %sub3A_34 : vector<10000x128xf32>
    %add3A_36 = arith.constant 9.99999974E-6 : f32
    %add3A_37 = vector.broadcast %add3A_36 : f32 to vector<128xf32>
    %add3A_38 = arith.addf %div3A_32, %add3A_37 : vector<128xf32>
    %sqrt3A = math.sqrt %add3A_38 : vector<128xf32>
    %broadcast_in_dim3A_39 = vector.shape_cast %sqrt3A : vector<128xf32> to vector<1x128xf32>
    %div3A_40 = vector.broadcast %broadcast_in_dim3A_39 : vector<1x128xf32> to vector<10000x128xf32>
    %div3A_41 = arith.divf %sub3A_35, %div3A_40 : vector<10000x128xf32>
    %get3A_42 = arith.constant 0 : index
    %get3A_43 = vector.load %arg4[%get3A_42] : memref<128xf32, #tpu.memory_space<vmem>>, vector<128xf32>
    %broadcast_in_dim3A_44 = vector.shape_cast %get3A_43 : vector<128xf32> to vector<1x128xf32>
    %mul3A_45 = vector.broadcast %broadcast_in_dim3A_44 : vector<1x128xf32> to vector<10000x128xf32>
    %mul3A_46 = arith.mulf %div3A_41, %mul3A_45 : vector<10000x128xf32>
    %get3A_47 = arith.constant 0 : index
    %get3A_48 = vector.load %arg5[%get3A_47] : memref<128xf32, #tpu.memory_space<vmem>>, vector<128xf32>
    %broadcast_in_dim3A_49 = vector.shape_cast %get3A_48 : vector<128xf32> to vector<1x128xf32>
    %add3A_50 = vector.broadcast %broadcast_in_dim3A_49 : vector<1x128xf32> to vector<10000x128xf32>
    %add3A_51 = arith.addf %mul3A_46, %add3A_50 : vector<10000x128xf32>
    %get3A_52 = arith.constant 0 : index
    %get3A_53 = arith.constant 0 : index
    %get3A_54 = vector.load %arg6[%get3A_52, %get3A_53] : memref<128x128xf32, #tpu.memory_space<vmem>>, vector<128x128xf32>
    %dot_general3A = arith.constant dense<0.000000e+00> : vector<10000x128xf32>
    %dot_general3A_55 = tpu.matmul %add3A_51, %get3A_54, %dot_general3A {dimension_numbers = #tpu.dot_dimension_numbers<[1], [0], [0], [1], [0, 0, 1, 1], [], []>, transpose_lhs_hint = false} : vector<10000x128xf32>, vector<128x128xf32>, vector<10000x128xf32> -> vector<10000x128xf32>
    %slice3A_56 = vector.extract_strided_slice %get3A_0 {offsets = [0], sizes = [10000], strides = [1]} : vector<10240xf32> to vector<10000xf32>
    %broadcast_in_dim3A_57 = vector.shape_cast %slice3A_56 : vector<10000xf32> to vector<10000x1xf32>
    %mul3A_58 = vector.broadcast %broadcast_in_dim3A_57 : vector<10000x1xf32> to vector<10000x128xf32>
    %mul3A_59 = arith.mulf %dot_general3A_55, %mul3A_58 : vector<10000x128xf32>
    %swap3A = arith.constant 0 : index
    %swap3A_60 = arith.constant 0 : index
    %swap3A_61 = vector.load %arg7[%swap3A, %swap3A_60] : memref<10240x128xf32, #tpu.memory_space<vmem>>, vector<10000x128xf32>
    tpu.vector_store %arg7[%swap3A, %swap3A_60], %mul3A_59 {strides = array<i32>} : memref<10240x128xf32, #tpu.memory_space<vmem>>, vector<10000x128xf32>,
    %broadcast_in_dim3A_62 = arith.constant 0.000000e+00 : f32
    %broadcast_in_dim3A_63 = vector.broadcast %broadcast_in_dim3A_62 : f32 to vector<240x128xf32>
    %swap3A_64 = arith.constant 10000 : index
    %swap3A_65 = arith.constant 0 : index
    %swap3A_66 = vector.load %arg7[%swap3A_64, %swap3A_65] : memref<10240x128xf32, #tpu.memory_space<vmem>>, vector<240x128xf32>
    tpu.vector_store %arg7[%swap3A_64, %swap3A_65], %broadcast_in_dim3A_63 {strides = array<i32>} : memref<10240x128xf32, #tpu.memory_space<vmem>>, vector<240x128xf32>,
    %convert_element_type3A = arith.truncf %mul3A_59 : vector<10000x128xf32> to vector<10000x128xbf16>
    %swap3A_67 = arith.constant 0 : index
    %swap3A_68 = arith.constant 0 : index
    %swap3A_69 = vector.load %arg8[%swap3A_67, %swap3A_68] : memref<10240x128xbf16, #tpu.memory_space<vmem>>, vector<10000x128xbf16>
    tpu.vector_store %arg8[%swap3A_67, %swap3A_68], %convert_element_type3A {strides = array<i32>} : memref<10240x128xbf16, #tpu.memory_space<vmem>>, vector<10000x128xbf16>,
    %broadcast_in_dim3A_70 = arith.constant 0.000000e+00 : bf16
    %broadcast_in_dim3A_71 = vector.broadcast %broadcast_in_dim3A_70 : bf16 to vector<240x128xbf16>
    %swap3A_72 = arith.constant 10000 : index
    %swap3A_73 = arith.constant 0 : index
    %swap3A_74 = vector.load %arg8[%swap3A_72, %swap3A_73] : memref<10240x128xbf16, #tpu.memory_space<vmem>>, vector<240x128xbf16>
    tpu.vector_store %arg8[%swap3A_72, %swap3A_73], %broadcast_in_dim3A_71 {strides = array<i32>} : memref<10240x128xbf16, #tpu.memory_space<vmem>>, vector<240x128xbf16>,
    return
  }
}

module attributes {stable_mosaic.version = 14 : i64} {
  func.func @_t2_body(%arg0: memref<2x10240x128xf32, #tpu.memory_space<vmem>>, %arg1: memref<10240x128xf32, #tpu.memory_space<vmem>>, %arg2: memref<10240xf32, #tpu.memory_space<vmem>>, %arg3: memref<128xf32, #tpu.memory_space<vmem>>, %arg4: memref<128x3xf32, #tpu.memory_space<vmem>>, %arg5: memref<3xf32, #tpu.memory_space<vmem>>, %arg6: memref<10000xi32, #tpu.memory_space<vmem>>, %arg7: memref<10000x1xf32, #tpu.memory_space<vmem>>, %arg8: memref<64x1xf32, #tpu.memory_space<vmem>>, %arg9: memref<64x1xf32, #tpu.memory_space<vmem>>, %arg10: memref<64x1xf32, #tpu.memory_space<vmem>>, %arg11: memref<2x10240xf32, #tpu.memory_space<vmem>>) attributes {dimension_semantics = [], scalar_prefetch = 0 : i64, scratch_operands = 0 : i64, tpu.core_type = #tpu.core_type<tc>} {
    %get3A = arith.constant 0 : index
    %get3A_0 = vector.load %arg2[%get3A] : memref<10240xf32, #tpu.memory_space<vmem>>, vector<10240xf32>
    %get3A_1 = arith.constant 0 : index
    %get3A_2 = arith.constant 0 : index
    %get3A_3 = arith.constant 0 : index
    %get3A_4 = vector.load %arg0[%get3A_1, %get3A_2, %get3A_3] : memref<2x10240x128xf32, #tpu.memory_space<vmem>>, vector<1x10000x128xf32>
    %get3A_5 = vector.shape_cast %get3A_4 : vector<1x10000x128xf32> to vector<10000x128xf32>
    %get3A_6 = arith.constant 1 : index
    %get3A_7 = arith.constant 0 : index
    %get3A_8 = arith.constant 0 : index
    %get3A_9 = vector.load %arg0[%get3A_6, %get3A_7, %get3A_8] : memref<2x10240x128xf32, #tpu.memory_space<vmem>>, vector<1x10000x128xf32>
    %get3A_10 = vector.shape_cast %get3A_9 : vector<1x10000x128xf32> to vector<10000x128xf32>
    %add3A = arith.addf %get3A_5, %get3A_10 : vector<10000x128xf32>
    %get3A_11 = arith.constant 0 : index
    %get3A_12 = arith.constant 0 : index
    %get3A_13 = vector.load %arg1[%get3A_11, %get3A_12] : memref<10240x128xf32, #tpu.memory_space<vmem>>, vector<10000x128xf32>
    %add3A_14 = arith.addf %add3A, %get3A_13 : vector<10000x128xf32>
    %slice3A = vector.extract_strided_slice %get3A_0 {offsets = [0], sizes = [10000], strides = [1]} : vector<10240xf32> to vector<10000xf32>
    %broadcast_in_dim3A = vector.shape_cast %slice3A : vector<10000xf32> to vector<10000x1xf32>
    %mul3A = vector.broadcast %broadcast_in_dim3A : vector<10000x1xf32> to vector<10000x128xf32>
    %mul3A_15 = arith.mulf %add3A_14, %mul3A : vector<10000x128xf32>
    %get3A_16 = arith.constant 0 : index
    %get3A_17 = vector.load %arg3[%get3A_16] : memref<128xf32, #tpu.memory_space<vmem>>, vector<128xf32>
    %broadcast_in_dim3A_18 = vector.shape_cast %get3A_17 : vector<128xf32> to vector<1x128xf32>
    %add3A_19 = vector.broadcast %broadcast_in_dim3A_18 : vector<1x128xf32> to vector<10000x128xf32>
    %add3A_20 = arith.addf %mul3A_15, %add3A_19 : vector<10000x128xf32>
    %get3A_21 = arith.constant 0 : index
    %get3A_22 = arith.constant 0 : index
    %get3A_23 = vector.load %arg4[%get3A_21, %get3A_22] : memref<128x3xf32, #tpu.memory_space<vmem>>, vector<128x3xf32>
    %dot_general3A = arith.constant dense<0.000000e+00> : vector<10000x3xf32>
    %dot_general3A_24 = tpu.matmul %add3A_20, %get3A_23, %dot_general3A {dimension_numbers = #tpu.dot_dimension_numbers<[1], [0], [0], [1], [0, 0, 1, 1], [], []>, transpose_lhs_hint = false} : vector<10000x128xf32>, vector<128x3xf32>, vector<10000x3xf32> -> vector<10000x3xf32>
    %get3A_25 = arith.constant 0 : index
    %get3A_26 = vector.load %arg5[%get3A_25] : memref<3xf32, #tpu.memory_space<vmem>>, vector<3xf32>
    %broadcast_in_dim3A_27 = vector.shape_cast %get3A_26 : vector<3xf32> to vector<1x3xf32>
    %add3A_28 = vector.broadcast %broadcast_in_dim3A_27 : vector<1x3xf32> to vector<10000x3xf32>
    %add3A_29 = arith.addf %dot_general3A_24, %add3A_28 : vector<10000x3xf32>
    %slice3A_30 = vector.extract_strided_slice %add3A_29 {offsets = [0, 0], sizes = [10000, 1], strides = [1, 1]} : vector<10000x3xf32> to vector<10000x1xf32>
    %logistic3A = arith.negf %slice3A_30 : vector<10000x1xf32>
    %logistic3A_31 = math.exp %logistic3A : vector<10000x1xf32>
    %logistic3A_32 = arith.constant 1.000000e+00 : f32
    %logistic3A_33 = vector.broadcast %logistic3A_32 : f32 to vector<10000x1xf32>
    %logistic3A_34 = arith.addf %logistic3A_33, %logistic3A_31 : vector<10000x1xf32>
    %logistic3A_35 = arith.divf %logistic3A_33, %logistic3A_34 : vector<10000x1xf32>
    %swap3A = arith.constant 0 : index
    %swap3A_36 = arith.constant 0 : index
    %swap3A_37 = vector.load %arg7[%swap3A, %swap3A_36] : memref<10000x1xf32, #tpu.memory_space<vmem>>, vector<10000x1xf32>
    tpu.vector_store %arg7[%swap3A, %swap3A_36], %logistic3A_35 {strides = array<i32>} : memref<10000x1xf32, #tpu.memory_space<vmem>>, vector<10000x1xf32>,
    %slice3A_38 = vector.extract_strided_slice %add3A_29 {offsets = [0, 1], sizes = [10000, 1], strides = [1, 1]} : vector<10000x3xf32> to vector<10000x1xf32>
    %squeeze3A = vector.shape_cast %slice3A_38 : vector<10000x1xf32> to vector<10000xf32>
    %swap3A_39 = arith.constant 0 : index
    %swap3A_40 = arith.constant 0 : index
    %swap3A_41 = vector.load %arg11[%swap3A_39, %swap3A_40] : memref<2x10240xf32, #tpu.memory_space<vmem>>, vector<1x10000xf32>
    %swap3A_42 = vector.shape_cast %swap3A_41 : vector<1x10000xf32> to vector<10000xf32>
    %swap3A_43 = vector.shape_cast %squeeze3A : vector<10000xf32> to vector<1x10000xf32>
    tpu.vector_store %arg11[%swap3A_39, %swap3A_40], %swap3A_43 {strides = array<i32>} : memref<2x10240xf32, #tpu.memory_space<vmem>>, vector<1x10000xf32>,
    %slice3A_44 = vector.extract_strided_slice %add3A_29 {offsets = [0, 2], sizes = [10000, 1], strides = [1, 1]} : vector<10000x3xf32> to vector<10000x1xf32>
    %squeeze3A_45 = vector.shape_cast %slice3A_44 : vector<10000x1xf32> to vector<10000xf32>
    %swap3A_46 = arith.constant 1 : index
    %swap3A_47 = arith.constant 0 : index
    %swap3A_48 = vector.load %arg11[%swap3A_46, %swap3A_47] : memref<2x10240xf32, #tpu.memory_space<vmem>>, vector<1x10000xf32>
    %swap3A_49 = vector.shape_cast %swap3A_48 : vector<1x10000xf32> to vector<10000xf32>
    %swap3A_50 = vector.shape_cast %squeeze3A_45 : vector<10000xf32> to vector<1x10000xf32>
    tpu.vector_store %arg11[%swap3A_46, %swap3A_47], %swap3A_50 {strides = array<i32>} : memref<2x10240xf32, #tpu.memory_space<vmem>>, vector<1x10000xf32>,
    %broadcast_in_dim3A_51 = arith.constant 0.000000e+00 : f32
    %broadcast_in_dim3A_52 = vector.broadcast %broadcast_in_dim3A_51 : f32 to vector<2x240xf32>
    %swap3A_53 = arith.constant 0 : index
    %swap3A_54 = arith.constant 10000 : index
    %swap3A_55 = vector.load %arg11[%swap3A_53, %swap3A_54] : memref<2x10240xf32, #tpu.memory_space<vmem>>, vector<2x240xf32>
    tpu.vector_store %arg11[%swap3A_53, %swap3A_54], %broadcast_in_dim3A_52 {strides = array<i32>} : memref<2x10240xf32, #tpu.memory_space<vmem>>, vector<2x240xf32>,
    %iota3A = tpu.iota {dimensions = array<i32: 0>} : vector<64x10000xi32>
    %get3A_56 = arith.constant 0 : index
    %get3A_57 = vector.load %arg6[%get3A_56] : memref<10000xi32, #tpu.memory_space<vmem>>, vector<10000xi32>
    %broadcast_in_dim3A_58 = vector.shape_cast %get3A_57 : vector<10000xi32> to vector<1x10000xi32>
    %eq3A = vector.broadcast %broadcast_in_dim3A_58 : vector<1x10000xi32> to vector<64x10000xi32>
    %eq3A_59 = arith.cmpi eq, %eq3A, %iota3A : vector<64x10000xi32>
    %convert_element_type3A = arith.extui %eq3A_59 : vector<64x10000xi1> to vector<64x10000xi32>
    %convert_element_type3A_60 = arith.sitofp %convert_element_type3A : vector<64x10000xi32> to vector<64x10000xf32>
    %squeeze3A_61 = vector.shape_cast %logistic3A_35 : vector<10000x1xf32> to vector<10000xf32>
    %sub3A = arith.constant 1.000000e+00 : f32
    %sub3A_62 = vector.broadcast %sub3A : f32 to vector<10000xf32>
    %sub3A_63 = arith.subf %sub3A_62, %squeeze3A_61 : vector<10000xf32>
    %gt3A = arith.constant 0.000000e+00 : f32
    %gt3A_64 = vector.broadcast %gt3A : f32 to vector<10000xf32>
    %gt3A_65 = arith.cmpf ogt, %squeeze3A_61, %gt3A_64 : vector<10000xf32>
    %convert_element_type3A_66 = arith.extui %gt3A_65 : vector<10000xi1> to vector<10000xi32>
    %convert_element_type3A_67 = arith.sitofp %convert_element_type3A_66 : vector<10000xi32> to vector<10000xf32>
    %broadcast_in_dim3A_68 = arith.constant 1.000000e+00 : f32
    %broadcast_in_dim3A_69 = vector.broadcast %broadcast_in_dim3A_68 : f32 to vector<10000xf32>
    %stack3A = vector.shape_cast %squeeze3A_61 : vector<10000xf32> to vector<10000x1xf32>
    %stack3A_70 = vector.shape_cast %sub3A_63 : vector<10000xf32> to vector<10000x1xf32>
    %stack3A_71 = vector.shape_cast %convert_element_type3A_67 : vector<10000xf32> to vector<10000x1xf32>
    %stack3A_72 = vector.shape_cast %broadcast_in_dim3A_69 : vector<10000xf32> to vector<10000x1xf32>
    %stack3A_73 = tpu.concatenate %stack3A, %stack3A_70, %stack3A_71, %stack3A_72 in 1 : vector<10000x1xf32>, vector<10000x1xf32>, vector<10000x1xf32>, vector<10000x1xf32> -> vector<10000x4xf32>
    %dot_general3A_74 = arith.constant dense<0.000000e+00> : vector<64x4xf32>
    %dot_general3A_75 = tpu.matmul %convert_element_type3A_60, %stack3A_73, %dot_general3A_74 {dimension_numbers = #tpu.dot_dimension_numbers<[1], [0], [0], [1], [0, 0, 1, 1], [], []>, transpose_lhs_hint = false} : vector<64x10000xf32>, vector<10000x4xf32>, vector<64x4xf32> -> vector<64x4xf32>
    %slice3A_76 = vector.extract_strided_slice %dot_general3A_75 {offsets = [0, 0], sizes = [64, 1], strides = [1, 1]} : vector<64x4xf32> to vector<64x1xf32>
    %add3A_77 = arith.constant 9.99999993E-9 : f32
    %add3A_78 = vector.broadcast %add3A_77 : f32 to vector<64x1xf32>
    %add3A_79 = arith.addf %slice3A_76, %add3A_78 : vector<64x1xf32>
    %swap3A_80 = arith.constant 0 : index
    %swap3A_81 = arith.constant 0 : index
    %swap3A_82 = vector.load %arg8[%swap3A_80, %swap3A_81] : memref<64x1xf32, #tpu.memory_space<vmem>>, vector<64x1xf32>
    tpu.vector_store %arg8[%swap3A_80, %swap3A_81], %add3A_79 {strides = array<i32>} : memref<64x1xf32, #tpu.memory_space<vmem>>, vector<64x1xf32>,
    %slice3A_83 = vector.extract_strided_slice %dot_general3A_75 {offsets = [0, 1], sizes = [64, 1], strides = [1, 1]} : vector<64x4xf32> to vector<64x1xf32>
    %add3A_84 = arith.constant 9.99999993E-9 : f32
    %add3A_85 = vector.broadcast %add3A_84 : f32 to vector<64x1xf32>
    %add3A_86 = arith.addf %slice3A_83, %add3A_85 : vector<64x1xf32>
    %swap3A_87 = arith.constant 0 : index
    %swap3A_88 = arith.constant 0 : index
    %swap3A_89 = vector.load %arg9[%swap3A_87, %swap3A_88] : memref<64x1xf32, #tpu.memory_space<vmem>>, vector<64x1xf32>
    tpu.vector_store %arg9[%swap3A_87, %swap3A_88], %add3A_86 {strides = array<i32>} : memref<64x1xf32, #tpu.memory_space<vmem>>, vector<64x1xf32>,
    %slice3A_90 = vector.extract_strided_slice %dot_general3A_75 {offsets = [0, 2], sizes = [64, 1], strides = [1, 1]} : vector<64x4xf32> to vector<64x1xf32>
    %slice3A_91 = vector.extract_strided_slice %dot_general3A_75 {offsets = [0, 3], sizes = [64, 1], strides = [1, 1]} : vector<64x4xf32> to vector<64x1xf32>
    %div3A = arith.divf %slice3A_90, %slice3A_91 : vector<64x1xf32>
    %swap3A_92 = arith.constant 0 : index
    %swap3A_93 = arith.constant 0 : index
    %swap3A_94 = vector.load %arg10[%swap3A_92, %swap3A_93] : memref<64x1xf32, #tpu.memory_space<vmem>>, vector<64x1xf32>
    tpu.vector_store %arg10[%swap3A_92, %swap3A_93], %div3A {strides = array<i32>} : memref<64x1xf32, #tpu.memory_space<vmem>>, vector<64x1xf32>,
    return
  }
}

module attributes {stable_mosaic.version = 14 : i64} {
  func.func @_t3_body(%arg0: memref<32x4x80xf32, #tpu.memory_space<vmem>>, %arg1: memref<64x1xf32, #tpu.memory_space<vmem>>, %arg2: memref<64x1xf32, #tpu.memory_space<vmem>>, %arg3: memref<64x1xf32, #tpu.memory_space<vmem>>) attributes {dimension_semantics = [], scalar_prefetch = 0 : i64, scratch_operands = 0 : i64, tpu.core_type = #tpu.core_type<tc>} {
    %get3A = arith.constant 0 : index
    %get3A_0 = arith.constant 0 : index
    %get3A_1 = arith.constant 0 : index
    %get3A_2 = vector.load %arg0[%get3A, %get3A_0, %get3A_1] : memref<32x4x80xf32, #tpu.memory_space<vmem>>, vector<32x4x80xf32>
    %reduce_sum3A = arith.constant dense<0.000000e+00> : vector<4x80xf32>
    %reduce_sum3A_3 = vector.multi_reduction <add>, %get3A_2, %reduce_sum3A [0] : vector<32x4x80xf32> to vector<4x80xf32>
    %slice3A = vector.extract_strided_slice %reduce_sum3A_3 {offsets = [0, 0], sizes = [1, 64], strides = [1, 1]} : vector<4x80xf32> to vector<1x64xf32>
    %squeeze3A = vector.shape_cast %slice3A : vector<1x64xf32> to vector<64xf32>
    %broadcast_in_dim3A = vector.shape_cast %squeeze3A : vector<64xf32> to vector<64x1xf32>
    %add3A = arith.constant 9.99999993E-9 : f32
    %add3A_4 = vector.broadcast %add3A : f32 to vector<64x1xf32>
    %add3A_5 = arith.addf %broadcast_in_dim3A, %add3A_4 : vector<64x1xf32>
    %swap3A = arith.constant 0 : index
    %swap3A_6 = arith.constant 0 : index
    %swap3A_7 = vector.load %arg1[%swap3A, %swap3A_6] : memref<64x1xf32, #tpu.memory_space<vmem>>, vector<64x1xf32>
    tpu.vector_store %arg1[%swap3A, %swap3A_6], %add3A_5 {strides = array<i32>} : memref<64x1xf32, #tpu.memory_space<vmem>>, vector<64x1xf32>,
    %slice3A_8 = vector.extract_strided_slice %reduce_sum3A_3 {offsets = [1, 0], sizes = [1, 64], strides = [1, 1]} : vector<4x80xf32> to vector<1x64xf32>
    %squeeze3A_9 = vector.shape_cast %slice3A_8 : vector<1x64xf32> to vector<64xf32>
    %broadcast_in_dim3A_10 = vector.shape_cast %squeeze3A_9 : vector<64xf32> to vector<64x1xf32>
    %add3A_11 = arith.constant 9.99999993E-9 : f32
    %add3A_12 = vector.broadcast %add3A_11 : f32 to vector<64x1xf32>
    %add3A_13 = arith.addf %broadcast_in_dim3A_10, %add3A_12 : vector<64x1xf32>
    %swap3A_14 = arith.constant 0 : index
    %swap3A_15 = arith.constant 0 : index
    %swap3A_16 = vector.load %arg2[%swap3A_14, %swap3A_15] : memref<64x1xf32, #tpu.memory_space<vmem>>, vector<64x1xf32>
    tpu.vector_store %arg2[%swap3A_14, %swap3A_15], %add3A_13 {strides = array<i32>} : memref<64x1xf32, #tpu.memory_space<vmem>>, vector<64x1xf32>,
    %slice3A_17 = vector.extract_strided_slice %reduce_sum3A_3 {offsets = [2, 0], sizes = [1, 64], strides = [1, 1]} : vector<4x80xf32> to vector<1x64xf32>
    %squeeze3A_18 = vector.shape_cast %slice3A_17 : vector<1x64xf32> to vector<64xf32>
    %broadcast_in_dim3A_19 = vector.shape_cast %squeeze3A_18 : vector<64xf32> to vector<64x1xf32>
    %slice3A_20 = vector.extract_strided_slice %reduce_sum3A_3 {offsets = [3, 0], sizes = [1, 64], strides = [1, 1]} : vector<4x80xf32> to vector<1x64xf32>
    %squeeze3A_21 = vector.shape_cast %slice3A_20 : vector<1x64xf32> to vector<64xf32>
    %broadcast_in_dim3A_22 = vector.shape_cast %squeeze3A_21 : vector<64xf32> to vector<64x1xf32>
    %div3A = arith.divf %broadcast_in_dim3A_19, %broadcast_in_dim3A_22 : vector<64x1xf32>
    %swap3A_23 = arith.constant 0 : index
    %swap3A_24 = arith.constant 0 : index
    %swap3A_25 = vector.load %arg3[%swap3A_23, %swap3A_24] : memref<64x1xf32, #tpu.memory_space<vmem>>, vector<64x1xf32>
    tpu.vector_store %arg3[%swap3A_23, %swap3A_24], %div3A {strides = array<i32>} : memref<64x1xf32, #tpu.memory_space<vmem>>, vector<64x1xf32>,
    return
  }
}

</mosaic_0001>

<sc_bundles>
// kernel: kernel.10.cloned.1.call-start
scs
__scs_entry_jumppad:
0x0: {  	(pc) =	sbr.rel $0x88, $3  }
0x1: {  	(tag) =	ssettag $0x0;
	lr =	simm.s32 $0x1  }
0x2: {  	[smem:$0x3F92] =	sst lr;
	_ =	strace $0xD0000000  }
0x3: {  	_ = 	snop  }
0x4: {  	_ = 	snop  }
0x5: {  	_ = 	snop  }
0x6: {  	_ = 	snop  }
0x7: {  	_ = 	snop  }
__scs_overlays_trampoline_lowered:
0x8: {  	[smem:$0x3FA1] =	sst s0  }
0x9: {  	[smem:$0x3FA2] =	sst s1  }
0xa: {  	[smem:$0x3FA3] =	sst s2  }
0xb: {  	[smem:$0x3FA4] =	sst s3  }
0xc: {  	[smem:$0x3FA5] =	sst s4  }
0xd: {  	[smem:$0x3FA6] =	sst s5  }
0xe: {  	[smem:$0x3FA7] =	sst s6  }
0xf: {  	[smem:$0x3FA8] =	sst s7  }
0x10: {  	[smem:$0x3FA9] =	sst s8  }
0x11: {  	[smem:$0x3FAA] =	sst s9;
	s0 =	simm.s32 @!p0 $0x0  }
0x12: {  	s1 =	sld [smem:$0x3F90];
	s0 =	simm.s32 @p0 $0x1  }
0x13: {  	[smem:$0x3FAB] =	sst s0;
	s0 =	simm.s32 @!p1 $0x0  }
0x14: {  	s2 =	sld [smem:$0x3F8F];
	s0 =	simm.s32 @p1 $0x1  }
0x15: {  	[smem:$0x3FAC] =	sst s0;
	s0 =	simm.s32 @!p2 $0x0  }
0x16: {  	s3 =	sld [smem:$0x3FDB];
	s0 =	simm.s32 @p2 $0x1  }
0x17: {  	s4 =	simm.s32 $0x1BF5;
	[smem:$0x3FAE] =	sst s0  }
0x18: {  	s0 =	sld [smem:$0x3F91];
	_ =	swait.ge [sflag:s4], $0x0  }
0x19: {  	s7 =	sld [smem:$0x3F92]  }
0x1a: {  	s8 =	sadd.s32 $0xFFFFE003, lr  }
0x1b: {  	s9 =	sadd.s32 $0xFFFFFEF7, lr;
	s5 =	simm.s32 $0xFFFFFFFF;
	p2 =	slt.u32 s8, $0xFFFFF086  }
0x1c: {  	p1 =	slt.u32 s9, $0xF7A;
	s5 =	simm.s32 @!p2 $0x0  }
0x1d: {  	s5 =	simm.s32 @p1 $0x1;
	p0 =	seq.s32 s7, s2  }
0x1e: {  	s7 =	smul.u32 @!p0 $0xF7A, s2;
	p2 =	seq.s32 @!p0 s5, $0x0  }
0x1f: {  	s9 =	smul.u32 $0xF7A, s1;
	s8 =	simm.s32 @!p0 $0x1BF5;
	p2 =	por !p2, p0  }
0x20: {  	[sflag:s8] =	ssyncset.s32 @!p0 $0xFFFFF086;
	s6 =	sadd.s32 @!p0 s3, s7;
	s7 =	simm.s32 @!p0 $0x108  }
0x21: {  	s3 =	sadd.s32 s3, s9;
	s6 =	sadd.s32 @!p0 $0x88, s6;
	s7 =	simm.s32 @p2 $0x1082  }
0x22: {  	[simem:s7], [sflag:s8] =	dma.local @!p0 [hbm:s6], $0xF7A  }
0x23: {  	s9 =	sor.u32 $0xD0000000, s2;
	s6 =	simm.s32 $0x108;
	_ =	swait.ge @!p0 [sflag:s8], $0x0  }
0x24: {  	s3 =	sadd.s32 $0x88, s3;
	s6 =	simm.s32 @!p1 $0x1082;
	[sflag:s4] =	ssyncset.s32 $0xFFFFF086  }
0x25: {  	[simem:s6], [sflag:s4] =	dma.local [hbm:s3], $0xF7A  }
0x26: {  	[smem:$0x3F92] =	sst s1;
	(tag) =	ssettag s2;
	_ =	strace s9  }
0x27: {  	s1 =	sld [smem:$0x3FA2]  }
0x28: {  	s2 =	sld [smem:$0x3FA3]  }
0x29: {  	s4 =	sld [smem:$0x3FA5]  }
0x2a: {  	p0 =	seq.s32 s5, $0x0;
	s5 =	sld [smem:$0x3FA6]  }
0x2b: {  	s6 =	sld [smem:$0x3FA7]  }
0x2c: {  	s7 =	sld [smem:$0x3FA8]  }
0x2d: {  	s3 =	simm.s32 $0x108;
	s8 =	sld [smem:$0x3FA9]  }
0x2e: {  	s3 =	simm.s32 @!p0 $0x1082;
	s9 =	sld [smem:$0x3FAA]  }
0x2f: {  	lr =	sadd.s32 s0, s3;
	s0 =	sld [smem:$0x3FA1]  }
0x30: {  	s3 =	sld [smem:$0x3FA4]  }
0x31: {  	[smem:$0x3FAD] =	sst s10  }
0x32: {  	s10 =	sld [smem:$0x3FAB];
	_ =	sdelay $0x3  }
0x33: {  	p0 =	seq.s32 s10, $0x1;
	s10 =	sld [smem:$0x3FAD];
	_ =	sdelay $0x3  }
0x34: {  	[smem:$0x3FAD] =	sst s10  }
0x35: {  	s10 =	sld [smem:$0x3FAC];
	_ =	sdelay $0x3  }
0x36: {  	p1 =	seq.s32 s10, $0x1;
	s10 =	sld [smem:$0x3FAD];
	_ =	sdelay $0x3  }
0x37: {  	[smem:$0x3FAD] =	sst s10  }
0x38: {  	s10 =	sld [smem:$0x3FAE]  }
0x39: {  	_ = 	snop;
	(pc) =	sbr.ind lr, $3  }
0x3a: {  	_ = 	snop  }
0x3b: {  	_ = 	snop  }
0x3c: {  	p2 =	seq.s32 s10, $0x1;
	s10 =	sld [smem:$0x3FAD]  }
0x3d: {  	_ =	shalt  }
0x3e: {  	_ =	shalt  }
0x3f: {  	_ =	shalt  }
0x40: {  	_ =	shalt  }
0x41: {  	_ =	shalt  }
0x42: {  	_ =	shalt  }
0x43: {  	_ =	shalt  }
0x44: {  	_ =	shalt  }
0x45: {  	_ =	shalt  }
0x46: {  	_ =	shalt  }
0x47: {  	_ =	shalt  }
0x48: {  	_ =	shalt  }
0x49: {  	_ =	shalt  }
0x4a: {  	_ =	shalt  }
0x4b: {  	_ =	shalt  }
0x4c: {  	_ =	shalt  }
0x4d: {  	_ =	shalt  }
0x4e: {  	_ =	shalt  }
0x4f: {  	_ =	shalt  }
0x50: {  	_ =	shalt  }
0x51: {  	_ =	shalt  }
0x52: {  	_ =	shalt  }
0x53: {  	_ =	shalt  }
0x54: {  	_ =	shalt  }
0x55: {  	_ =	shalt  }
0x56: {  	_ =	shalt  }
0x57: {  	_ =	shalt  }
0x58: {  	_ =	shalt  }
0x59: {  	_ =	shalt  }
0x5a: {  	_ =	shalt  }
0x5b: {  	_ =	shalt  }
0x5c: {  	_ =	shalt  }
0x5d: {  	_ =	shalt  }
0x5e: {  	_ =	shalt  }
0x5f: {  	_ =	shalt  }
0x60: {  	_ =	shalt  }
0x61: {  	_ =	shalt  }
0x62: {  	_ =	shalt  }
0x63: {  	_ =	shalt  }
0x64: {  	_ =	shalt  }
0x65: {  	_ =	shalt  }
0x66: {  	_ =	shalt  }
0x67: {  	_ =	shalt  }
0x68: {  	_ =	shalt  }
0x69: {  	_ =	shalt  }
0x6a: {  	_ =	shalt  }
0x6b: {  	_ =	shalt  }
0x6c: {  	_ =	shalt  }
0x6d: {  	_ =	shalt  }
0x6e: {  	_ =	shalt  }
0x6f: {  	_ =	shalt  }
0x70: {  	_ =	shalt  }
0x71: {  	_ =	shalt  }
0x72: {  	_ =	shalt  }
0x73: {  	_ =	shalt  }
0x74: {  	_ =	shalt  }
0x75: {  	_ =	shalt  }
0x76: {  	_ =	shalt  }
0x77: {  	_ =	shalt  }
0x78: {  	_ =	shalt  }
0x79: {  	_ =	shalt  }
0x7a: {  	_ =	shalt  }
0x7b: {  	_ =	shalt  }
0x7c: {  	_ =	shalt  }
0x7d: {  	_ =	shalt  }
0x7e: {  	_ =	shalt  }
0x7f: {  	_ =	shalt  }
0x80: {  	_ =	shalt  }
0x81: {  	_ =	shalt  }
0x82: {  	_ =	shalt  }
0x83: {  	_ =	shalt  }
0x84: {  	_ =	shalt  }
0x85: {  	_ =	shalt  }
0x86: {  	_ =	shalt  }
0x87: {  	_ =	shalt  }
.Lfunc_end0:
.L_simem_size_0:
called_computation_lowered:
.L_overlay_start_0:
0x88: {  	s2 =	sld [smem:$0x3FD9]  }
0x89: {  	s3 =	sld [smem:$0x3FFE];
	_ =	sdelay $0x1  }
0x8a: {  	s1 =	srdreg.scid  }
0x8b: {  	s0 =	sand.u32 $0x1, s1  }
0x8c: {  	s16 =	sshll.u32 s0, $0xA;
	s2 =	sadd.s32 s3, s2  }
0x8d: {  	s2 =	sadd.s32 s2, s16  }
0x8e: {  	[smem:$0x3FB9] =	sst s2  }
0x8f: {  	_ = 	snop  }
0x90: {  	(tm) =	ssettm $0x1  }
0x91: {  	s17 =	sld [smem:$0x3FFB];
	_ =	sdelay $0x3  }
0x92: {  	_ =	strace s17  }
0x93: {  	s2 =	sld [smem:$0x3FFC];
	_ =	sdelay $0x3  }
0x94: {  	_ =	strace s2  }
0x95: {  	s2 =	sld [smem:$0x3FFD];
	_ =	sdelay $0x3  }
0x96: {  	_ =	strace s2  }
0x97: {  	_ =	strace $0x8FFFFFFF  }
0x98: {  	s18 =	sld [smem:$0x3FDB];
	_ =	sdelay $0x1  }
0x99: {  	s19 =	simm.s32 $_scs_section_size  }
0x9a: {  	s4 =	simm.s32 $_size__tile_overlayer_lowered;
	s5 =	simm.s32 $_tile_overlayer_lowered  }
0x9b: {  	s22 =	simm.s32 $0x1BFF;
	s21 =	sshll.u32 s5, $0x1;
	s2 =	sadd.s32 s19, s18  }
0x9c: {  	s6 =	simm.s32 $0x0;
	s20 =	sshll.u32 s4, $0x1;
	s4 =	sadd.s32 s21, s2  }
0x9d: {  	[timem:s6], [sflag:s22] =	dma.local [hbm:s4], s20  }
0x9e: {  	_ =	swait.ge [sflag:s22], s20  }
0x9f: {  	s3 =	ssub.s32 $0x0, s20;
	[sflag:s22] =	ssyncset.done $0x0  }
0xa0: {  	[sflag:s22] =	ssyncadd.s32 s3;
	_ =	sdelay $0x1  }
0xa1: {  	s23 =	simm.s32 $0x1B8B  }
0xa2: {  	_ =	swait.ge [sflag:s23], $0x1  }
0xa3: {  	[sflag:s23] =	ssyncset.done $0x0  }
0xa4: {  	s25 =	simm.s32 $0x1B8E;
	s24 =	sld [smem:$0x3FFE];
	[sflag:s23] =	ssyncadd.s32 $0xFFFFFFFF  }
0xa5: {  	s26 =	simm.s32 $execute0_lowered;
	[smem:$0x3FD2] =	sst s25  }
0xa6: {  	s4 =	sshll.u32 s26, $0x1;
	_ =	strace $0x80000046;
	[dreg:$0x1] =	wrdreg $0xFFFFFFFF  }
0xa7: {  	s28 =	simm.s32 $_size_execute0_lowered;
	s2 =	sadd.s32 s2, s4;
	[dreg:$0x0] =	wrdreg $0x0  }
0xa8: {  	s4 =	sshll.u32 s28, $0x1;
	[dreg:$0x2] =	wrdreg s2  }
0xa9: {  	[dreg:$0x3] =	wrdreg s4  }
0xaa: {  	[dreg:$0x4] =	wrdreg $0xC0  }
0xab: {  	_ =	task [dreg:s6], $0x5FFFF  }
0xac: {  	[dreg:$0x1] =	wrdreg $0xFFFFFFFF  }
0xad: {  	[dreg:$0x0] =	wrdreg $0x60  }
0xae: {  	[dreg:$0x2] =	wrdreg s24  }
0xaf: {  	[dreg:$0x3] =	wrdreg $0x9  }
0xb0: {  	_ =	task.clear_ibuf [dreg:s6], $0x4FFFF;
	_ =	strace $0x90000046  }
0xb1: {  	s29 =	simm.s32 $0x9;
	_ =	strace $0x80000048  }
0xb2: {  	_ =	swait.ge [sflag:s29], $0x1  }
0xb3: {  	[sflag:s29] =	ssyncadd.s32 $0xFFFFFFFF  }
0xb4: {  	_ =	strace $0x90000048  }
0xb5: {  	_ =	sfence  }
0xb6: {  	s30 =	sld [smem:$0x0];
	_ =	sdelay $0x2  }
0xb7: {  	s31 =	sshll.u32 s1, $0xD;
	s1 =	sshrl.u32 s1, $0x2  }
0xb8: {  	s3 =	sand.u32 $0x4000, s31;
	s1 =	sadd.s32 s1, s30  }
0xb9: {  	s0 =	sor.u32 s3, s0;
	s1 =	sshll.u32 s1, $0x11  }
0xba: {  	s0 =	sor.u32 s1, s0  }
0xbb: {  	s0 =	sadd.s32 $0x8F2B, s0  }
0xbc: {  	[sflag:s0] =	ssyncadd.remote.s32 $0x1  }
0xbd: {  	_ =	sfence.sel $0xFFFF  }
0xbe: {  	[dreg:$0x0] =	wrdreg $0xFFFFFFFF;
	(pc) =	sbr.abs _section_cstart, $3  }
0xbf: {  	[dreg:$0x1] =	wrdreg $0xFFFFFFFF  }
0xc0: {  	_ =	task.clear_ibuf [dreg:s6], $0x2FFFF;
	_ =	strace $0x9FFFFFFF  }
0xc1: {  	(tm) =	ssettm $0x7FFFFFFF  }
tec
execute0_lowered:
.L_overlay_start_1:
0x0: {  	(tag) =	ssettag $0x1  }
0x1: {  	s0 =	srdreg.scid  }
0x2: {  	s5 =	rddreg [dreg:$0x0];
	s3 =	sand.u32 $0x1, s0  }
0x3: {  	s2 =	simm.s32 $0x0;
	s0 =	stileid.u32;
	s1 =	sshll.u32 s3, $0x4  }
0x4: {  	s8 =	simm.s32 $0x80;
	s9 =	simm.s32 $0x400;
	s4 =	sor.u32 s0, s1  }
0x5: {  	s10 =	simm.s32 $0x0;
	[smem:$0x7FF] =	sst s2;
	s1 =	sshrl.u32 s4, $0x3  }
0x6: {  	s7 =	sshll.u32 s0, $0x7;
	s3 =	ssub.s32 $0x2, s3;
	s6 =	smul.u32 $0x14000, s1  }
0x7: {  	s7 =	sand.u32 $0x380, s7;
	s31 =	sshrl.u32 s3, $0x1;
	s4 =	smul.u32 $0x500, s4  }
0x8: {  	s1 =	rddreg [dreg:$0x1];
	_ =	strace $0x80000047;
	s6 =	sor.u32 s7, s6  }
0x9: {  	s4 =	sadd.s32 s4, s5;
	s7 =	simm.s32 $0x2800;
	s6 =	sshrl.u32 s6, $0x3  }
0xa: {  	s5 =	sadd.s32 s6, s5;
	s6 =	ssub.s32 s3, s31;
	s3 =	sadd.s32 $0x2E00, s4  }
0xb: {  	v0 =	vimm.f32 $0.0e+00;
	v1 =	vimm.f32 $1.000000000e+00;
	s4 =	sadd.s32 $0xCE00, s5;
	s5 =	smax.u32 s6, $0x1;
	s6 =	simm.s32 $0x1  }
.LBB2_1:
0xc: {  	[tilespmem:s2], [sflag:$0x1] =	stream.linear.gather [hbm4b:s3+s2], $0x2800, $0x38;
	[tilespmem:$0x5000] =	vst v63  }
0xd: {  	_ =	swait.ge [sflag:s6], $0x2800  }
0xe: {  	[sflag:s6] =	ssyncset.done $0x0  }
0xf: {  	s11 =	simm.s32 $0x0;
	[sflag:s6] =	ssyncadd.s32 $0xFFFFD800  }
.LBB2_2:
0x10: {  	p0 =	sne.s32 s11, $0x9FC0  }
.Ltmp0:
0x11: {  	_ = 	snop;
	(pc) =	sbr.rel @p0 .LBB2_2-.Ltmp0, $3  }
0x12: {  	_ =	sdelay $0x1  }
0x13: {  	s12 =	sshra.s32 s11, $0x2  }
0x14: {  	s11 =	sadd.s32 $0x40, s11;
	[tilespmem:s12+$0x2800] =	vst v0  }
0x15: {  	s12 =	simm.s32 $0x0;
	s11 =	simm.s32 $0x40  }
.LBB2_4:
0x16: {  	p0 =	sne.s32 s11, $0x9FC0;
	v2 =	vld [tilespmem:s12+$0x0];
	_ =	sdelay $0x3  }
.Ltmp1:
0x17: {  	(pc) =	sbr.rel @p0 .LBB2_4-.Ltmp1, $2  }
0x18: {  	_ =	sdelay $0x2  }
0x19: {  	s12 =	sshra.s32 s11, $0x2;
	s11 =	sadd.s32 $0x40, s11;
	[tilespmem:v2+s7+$0x0] =	vst.idx.add.f32.msk $0xffff, v1  }
0x1a: {  	v2 =	vld [tilespmem:s12+$0x0];
	_ =	sdelay $0x5  }
0x1b: {  	s10 =	sadd.s32 $0x1, s10  }
0x1c: {  	p0 =	sne.s32 s10, s5  }
.Ltmp2:
0x1d: {  	[tilespmem:v2+s7+$0x0] =	vst.idx.add.f32.msk $0xffff, v1;
	(pc) =	sbr.rel @p0 .LBB2_1-.Ltmp2, $4  }
0x1e: {  	[hbm4b:s4+s8] =	stream.strided.scatter [tilespmem:s7], [sflag:$0x1], $0x2800, s9, s8, $0x38;
	[tilespmem:$0x5000] =	vst v63  }
0x1f: {  	_ =	swait.ge [sflag:s6], $0x2800  }
0x20: {  	[sflag:s6] =	ssyncset.done $0x0  }
0x21: {  	[sflag:s6] =	ssyncadd.s32 $0xFFFFD800  }
0x22: {  	_ =	sfence.sel $0x180000  }
0x23: {  	[bflag:$0x0] =	sbarrier.arrive $0xFFFF  }
0x24: {  	p0 =	sne.s32 s0, $0x0;
	_ =	strace $0x90000047  }
0x25: {  	s0 =	sadd.s32 @!p0 $0x100000, s1;
	[bflag:$0x2] =	sbarrier.arrive $0xFFFF  }
0x26: {  	[sflag:s0] =	ssyncadd.tile.s32 @!p0 $0x1;
	_ =	shalt  }
.Lfunc_end2:
_tile_overlayer_lowered:
.L_overlay_start_2:
0x27: {  	(tag) =	ssettag $0x2  }
0x28: {  	s0 =	rddreg [dreg:$0x0];
	s2 =	stileid.u32  }
0x29: {  	s1 =	rddreg [dreg:$0x1];
	p0 =	sne.s32 s2, $0x0  }
0x2a: {  	s3 =	rddreg [dreg:$0x2];
	[bflag:$0x3] =	sbarrier.arrive $0xFFFF;
	s2 =	simm.s32 @!p0 $0x1C01  }
0x2b: {  	[timem:s3], [sflag:s2] =	dma.local @!p0 [hbm:s0], s1  }
0x2c: {  	s0 =	simm.s32 @!p0 $0x1  }
0x2d: {  	_ =	swait.ge @!p0 [sflag:s0], s1  }
0x2e: {  	s1 =	ssub.s32 @!p0 $0x0, s1;
	[sflag:s0] =	ssyncset.done @!p0 $0x0  }
0x2f: {  	[sflag:s0] =	ssyncadd.s32 @!p0 s1  }
0x30: {  	[bflag:$0x3] =	sbarrier.arrive $0xFFFF  }
0x31: {  	_ =	shalt  }

// kernel: kernel.13.cloned.1.call-start
scs
__scs_entry_jumppad:
0x0: {  	(pc) =	sbr.rel $0x88, $3  }
0x1: {  	(tag) =	ssettag $0x0;
	lr =	simm.s32 $0x1  }
0x2: {  	[smem:$0x3F92] =	sst lr;
	_ =	strace $0xD0000000  }
0x3: {  	_ = 	snop  }
0x4: {  	_ = 	snop  }
0x5: {  	_ = 	snop  }
0x6: {  	_ = 	snop  }
0x7: {  	_ = 	snop  }
__scs_overlays_trampoline_lowered:
0x8: {  	[smem:$0x3FA1] =	sst s0  }
0x9: {  	[smem:$0x3FA2] =	sst s1  }
0xa: {  	[smem:$0x3FA3] =	sst s2  }
0xb: {  	[smem:$0x3FA4] =	sst s3  }
0xc: {  	[smem:$0x3FA5] =	sst s4  }
0xd: {  	[smem:$0x3FA6] =	sst s5  }
0xe: {  	[smem:$0x3FA7] =	sst s6  }
0xf: {  	[smem:$0x3FA8] =	sst s7  }
0x10: {  	[smem:$0x3FA9] =	sst s8  }
0x11: {  	[smem:$0x3FAA] =	sst s9;
	s0 =	simm.s32 @!p0 $0x0  }
0x12: {  	s1 =	sld [smem:$0x3F90];
	s0 =	simm.s32 @p0 $0x1  }
0x13: {  	[smem:$0x3FAB] =	sst s0;
	s0 =	simm.s32 @!p1 $0x0  }
0x14: {  	s2 =	sld [smem:$0x3F8F];
	s0 =	simm.s32 @p1 $0x1  }
0x15: {  	[smem:$0x3FAC] =	sst s0;
	s0 =	simm.s32 @!p2 $0x0  }
0x16: {  	s3 =	sld [smem:$0x3FDB];
	s0 =	simm.s32 @p2 $0x1  }
0x17: {  	s4 =	simm.s32 $0x1BF5;
	[smem:$0x3FAE] =	sst s0  }
0x18: {  	s0 =	sld [smem:$0x3F91];
	_ =	swait.ge [sflag:s4], $0x0  }
0x19: {  	s7 =	sld [smem:$0x3F92]  }
0x1a: {  	s8 =	sadd.s32 $0xFFFFE003, lr  }
0x1b: {  	s9 =	sadd.s32 $0xFFFFFEF7, lr;
	s5 =	simm.s32 $0xFFFFFFFF;
	p2 =	slt.u32 s8, $0xFFFFF086  }
0x1c: {  	p1 =	slt.u32 s9, $0xF7A;
	s5 =	simm.s32 @!p2 $0x0  }
0x1d: {  	s5 =	simm.s32 @p1 $0x1;
	p0 =	seq.s32 s7, s2  }
0x1e: {  	s7 =	smul.u32 @!p0 $0xF7A, s2;
	p2 =	seq.s32 @!p0 s5, $0x0  }
0x1f: {  	s9 =	smul.u32 $0xF7A, s1;
	s8 =	simm.s32 @!p0 $0x1BF5;
	p2 =	por !p2, p0  }
0x20: {  	[sflag:s8] =	ssyncset.s32 @!p0 $0xFFFFF086;
	s6 =	sadd.s32 @!p0 s3, s7;
	s7 =	simm.s32 @!p0 $0x108  }
0x21: {  	s3 =	sadd.s32 s3, s9;
	s6 =	sadd.s32 @!p0 $0x88, s6;
	s7 =	simm.s32 @p2 $0x1082  }
0x22: {  	[simem:s7], [sflag:s8] =	dma.local @!p0 [hbm:s6], $0xF7A  }
0x23: {  	s9 =	sor.u32 $0xD0000000, s2;
	s6 =	simm.s32 $0x108;
	_ =	swait.ge @!p0 [sflag:s8], $0x0  }
0x24: {  	s3 =	sadd.s32 $0x88, s3;
	s6 =	simm.s32 @!p1 $0x1082;
	[sflag:s4] =	ssyncset.s32 $0xFFFFF086  }
0x25: {  	[simem:s6], [sflag:s4] =	dma.local [hbm:s3], $0xF7A  }
0x26: {  	[smem:$0x3F92] =	sst s1;
	(tag) =	ssettag s2;
	_ =	strace s9  }
0x27: {  	s1 =	sld [smem:$0x3FA2]  }
0x28: {  	s2 =	sld [smem:$0x3FA3]  }
0x29: {  	s4 =	sld [smem:$0x3FA5]  }
0x2a: {  	p0 =	seq.s32 s5, $0x0;
	s5 =	sld [smem:$0x3FA6]  }
0x2b: {  	s6 =	sld [smem:$0x3FA7]  }
0x2c: {  	s7 =	sld [smem:$0x3FA8]  }
0x2d: {  	s3 =	simm.s32 $0x108;
	s8 =	sld [smem:$0x3FA9]  }
0x2e: {  	s3 =	simm.s32 @!p0 $0x1082;
	s9 =	sld [smem:$0x3FAA]  }
0x2f: {  	lr =	sadd.s32 s0, s3;
	s0 =	sld [smem:$0x3FA1]  }
0x30: {  	s3 =	sld [smem:$0x3FA4]  }
0x31: {  	[smem:$0x3FAD] =	sst s10  }
0x32: {  	s10 =	sld [smem:$0x3FAB];
	_ =	sdelay $0x3  }
0x33: {  	p0 =	seq.s32 s10, $0x1;
	s10 =	sld [smem:$0x3FAD];
	_ =	sdelay $0x3  }
0x34: {  	[smem:$0x3FAD] =	sst s10  }
0x35: {  	s10 =	sld [smem:$0x3FAC];
	_ =	sdelay $0x3  }
0x36: {  	p1 =	seq.s32 s10, $0x1;
	s10 =	sld [smem:$0x3FAD];
	_ =	sdelay $0x3  }
0x37: {  	[smem:$0x3FAD] =	sst s10  }
0x38: {  	s10 =	sld [smem:$0x3FAE]  }
0x39: {  	_ = 	snop;
	(pc) =	sbr.ind lr, $3  }
0x3a: {  	_ = 	snop  }
0x3b: {  	_ = 	snop  }
0x3c: {  	p2 =	seq.s32 s10, $0x1;
	s10 =	sld [smem:$0x3FAD]  }
0x3d: {  	_ =	shalt  }
0x3e: {  	_ =	shalt  }
0x3f: {  	_ =	shalt  }
0x40: {  	_ =	shalt  }
0x41: {  	_ =	shalt  }
0x42: {  	_ =	shalt  }
0x43: {  	_ =	shalt  }
0x44: {  	_ =	shalt  }
0x45: {  	_ =	shalt  }
0x46: {  	_ =	shalt  }
0x47: {  	_ =	shalt  }
0x48: {  	_ =	shalt  }
0x49: {  	_ =	shalt  }
0x4a: {  	_ =	shalt  }
0x4b: {  	_ =	shalt  }
0x4c: {  	_ =	shalt  }
0x4d: {  	_ =	shalt  }
0x4e: {  	_ =	shalt  }
0x4f: {  	_ =	shalt  }
0x50: {  	_ =	shalt  }
0x51: {  	_ =	shalt  }
0x52: {  	_ =	shalt  }
0x53: {  	_ =	shalt  }
0x54: {  	_ =	shalt  }
0x55: {  	_ =	shalt  }
0x56: {  	_ =	shalt  }
0x57: {  	_ =	shalt  }
0x58: {  	_ =	shalt  }
0x59: {  	_ =	shalt  }
0x5a: {  	_ =	shalt  }
0x5b: {  	_ =	shalt  }
0x5c: {  	_ =	shalt  }
0x5d: {  	_ =	shalt  }
0x5e: {  	_ =	shalt  }
0x5f: {  	_ =	shalt  }
0x60: {  	_ =	shalt  }
0x61: {  	_ =	shalt  }
0x62: {  	_ =	shalt  }
0x63: {  	_ =	shalt  }
0x64: {  	_ =	shalt  }
0x65: {  	_ =	shalt  }
0x66: {  	_ =	shalt  }
0x67: {  	_ =	shalt  }
0x68: {  	_ =	shalt  }
0x69: {  	_ =	shalt  }
0x6a: {  	_ =	shalt  }
0x6b: {  	_ =	shalt  }
0x6c: {  	_ =	shalt  }
0x6d: {  	_ =	shalt  }
0x6e: {  	_ =	shalt  }
0x6f: {  	_ =	shalt  }
0x70: {  	_ =	shalt  }
0x71: {  	_ =	shalt  }
0x72: {  	_ =	shalt  }
0x73: {  	_ =	shalt  }
0x74: {  	_ =	shalt  }
0x75: {  	_ =	shalt  }
0x76: {  	_ =	shalt  }
0x77: {  	_ =	shalt  }
0x78: {  	_ =	shalt  }
0x79: {  	_ =	shalt  }
0x7a: {  	_ =	shalt  }
0x7b: {  	_ =	shalt  }
0x7c: {  	_ =	shalt  }
0x7d: {  	_ =	shalt  }
0x7e: {  	_ =	shalt  }
0x7f: {  	_ =	shalt  }
0x80: {  	_ =	shalt  }
0x81: {  	_ =	shalt  }
0x82: {  	_ =	shalt  }
0x83: {  	_ =	shalt  }
0x84: {  	_ =	shalt  }
0x85: {  	_ =	shalt  }
0x86: {  	_ =	shalt  }
0x87: {  	_ =	shalt  }
.Lfunc_end0:
.L_simem_size_0:
called_computation.1_lowered:
.L_overlay_start_0:
0x88: {  	s2 =	sld [smem:$0x3FD9]  }
0x89: {  	s3 =	sld [smem:$0x3FFE];
	_ =	sdelay $0x1  }
0x8a: {  	s1 =	srdreg.scid  }
0x8b: {  	s0 =	sand.u32 $0x1, s1  }
0x8c: {  	s16 =	sshll.u32 s0, $0xA;
	s2 =	sadd.s32 s3, s2  }
0x8d: {  	s2 =	sadd.s32 s2, s16  }
0x8e: {  	[smem:$0x3FB9] =	sst s2  }
0x8f: {  	_ = 	snop  }
0x90: {  	(tm) =	ssettm $0x1  }
0x91: {  	s17 =	sld [smem:$0x3FFB];
	_ =	sdelay $0x3  }
0x92: {  	_ =	strace s17  }
0x93: {  	s2 =	sld [smem:$0x3FFC];
	_ =	sdelay $0x3  }
0x94: {  	_ =	strace s2  }
0x95: {  	s2 =	sld [smem:$0x3FFD];
	_ =	sdelay $0x3  }
0x96: {  	_ =	strace s2  }
0x97: {  	_ =	strace $0x8FFFFFFF  }
0x98: {  	s18 =	sld [smem:$0x3FDB];
	_ =	sdelay $0x1  }
0x99: {  	s19 =	simm.s32 $_scs_section_size  }
0x9a: {  	s4 =	simm.s32 $_size__tile_overlayer_lowered;
	s5 =	simm.s32 $_tile_overlayer_lowered  }
0x9b: {  	s22 =	simm.s32 $0x1BFF;
	s21 =	sshll.u32 s5, $0x1;
	s2 =	sadd.s32 s19, s18  }
0x9c: {  	s6 =	simm.s32 $0x0;
	s20 =	sshll.u32 s4, $0x1;
	s4 =	sadd.s32 s21, s2  }
0x9d: {  	[timem:s6], [sflag:s22] =	dma.local [hbm:s4], s20  }
0x9e: {  	_ =	swait.ge [sflag:s22], s20  }
0x9f: {  	s3 =	ssub.s32 $0x0, s20;
	[sflag:s22] =	ssyncset.done $0x0  }
0xa0: {  	[sflag:s22] =	ssyncadd.s32 s3;
	_ =	sdelay $0x1  }
0xa1: {  	s23 =	simm.s32 $0x1B8B  }
0xa2: {  	_ =	swait.ge [sflag:s23], $0x1  }
0xa3: {  	[sflag:s23] =	ssyncset.done $0x0  }
0xa4: {  	s25 =	simm.s32 $0x1B8E;
	s24 =	sld [smem:$0x3FFE];
	[sflag:s23] =	ssyncadd.s32 $0xFFFFFFFF  }
0xa5: {  	s26 =	simm.s32 $execute0_lowered;
	[smem:$0x3FD2] =	sst s25  }
0xa6: {  	s4 =	sshll.u32 s26, $0x1;
	_ =	strace $0x80000049;
	[dreg:$0x1] =	wrdreg $0xFFFFFFFF  }
0xa7: {  	s28 =	simm.s32 $_size_execute0_lowered;
	s2 =	sadd.s32 s2, s4;
	[dreg:$0x0] =	wrdreg $0x0  }
0xa8: {  	s4 =	sshll.u32 s28, $0x1;
	[dreg:$0x2] =	wrdreg s2  }
0xa9: {  	[dreg:$0x3] =	wrdreg s4  }
0xaa: {  	[dreg:$0x4] =	wrdreg $0xC0  }
0xab: {  	_ =	task [dreg:s6], $0x5FFFF  }
0xac: {  	[dreg:$0x1] =	wrdreg $0xFFFFFFFF  }
0xad: {  	[dreg:$0x0] =	wrdreg $0x60  }
0xae: {  	[dreg:$0x2] =	wrdreg s24  }
0xaf: {  	[dreg:$0x3] =	wrdreg $0xB0000  }
0xb0: {  	[dreg:$0x4] =	wrdreg $0x9  }
0xb1: {  	_ =	task.clear_ibuf [dreg:s6], $0x5FFFF;
	_ =	strace $0x90000049  }
0xb2: {  	s29 =	simm.s32 $0x9;
	_ =	strace $0x8000004B  }
0xb3: {  	_ =	swait.ge [sflag:s29], $0x1  }
0xb4: {  	[sflag:s29] =	ssyncadd.s32 $0xFFFFFFFF  }
0xb5: {  	_ =	strace $0x9000004B  }
0xb6: {  	_ =	sfence  }
0xb7: {  	s30 =	sld [smem:$0x0];
	_ =	sdelay $0x2  }
0xb8: {  	s31 =	sshll.u32 s1, $0xD;
	s1 =	sshrl.u32 s1, $0x2  }
0xb9: {  	s3 =	sand.u32 $0x4000, s31;
	s1 =	sadd.s32 s1, s30  }
0xba: {  	s0 =	sor.u32 s3, s0;
	s1 =	sshll.u32 s1, $0x11  }
0xbb: {  	s0 =	sor.u32 s1, s0  }
0xbc: {  	s0 =	sadd.s32 $0x8F2B, s0  }
0xbd: {  	[sflag:s0] =	ssyncadd.remote.s32 $0x1  }
0xbe: {  	_ =	sfence.sel $0xFFFF  }
0xbf: {  	[dreg:$0x0] =	wrdreg $0xFFFFFFFF;
	(pc) =	sbr.abs _section_cstart, $3  }
0xc0: {  	[dreg:$0x1] =	wrdreg $0xFFFFFFFF  }
0xc1: {  	_ =	task.clear_ibuf [dreg:s6], $0x2FFFF;
	_ =	strace $0x9FFFFFFF  }
0xc2: {  	(tm) =	ssettm $0x7FFFFFFF  }
0xc3: {  	_ =	shalt  }
tec
execute0_lowered:
.L_overlay_start_1:
0x0: {  	(tag) =	ssettag $0x1  }
0x1: {  	s0 =	rddreg [dreg:$0x0]  }
0x2: {  	s1 =	srdreg.scid;
	s2 =	rddreg [dreg:$0x1]  }
0x3: {  	s10 =	stileid.u32;
	s4 =	simm.s32 $0x0;
	s15 =	simm.s32 $0x7000  }
0x4: {  	s16 =	simm.s32 $0x4;
	s17 =	simm.s32 $0x800;
	s18 =	simm.s32 $0x80  }
0x5: {  	s19 =	simm.s32 $0x880;
	s20 =	simm.s32 $0x3000;
	s21 =	simm.s32 $0x900  }
0x6: {  	s22 =	simm.s32 $0x5000;
	s24 =	simm.s32 $0x0;
	s25 =	simm.s32 $0x0  }
0x7: {  	s1 =	sand.u32 $0x1, s1;
	s9 =	smul.u32 $0x14000, s10;
	[smem:$0x7FF] =	sst s4  }
0x8: {  	s4 =	sadd.s32 $0x20E00, s0;
	s5 =	sadd.s32 $0x2E00, s0;
	s7 =	smul.u32 $0x50000, s10  }
0x9: {  	s6 =	sadd.s32 $0x16E00, s0;
	s3 =	smul.u32 $0x140000, s1;
	s29 =	ssub.s32 $0x2, s1  }
0xa: {  	_ =	strace $0x8000004A;
	s1 =	sshll.u32 s1, $0x4;
	s8 =	sshrl.u32 s29, $0x1  }
0xb: {  	v0 =	vlaneseq.u32;
	s7 =	sshrl.u32 s7, $0x2;
	s1 =	sor.u32 s10, s1;
	s3 =	sadd.s32 s9, s3  }
0xc: {  	v0 =	vmul.u32 $0x2, v0;
	s30 =	sadd.s32 s9, s2;
	s7 =	sadd.s32 s7, s2;
	s3 =	sshrl.u32 s3, $0x3  }
0xd: {  	s23 =	sshrl.u32 s30, $0x3;
	s11 =	sadd.s32 $0x4000, s7;
	s0 =	sadd.s32 s3, s0  }
0xe: {  	v1 =	vimm.f32 $0.0e+00;
	v2 =	vor.u32 $0x1, v0;
	s12 =	sadd.s32 $0x8000, s7;
	s3 =	ssub.s32 s29, s8;
	s0 =	sadd.s32 $0x34E00, s0  }
0xf: {  	v3 =	vor.u32 $0x20, v0;
	v4 =	vor.u32 $0x21, v0;
	v5 =	vor.u32 $0x40, v0;
	s13 =	sadd.s32 $0xC000, s7;
	s31 =	smax.u32 s3, $0x1;
	[dreg:$0x3] =	wrdreg s0  }
0x10: {  	v6 =	vor.u32 $0x41, v0;
	v7 =	vor.u32 $0x60, v0;
	v8 =	vor.u32 $0x61, v0;
	s14 =	sadd.s32 $0x10000, s7;
	s8 =	smul.u32 $0x2800, s1;
	[dreg:$0x4] =	wrdreg s31  }
.LBB2_1:
0x11: {  	s1 =	simm.s32 $0x0  }
0x12: {  	s0 =	sand.u32 $0xFE00, s1  }
0x13: {  	s1 =	sand.u32 $0x70, s1;
	s3 =	sshrl.u32 s0, $0x2  }
0x14: {  	s0 =	simm.s32 $0x40;
	s3 =	sor.u32 s1, s3;
	s1 =	simm.s32 $0x0  }
.LBB2_2:
0x15: {  	p0 =	sne.s32 s0, $0xFFC0  }
0x16: {  	[tilespmem:s3+$0x7000] =	vst v1;
	s1 =	sadd.s32 $0x10, s1;
	s3 =	smov.u32 s0;
	s0 =	sadd.s32 $0x40, s0  }
.Ltmp0:
0x17: {  	(pc) =	sbr.rel @p0 .LBB2_2-.Ltmp0, $4  }
0x18: {  	_ = 	snop  }
0x19: {  	s3 =	sand.u32 $0xFE00, s3  }
0x1a: {  	s9 =	sand.u32 $0x70, s1;
	s3 =	sshrl.u32 s3, $0x2  }
0x1b: {  	s3 =	sor.u32 s9, s3  }
0x1c: {  	[tilespmem:s3+$0x7000] =	vst v1  }
0x1d: {  	[spmem:s7] =	stream.linear.scatter [tilespmem:s15], [sflag:$0x4], $0x4000, $0x38;
	[tilespmem:$0x1F000] =	vst v63  }
0x1e: {  	_ =	swait.ge [sflag:s16], $0x4000  }
0x1f: {  	[sflag:s16] =	ssyncset.done $0x0  }
0x20: {  	[sflag:s16] =	ssyncadd.s32 $0xFFFFC000  }
0x21: {  	[spmem:s11] =	stream.linear.scatter [tilespmem:s15], [sflag:$0x4], $0x4000, $0x38;
	[tilespmem:$0x1F000] =	vst v63  }
0x22: {  	_ =	swait.ge [sflag:s16], $0x4000  }
0x23: {  	[sflag:s16] =	ssyncset.done $0x0  }
0x24: {  	[sflag:s16] =	ssyncadd.s32 $0xFFFFC000  }
0x25: {  	[spmem:s12] =	stream.linear.scatter [tilespmem:s15], [sflag:$0x4], $0x4000, $0x38;
	[tilespmem:$0x1F000] =	vst v63  }
0x26: {  	_ =	swait.ge [sflag:s16], $0x4000  }
0x27: {  	[sflag:s16] =	ssyncset.done $0x0  }
0x28: {  	[sflag:s16] =	ssyncadd.s32 $0xFFFFC000  }
0x29: {  	[spmem:s13] =	stream.linear.scatter [tilespmem:s15], [sflag:$0x4], $0x4000, $0x38;
	[tilespmem:$0x1F000] =	vst v63  }
0x2a: {  	_ =	swait.ge [sflag:s16], $0x4000  }
0x2b: {  	[sflag:s16] =	ssyncset.done $0x0  }
0x2c: {  	[sflag:s16] =	ssyncadd.s32 $0xFFFFC000  }
0x2d: {  	[spmem:s14] =	stream.linear.scatter [tilespmem:s15], [sflag:$0x4], $0x4000, $0x38;
	[tilespmem:$0x1F000] =	vst v63  }
0x2e: {  	_ =	swait.ge [sflag:s16], $0x4000  }
0x2f: {  	[sflag:s16] =	ssyncset.done $0x0  }
0x30: {  	[sflag:s16] =	ssyncadd.s32 $0xFFFFC000  }
0x31: {  	s26 =	simm.s32 $0x0;
	[bflag:$0x0] =	sbarrier.arrive $0xFFFF  }
.LBB2_4:
0x32: {  	s0 =	sshll.u32 s26, $0xB  }
0x33: {  	s0 =	sadd.s32 s8, s0  }
0x34: {  	s0 =	sshrl.u32 s0, $0x3  }
0x35: {  	s1 =	sadd.s32 s5, s0  }
0x36: {  	[tilespmem:s25], [sflag:$0x4] =	stream.linear.gather [hbm4b:s1+s25], $0x800, $0x38;
	[tilespmem:$0x1F000] =	vst v63  }
0x37: {  	_ =	swait.ge [sflag:s16], $0x800  }
0x38: {  	[sflag:s16] =	ssyncset.done $0x0  }
0x39: {  	s0 =	sadd.s32 s6, s0;
	[sflag:s16] =	ssyncadd.s32 $0xFFFFF800  }
0x3a: {  	[tilespmem:s17], [sflag:$0x4] =	stream.linear.gather [hbm4b:s0+s25], $0x800, $0x38;
	[tilespmem:$0x1F000] =	vst v63  }
0x3b: {  	_ =	swait.ge [sflag:s16], $0x800  }
0x3c: {  	[sflag:s16] =	ssyncset.done $0x0  }
0x3d: {  	s28 =	simm.s32 $0x1000;
	[sflag:s16] =	ssyncadd.s32 $0xFFFFF800  }
0x3e: {  	[tilespmem:s28], [sflag:$0x1] =	stream.indirect.gather [hbm4b:s4+s18], $0x40, s17, s18, $0xb8;
	[tilespmem:$0x1F000] =	vst v63  }
0x3f: {  	_ = 	snop  }
0x40: {  	[tilespmem:s20], [sflag:$0x2] =	stream.indirect.gather [hbm4b:s4+s18], $0x40, s19, s18, $0xb8;
	[tilespmem:$0x1F000] =	vst v63  }
0x41: {  	s29 =	simm.s32 $0x0  }
0x42: {  	[tilespmem:s22], [sflag:$0x3] =	stream.indirect.gather [hbm4b:s4+s18], $0x40, s21, s18, $0xb8;
	[tilespmem:$0x1F000] =	vst v63  }
.LBB2_5:
0x43: {  	s0 =	smul.u32 $0xAB, s29;
	_ =	sdelay $0x1  }
0x44: {  	s0 =	sshrl.u32 s0, $0x9  }
0x45: {  	s0 =	sand.u32 $0x7F, s0  }
0x46: {  	s0 =	smul.u32 $0x3, s0  }
0x47: {  	s1 =	smulhi.u32 $0xAAAAAAAB, s29  }
0x48: {  	s0 =	ssub.s32 s29, s0  }
0x49: {  	s1 =	sshrl.u32 s1, $0x1;
	s0 =	sand.u32 $0xFF, s0  }
0x4a: {  	s1 =	smul.u32 $0xFFFE8000, s1;
	s30 =	sadd.s32 $0x1, s0  }
0x4b: {  	_ =	swait.ge [sflag:s30], $0x2000  }
0x4c: {  	s1 =	sshra.s32 s1, $0x2;
	[sflag:s30] =	ssyncset.done $0x0  }
0x4d: {  	s31 =	sadd.s32 s1, s28;
	[sflag:s30] =	ssyncadd.s32 $0xFFFFE000  }
0x4e: {  	s10 =	simm.s32 $0x0;
	v9 =	vld [tilespmem:s31+$0x0]  }
0x4f: {  	v10 =	vor.u32 s10, v0  }
0x50: {  	v11 =	vor.u32 s10, v2;
	_ =	sdelay $0x2  }
0x51: {  	v12 =	vshll.u32 v9, $0x10  }
0x52: {  	v9 =	vand.u32 $0xFFFF0000, v9;
	[tilespmem:v10+s15+$0x0] =	vst.idx.msk $0xffff, v12  }
0x53: {  	[tilespmem:v11+s15+$0x0] =	vst.idx.msk $0xffff, v9  }
0x54: {  	v9 =	vld [tilespmem:s31+$0x10]  }
0x55: {  	v10 =	vor.u32 s10, v3  }
0x56: {  	v11 =	vor.u32 s10, v4;
	_ =	sdelay $0x2  }
0x57: {  	v57 =	vshll.u32 v9, $0x10  }
0x58: {  	v9 =	vand.u32 $0xFFFF0000, v9;
	[tilespmem:v10+s15+$0x0] =	vst.idx.msk $0xffff, v57  }
0x59: {  	[tilespmem:v11+s15+$0x0] =	vst.idx.msk $0xffff, v9  }
0x5a: {  	v9 =	vld [tilespmem:s31+$0x20]  }
0x5b: {  	v10 =	vor.u32 s10, v5  }
0x5c: {  	v11 =	vor.u32 s10, v6;
	_ =	sdelay $0x2  }
0x5d: {  	v58 =	vshll.u32 v9, $0x10  }
0x5e: {  	v9 =	vand.u32 $0xFFFF0000, v9;
	[tilespmem:v10+s15+$0x0] =	vst.idx.msk $0xffff, v58  }
0x5f: {  	[tilespmem:v11+s15+$0x0] =	vst.idx.msk $0xffff, v9  }
0x60: {  	v9 =	vld [tilespmem:s31+$0x30]  }
0x61: {  	v10 =	vor.u32 s10, v7  }
0x62: {  	v11 =	vor.u32 s10, v8;
	_ =	sdelay $0x2  }
0x63: {  	v59 =	vshll.u32 v9, $0x10  }
0x64: {  	v9 =	vand.u32 $0xFFFF0000, v9;
	[tilespmem:v10+s15+$0x0] =	vst.idx.msk $0xffff, v59  }
0x65: {  	[tilespmem:v11+s15+$0x0] =	vst.idx.msk $0xffff, v9  }
0x66: {  	s9 =	simm.s32 $0x80;
	v9 =	vld [tilespmem:s31+$0x40]  }
0x67: {  	v10 =	vor.u32 s9, v0  }
0x68: {  	v11 =	vor.u32 s9, v2;
	_ =	sdelay $0x2  }
0x69: {  	v60 =	vshll.u32 v9, $0x10  }
0x6a: {  	v9 =	vand.u32 $0xFFFF0000, v9;
	[tilespmem:v10+s15+$0x0] =	vst.idx.msk $0xffff, v60  }
0x6b: {  	[tilespmem:v11+s15+$0x0] =	vst.idx.msk $0xffff, v9  }
0x6c: {  	v9 =	vld [tilespmem:s31+$0x50]  }
0x6d: {  	v10 =	vor.u32 s9, v3  }
0x6e: {  	v11 =	vor.u32 s9, v4;
	_ =	sdelay $0x2  }
0x6f: {  	v61 =	vshll.u32 v9, $0x10  }
0x70: {  	v9 =	vand.u32 $0xFFFF0000, v9;
	[tilespmem:v10+s15+$0x0] =	vst.idx.msk $0xffff, v61  }
0x71: {  	[tilespmem:v11+s15+$0x0] =	vst.idx.msk $0xffff, v9  }
0x72: {  	v9 =	vld [tilespmem:s31+$0x60]  }
0x73: {  	v10 =	vor.u32 s9, v5  }
0x74: {  	v11 =	vor.u32 s9, v6;
	_ =	sdelay $0x2  }
0x75: {  	v62 =	vshll.u32 v9, $0x10  }
0x76: {  	v9 =	vand.u32 $0xFFFF0000, v9;
	[tilespmem:v10+s15+$0x0] =	vst.idx.msk $0xffff, v62  }
0x77: {  	[tilespmem:v11+s15+$0x0] =	vst.idx.msk $0xffff, v9  }
0x78: {  	v10 =	vld [tilespmem:s31+$0x70]  }
0x79: {  	v11 =	vor.u32 s9, v7  }
0x7a: {  	v9 =	vor.u32 s9, v8;
	_ =	sdelay $0x2  }
0x7b: {  	s0 =	sshll.u32 s0, $0xD;
	v63 =	vshll.u32 v10, $0x10  }
0x7c: {  	s3 =	simm.s32 $0x0;
	s1 =	simm.s32 $0x0;
	s0 =	sor.u32 $0x1000, s0;
	v10 =	vand.u32 $0xFFFF0000, v10;
	[tilespmem:v11+s15+$0x0] =	vst.idx.msk $0xffff, v63  }
.LBB2_6:
0x7d: {  	s3 =	sadd.s32 $0x8, s3;
	[tilespmem:v9+s15+$0x0] =	vst.idx.msk $0xffff, v10;
	s1 =	sadd.s32 $0x2, s1;
	s31 =	sadd.s32 $0x80, s31  }
0x7e: {  	v9 =	vld [tilespmem:s31+$0x0];
	s10 =	sshll.u32 s1, $0x7;
	p0 =	slt.u32 s3, $0x1F8  }
0x7f: {  	v10 =	vor.u32 s10, v0;
	s9 =	sadd.s32 $0x80, s10  }
0x80: {  	v11 =	vor.u32 s10, v2;
	_ =	sdelay $0x2  }
0x81: {  	v12 =	vshll.u32 v9, $0x10  }
0x82: {  	v9 =	vand.u32 $0xFFFF0000, v9;
	[tilespmem:v10+s15+$0x0] =	vst.idx.msk $0xffff, v12  }
0x83: {  	[tilespmem:v11+s15+$0x0] =	vst.idx.msk $0xffff, v9  }
0x84: {  	v9 =	vld [tilespmem:s31+$0x10]  }
0x85: {  	v10 =	vor.u32 s10, v3  }
0x86: {  	v11 =	vor.u32 s10, v4;
	_ =	sdelay $0x2  }
0x87: {  	v12 =	vshll.u32 v9, $0x10  }
0x88: {  	v9 =	vand.u32 $0xFFFF0000, v9;
	[tilespmem:v10+s15+$0x0] =	vst.idx.msk $0xffff, v12  }
0x89: {  	[tilespmem:v11+s15+$0x0] =	vst.idx.msk $0xffff, v9  }
0x8a: {  	v9 =	vld [tilespmem:s31+$0x20]  }
0x8b: {  	v10 =	vor.u32 s10, v5  }
0x8c: {  	v11 =	vor.u32 s10, v6;
	_ =	sdelay $0x2  }
0x8d: {  	v12 =	vshll.u32 v9, $0x10  }
0x8e: {  	v9 =	vand.u32 $0xFFFF0000, v9;
	[tilespmem:v10+s15+$0x0] =	vst.idx.msk $0xffff, v12  }
0x8f: {  	[tilespmem:v11+s15+$0x0] =	vst.idx.msk $0xffff, v9  }
0x90: {  	v9 =	vld [tilespmem:s31+$0x30]  }
0x91: {  	v10 =	vor.u32 s10, v7  }
0x92: {  	v11 =	vor.u32 s10, v8;
	_ =	sdelay $0x2  }
0x93: {  	v12 =	vshll.u32 v9, $0x10  }
0x94: {  	v9 =	vand.u32 $0xFFFF0000, v9;
	[tilespmem:v10+s15+$0x0] =	vst.idx.msk $0xffff, v12  }
0x95: {  	[tilespmem:v11+s15+$0x0] =	vst.idx.msk $0xffff, v9  }
0x96: {  	v9 =	vld [tilespmem:s31+$0x40]  }
0x97: {  	v10 =	vor.u32 s9, v0  }
0x98: {  	v11 =	vor.u32 s9, v2;
	_ =	sdelay $0x2  }
0x99: {  	v12 =	vshll.u32 v9, $0x10  }
0x9a: {  	v9 =	vand.u32 $0xFFFF0000, v9;
	[tilespmem:v10+s15+$0x0] =	vst.idx.msk $0xffff, v12  }
0x9b: {  	[tilespmem:v11+s15+$0x0] =	vst.idx.msk $0xffff, v9  }
0x9c: {  	v9 =	vld [tilespmem:s31+$0x50]  }
0x9d: {  	v10 =	vor.u32 s9, v3  }
0x9e: {  	v11 =	vor.u32 s9, v4;
	_ =	sdelay $0x2  }
0x9f: {  	v12 =	vshll.u32 v9, $0x10  }
0xa0: {  	v9 =	vand.u32 $0xFFFF0000, v9;
	[tilespmem:v10+s15+$0x0] =	vst.idx.msk $0xffff, v12  }
0xa1: {  	[tilespmem:v11+s15+$0x0] =	vst.idx.msk $0xffff, v9  }
0xa2: {  	v9 =	vld [tilespmem:s31+$0x60]  }
0xa3: {  	v10 =	vor.u32 s9, v5  }
0xa4: {  	v11 =	vor.u32 s9, v6;
	_ =	sdelay $0x2  }
0xa5: {  	v12 =	vshll.u32 v9, $0x10  }
0xa6: {  	v9 =	vand.u32 $0xFFFF0000, v9;
	[tilespmem:v10+s15+$0x0] =	vst.idx.msk $0xffff, v12  }
0xa7: {  	[tilespmem:v11+s15+$0x0] =	vst.idx.msk $0xffff, v9  }
0xa8: {  	v10 =	vld [tilespmem:s31+$0x70]  }
0xa9: {  	v11 =	vor.u32 s9, v7  }
.Ltmp1:
0xaa: {  	v9 =	vor.u32 s9, v8;
	(pc) =	sbr.rel @p0 .LBB2_6-.Ltmp1, $3  }
0xab: {  	_ =	sdelay $0x1  }
0xac: {  	v12 =	vshll.u32 v10, $0x10  }
0xad: {  	v10 =	vand.u32 $0xFFFF0000, v10;
	[tilespmem:v11+s15+$0x0] =	vst.idx.msk $0xffff, v12  }
0xae: {  	_ =	sdelay $0x1  }
0xaf: {  	p0 =	sgt.u32 s29, $0xC;
	s1 =	sshll.u32 s29, $0x9  }
0xb0: {  	s3 =	sshrl.u32 @!p0 s1, $0x2  }
0xb1: {  	[tilespmem:v9+s15+$0x0] =	vst.idx.msk $0xffff, v10;
	s29 =	sadd.s32 $0x1, s29;
	s9 =	simm.s32 @!p0 $0x80;
	s3 =	sadd.s32 @!p0 $0x980, s3  }
0xb2: {  	[tilespmem:s0], [sflag:s30] =	stream.indirect.gather @!p0 [hbm4b:s4+s9], $0x40, s3, s9, $0xb8;
	[tilespmem:$0x1F000] =	vst v63  }
0xb3: {  	p0 =	sne.s32 s29, $0x10  }
.Ltmp2:
0xb4: {  	s31 =	sshrl.u32 s1, $0x2;
	(pc) =	sbr.rel @p0 .LBB2_5-.Ltmp2, $4  }
0xb5: {  	[spmem:s2] =	stream.indirect.scatter.add.f32 [tilespmem:s15], [sflag:$0x4], $0x80, s31, s18, $0xb8;
	[tilespmem:$0x1F000] =	vst v63  }
0xb6: {  	_ =	swait.ge [sflag:s16], $0x4000  }
0xb7: {  	[sflag:s16] =	ssyncset.done $0x0  }
0xb8: {  	s28 =	sadd.s32 $0x2000, s28;
	[sflag:s16] =	ssyncadd.s32 $0xFFFFC000  }
0xb9: {  	s26 =	sadd.s32 $0x1, s26  }
0xba: {  	p0 =	sne.s32 s26, $0x5  }
.Ltmp3:
0xbb: {  	_ = 	snop;
	(pc) =	sbr.rel @p0 .LBB2_4-.Ltmp3, $1  }
0xbc: {  	_ =	sdelay $0x3  }
0xbd: {  	s0 =	stileid.u32  }
0xbe: {  	[bflag:$0x0] =	sbarrier.arrive $0xFFFF;
	s0 =	sshll.u32 s0, $0x6  }
0xbf: {  	s1 =	rddreg [dreg:$0x3];
	s0 =	sor.u32 $0x1C04, s0  }
0xc0: {  	[hbm:s1], [sflag:s0] =	dma.local [spmem:s23], $0x2800  }
0xc1: {  	_ =	swait.ge [sflag:s16], $0x2800  }
0xc2: {  	s24 =	sadd.s32 $0x1, s24;
	s31 =	rddreg [dreg:$0x4]  }
0xc3: {  	p0 =	sne.s32 s24, s31  }
.Ltmp4:
0xc4: {  	_ = 	snop;
	(pc) =	sbr.rel @p0 .LBB2_1-.Ltmp4, $3  }
0xc5: {  	_ =	sdelay $0x1  }
0xc6: {  	[sflag:s16] =	ssyncset.done $0x0  }
0xc7: {  	[sflag:s16] =	ssyncadd.s32 $0xFFFFD800  }
0xc8: {  	_ =	sfence.sel $0x180000  }
0xc9: {  	[bflag:$0x0] =	sbarrier.arrive $0xFFFF  }
0xca: {  	_ =	strace $0x9000004A  }
0xcb: {  	s0 =	stileid.u32;
	[bflag:$0x2] =	sbarrier.arrive $0xFFFF  }
0xcc: {  	p0 =	sne.s32 s0, $0x0;
	s0 =	rddreg [dreg:$0x2]  }
0xcd: {  	s0 =	sadd.s32 @!p0 $0x100000, s0  }
0xce: {  	[sflag:s0] =	ssyncadd.tile.s32 @!p0 $0x1;
	_ =	shalt  }
.Lfunc_end2:
_tile_overlayer_lowered:
.L_overlay_start_2:
0xcf: {  	(tag) =	ssettag $0x2  }
0xd0: {  	s0 =	rddreg [dreg:$0x0];
	s2 =	stileid.u32  }
0xd1: {  	s1 =	rddreg [dreg:$0x1];
	p0 =	sne.s32 s2, $0x0  }
0xd2: {  	s3 =	rddreg [dreg:$0x2];
	[bflag:$0x3] =	sbarrier.arrive $0xFFFF;
	s2 =	simm.s32 @!p0 $0x1C04  }
0xd3: {  	[timem:s3], [sflag:s2] =	dma.local @!p0 [hbm:s0], s1  }
0xd4: {  	s0 =	simm.s32 @!p0 $0x4  }
0xd5: {  	_ =	swait.ge @!p0 [sflag:s0], s1  }
0xd6: {  	s1 =	ssub.s32 @!p0 $0x0, s1;
	[sflag:s0] =	ssyncset.done @!p0 $0x0  }
0xd7: {  	[sflag:s0] =	ssyncadd.s32 @!p0 s1  }
0xd8: {  	[bflag:$0x3] =	sbarrier.arrive $0xFFFF  }
0xd9: {  	_ =	shalt  }

// kernel: kernel.16.cloned.1.call-start
scs
__scs_entry_jumppad:
0x0: {  	(pc) =	sbr.rel $0x88, $3  }
0x1: {  	(tag) =	ssettag $0x0;
	lr =	simm.s32 $0x1  }
0x2: {  	[smem:$0x3F92] =	sst lr;
	_ =	strace $0xD0000000  }
0x3: {  	_ = 	snop  }
0x4: {  	_ = 	snop  }
0x5: {  	_ = 	snop  }
0x6: {  	_ = 	snop  }
0x7: {  	_ = 	snop  }
__scs_overlays_trampoline_lowered:
0x8: {  	[smem:$0x3FA1] =	sst s0  }
0x9: {  	[smem:$0x3FA2] =	sst s1  }
0xa: {  	[smem:$0x3FA3] =	sst s2  }
0xb: {  	[smem:$0x3FA4] =	sst s3  }
0xc: {  	[smem:$0x3FA5] =	sst s4  }
0xd: {  	[smem:$0x3FA6] =	sst s5  }
0xe: {  	[smem:$0x3FA7] =	sst s6  }
0xf: {  	[smem:$0x3FA8] =	sst s7  }
0x10: {  	[smem:$0x3FA9] =	sst s8  }
0x11: {  	[smem:$0x3FAA] =	sst s9;
	s0 =	simm.s32 @!p0 $0x0  }
0x12: {  	s1 =	sld [smem:$0x3F90];
	s0 =	simm.s32 @p0 $0x1  }
0x13: {  	[smem:$0x3FAB] =	sst s0;
	s0 =	simm.s32 @!p1 $0x0  }
0x14: {  	s2 =	sld [smem:$0x3F8F];
	s0 =	simm.s32 @p1 $0x1  }
0x15: {  	[smem:$0x3FAC] =	sst s0;
	s0 =	simm.s32 @!p2 $0x0  }
0x16: {  	s3 =	sld [smem:$0x3FDB];
	s0 =	simm.s32 @p2 $0x1  }
0x17: {  	s4 =	simm.s32 $0x1BF5;
	[smem:$0x3FAE] =	sst s0  }
0x18: {  	s0 =	sld [smem:$0x3F91];
	_ =	swait.ge [sflag:s4], $0x0  }
0x19: {  	s7 =	sld [smem:$0x3F92]  }
0x1a: {  	s8 =	sadd.s32 $0xFFFFE003, lr  }
0x1b: {  	s9 =	sadd.s32 $0xFFFFFEF7, lr;
	s5 =	simm.s32 $0xFFFFFFFF;
	p2 =	slt.u32 s8, $0xFFFFF086  }
0x1c: {  	p1 =	slt.u32 s9, $0xF7A;
	s5 =	simm.s32 @!p2 $0x0  }
0x1d: {  	s5 =	simm.s32 @p1 $0x1;
	p0 =	seq.s32 s7, s2  }
0x1e: {  	s7 =	smul.u32 @!p0 $0xF7A, s2;
	p2 =	seq.s32 @!p0 s5, $0x0  }
0x1f: {  	s9 =	smul.u32 $0xF7A, s1;
	s8 =	simm.s32 @!p0 $0x1BF5;
	p2 =	por !p2, p0  }
0x20: {  	[sflag:s8] =	ssyncset.s32 @!p0 $0xFFFFF086;
	s6 =	sadd.s32 @!p0 s3, s7;
	s7 =	simm.s32 @!p0 $0x108  }
0x21: {  	s3 =	sadd.s32 s3, s9;
	s6 =	sadd.s32 @!p0 $0x88, s6;
	s7 =	simm.s32 @p2 $0x1082  }
0x22: {  	[simem:s7], [sflag:s8] =	dma.local @!p0 [hbm:s6], $0xF7A  }
0x23: {  	s9 =	sor.u32 $0xD0000000, s2;
	s6 =	simm.s32 $0x108;
	_ =	swait.ge @!p0 [sflag:s8], $0x0  }
0x24: {  	s3 =	sadd.s32 $0x88, s3;
	s6 =	simm.s32 @!p1 $0x1082;
	[sflag:s4] =	ssyncset.s32 $0xFFFFF086  }
0x25: {  	[simem:s6], [sflag:s4] =	dma.local [hbm:s3], $0xF7A  }
0x26: {  	[smem:$0x3F92] =	sst s1;
	(tag) =	ssettag s2;
	_ =	strace s9  }
0x27: {  	s1 =	sld [smem:$0x3FA2]  }
0x28: {  	s2 =	sld [smem:$0x3FA3]  }
0x29: {  	s4 =	sld [smem:$0x3FA5]  }
0x2a: {  	p0 =	seq.s32 s5, $0x0;
	s5 =	sld [smem:$0x3FA6]  }
0x2b: {  	s6 =	sld [smem:$0x3FA7]  }
0x2c: {  	s7 =	sld [smem:$0x3FA8]  }
0x2d: {  	s3 =	simm.s32 $0x108;
	s8 =	sld [smem:$0x3FA9]  }
0x2e: {  	s3 =	simm.s32 @!p0 $0x1082;
	s9 =	sld [smem:$0x3FAA]  }
0x2f: {  	lr =	sadd.s32 s0, s3;
	s0 =	sld [smem:$0x3FA1]  }
0x30: {  	s3 =	sld [smem:$0x3FA4]  }
0x31: {  	[smem:$0x3FAD] =	sst s10  }
0x32: {  	s10 =	sld [smem:$0x3FAB];
	_ =	sdelay $0x3  }
0x33: {  	p0 =	seq.s32 s10, $0x1;
	s10 =	sld [smem:$0x3FAD];
	_ =	sdelay $0x3  }
0x34: {  	[smem:$0x3FAD] =	sst s10  }
0x35: {  	s10 =	sld [smem:$0x3FAC];
	_ =	sdelay $0x3  }
0x36: {  	p1 =	seq.s32 s10, $0x1;
	s10 =	sld [smem:$0x3FAD];
	_ =	sdelay $0x3  }
0x37: {  	[smem:$0x3FAD] =	sst s10  }
0x38: {  	s10 =	sld [smem:$0x3FAE]  }
0x39: {  	_ = 	snop;
	(pc) =	sbr.ind lr, $3  }
0x3a: {  	_ = 	snop  }
0x3b: {  	_ = 	snop  }
0x3c: {  	p2 =	seq.s32 s10, $0x1;
	s10 =	sld [smem:$0x3FAD]  }
0x3d: {  	_ =	shalt  }
0x3e: {  	_ =	shalt  }
0x3f: {  	_ =	shalt  }
0x40: {  	_ =	shalt  }
0x41: {  	_ =	shalt  }
0x42: {  	_ =	shalt  }
0x43: {  	_ =	shalt  }
0x44: {  	_ =	shalt  }
0x45: {  	_ =	shalt  }
0x46: {  	_ =	shalt  }
0x47: {  	_ =	shalt  }
0x48: {  	_ =	shalt  }
0x49: {  	_ =	shalt  }
0x4a: {  	_ =	shalt  }
0x4b: {  	_ =	shalt  }
0x4c: {  	_ =	shalt  }
0x4d: {  	_ =	shalt  }
0x4e: {  	_ =	shalt  }
0x4f: {  	_ =	shalt  }
0x50: {  	_ =	shalt  }
0x51: {  	_ =	shalt  }
0x52: {  	_ =	shalt  }
0x53: {  	_ =	shalt  }
0x54: {  	_ =	shalt  }
0x55: {  	_ =	shalt  }
0x56: {  	_ =	shalt  }
0x57: {  	_ =	shalt  }
0x58: {  	_ =	shalt  }
0x59: {  	_ =	shalt  }
0x5a: {  	_ =	shalt  }
0x5b: {  	_ =	shalt  }
0x5c: {  	_ =	shalt  }
0x5d: {  	_ =	shalt  }
0x5e: {  	_ =	shalt  }
0x5f: {  	_ =	shalt  }
0x60: {  	_ =	shalt  }
0x61: {  	_ =	shalt  }
0x62: {  	_ =	shalt  }
0x63: {  	_ =	shalt  }
0x64: {  	_ =	shalt  }
0x65: {  	_ =	shalt  }
0x66: {  	_ =	shalt  }
0x67: {  	_ =	shalt  }
0x68: {  	_ =	shalt  }
0x69: {  	_ =	shalt  }
0x6a: {  	_ =	shalt  }
0x6b: {  	_ =	shalt  }
0x6c: {  	_ =	shalt  }
0x6d: {  	_ =	shalt  }
0x6e: {  	_ =	shalt  }
0x6f: {  	_ =	shalt  }
0x70: {  	_ =	shalt  }
0x71: {  	_ =	shalt  }
0x72: {  	_ =	shalt  }
0x73: {  	_ =	shalt  }
0x74: {  	_ =	shalt  }
0x75: {  	_ =	shalt  }
0x76: {  	_ =	shalt  }
0x77: {  	_ =	shalt  }
0x78: {  	_ =	shalt  }
0x79: {  	_ =	shalt  }
0x7a: {  	_ =	shalt  }
0x7b: {  	_ =	shalt  }
0x7c: {  	_ =	shalt  }
0x7d: {  	_ =	shalt  }
0x7e: {  	_ =	shalt  }
0x7f: {  	_ =	shalt  }
0x80: {  	_ =	shalt  }
0x81: {  	_ =	shalt  }
0x82: {  	_ =	shalt  }
0x83: {  	_ =	shalt  }
0x84: {  	_ =	shalt  }
0x85: {  	_ =	shalt  }
0x86: {  	_ =	shalt  }
0x87: {  	_ =	shalt  }
.Lfunc_end0:
.L_simem_size_0:
called_computation.2_lowered:
.L_overlay_start_0:
0x88: {  	s2 =	sld [smem:$0x3FD9]  }
0x89: {  	s3 =	sld [smem:$0x3FFE];
	_ =	sdelay $0x1  }
0x8a: {  	s1 =	srdreg.scid  }
0x8b: {  	s0 =	sand.u32 $0x1, s1  }
0x8c: {  	s16 =	sshll.u32 s0, $0xA;
	s2 =	sadd.s32 s3, s2  }
0x8d: {  	s2 =	sadd.s32 s2, s16  }
0x8e: {  	[smem:$0x3FB9] =	sst s2  }
0x8f: {  	_ = 	snop  }
0x90: {  	(tm) =	ssettm $0x1  }
0x91: {  	s17 =	sld [smem:$0x3FFB];
	_ =	sdelay $0x3  }
0x92: {  	_ =	strace s17  }
0x93: {  	s2 =	sld [smem:$0x3FFC];
	_ =	sdelay $0x3  }
0x94: {  	_ =	strace s2  }
0x95: {  	s2 =	sld [smem:$0x3FFD];
	_ =	sdelay $0x3  }
0x96: {  	_ =	strace s2  }
0x97: {  	_ =	strace $0x8FFFFFFF  }
0x98: {  	s18 =	sld [smem:$0x3FDB];
	_ =	sdelay $0x1  }
0x99: {  	s19 =	simm.s32 $_scs_section_size  }
0x9a: {  	s4 =	simm.s32 $_size__tile_overlayer_lowered;
	s5 =	simm.s32 $_tile_overlayer_lowered  }
0x9b: {  	s22 =	simm.s32 $0x1BFF;
	s21 =	sshll.u32 s5, $0x1;
	s2 =	sadd.s32 s19, s18  }
0x9c: {  	s6 =	simm.s32 $0x0;
	s20 =	sshll.u32 s4, $0x1;
	s4 =	sadd.s32 s21, s2  }
0x9d: {  	[timem:s6], [sflag:s22] =	dma.local [hbm:s4], s20  }
0x9e: {  	_ =	swait.ge [sflag:s22], s20  }
0x9f: {  	s3 =	ssub.s32 $0x0, s20;
	[sflag:s22] =	ssyncset.done $0x0  }
0xa0: {  	[sflag:s22] =	ssyncadd.s32 s3;
	_ =	sdelay $0x1  }
0xa1: {  	s23 =	simm.s32 $0x1B8B  }
0xa2: {  	_ =	swait.ge [sflag:s23], $0x1  }
0xa3: {  	[sflag:s23] =	ssyncset.done $0x0  }
0xa4: {  	s25 =	simm.s32 $0x1B8E;
	s24 =	sld [smem:$0x3FFE];
	[sflag:s23] =	ssyncadd.s32 $0xFFFFFFFF  }
0xa5: {  	s26 =	simm.s32 $execute0_lowered;
	[smem:$0x3FD2] =	sst s25  }
0xa6: {  	s4 =	sshll.u32 s26, $0x1;
	_ =	strace $0x8000004C;
	[dreg:$0x1] =	wrdreg $0xFFFFFFFF  }
0xa7: {  	s28 =	simm.s32 $_size_execute0_lowered;
	s2 =	sadd.s32 s2, s4;
	[dreg:$0x0] =	wrdreg $0x0  }
0xa8: {  	s4 =	sshll.u32 s28, $0x1;
	[dreg:$0x2] =	wrdreg s2  }
0xa9: {  	[dreg:$0x3] =	wrdreg s4  }
0xaa: {  	[dreg:$0x4] =	wrdreg $0xC0  }
0xab: {  	_ =	task [dreg:s6], $0x5FFFF  }
0xac: {  	[dreg:$0x1] =	wrdreg $0xFFFFFFFF  }
0xad: {  	[dreg:$0x0] =	wrdreg $0x60  }
0xae: {  	[dreg:$0x2] =	wrdreg s24  }
0xaf: {  	[dreg:$0x3] =	wrdreg $0xB0000  }
0xb0: {  	[dreg:$0x4] =	wrdreg $0x9  }
0xb1: {  	_ =	task.clear_ibuf [dreg:s6], $0x5FFFF;
	_ =	strace $0x9000004C  }
0xb2: {  	s29 =	simm.s32 $0x9;
	_ =	strace $0x8000004E  }
0xb3: {  	_ =	swait.ge [sflag:s29], $0x1  }
0xb4: {  	[sflag:s29] =	ssyncadd.s32 $0xFFFFFFFF  }
0xb5: {  	_ =	strace $0x9000004E  }
0xb6: {  	_ =	sfence  }
0xb7: {  	s30 =	sld [smem:$0x0];
	_ =	sdelay $0x2  }
0xb8: {  	s31 =	sshll.u32 s1, $0xD;
	s1 =	sshrl.u32 s1, $0x2  }
0xb9: {  	s3 =	sand.u32 $0x4000, s31;
	s1 =	sadd.s32 s1, s30  }
0xba: {  	s0 =	sor.u32 s3, s0;
	s1 =	sshll.u32 s1, $0x11  }
0xbb: {  	s0 =	sor.u32 s1, s0  }
0xbc: {  	s0 =	sadd.s32 $0x8F2B, s0  }
0xbd: {  	[sflag:s0] =	ssyncadd.remote.s32 $0x1  }
0xbe: {  	_ =	sfence.sel $0xFFFF  }
0xbf: {  	[dreg:$0x0] =	wrdreg $0xFFFFFFFF;
	(pc) =	sbr.abs _section_cstart, $3  }
0xc0: {  	[dreg:$0x1] =	wrdreg $0xFFFFFFFF  }
0xc1: {  	_ =	task.clear_ibuf [dreg:s6], $0x2FFFF;
	_ =	strace $0x9FFFFFFF  }
0xc2: {  	(tm) =	ssettm $0x7FFFFFFF  }
0xc3: {  	_ =	shalt  }
tec
execute0_lowered:
.L_overlay_start_1:
0x0: {  	(tag) =	ssettag $0x1  }
0x1: {  	s0 =	rddreg [dreg:$0x0]  }
0x2: {  	s1 =	srdreg.scid;
	s2 =	rddreg [dreg:$0x1]  }
0x3: {  	s10 =	stileid.u32;
	s4 =	simm.s32 $0x0;
	s15 =	simm.s32 $0x7000  }
0x4: {  	s16 =	simm.s32 $0x4;
	s17 =	simm.s32 $0x800;
	s18 =	simm.s32 $0x80  }
0x5: {  	s19 =	simm.s32 $0x880;
	s20 =	simm.s32 $0x3000;
	s21 =	simm.s32 $0x900  }
0x6: {  	s22 =	simm.s32 $0x5000;
	s24 =	simm.s32 $0x0;
	s25 =	simm.s32 $0x0  }
0x7: {  	s1 =	sand.u32 $0x1, s1;
	s9 =	smul.u32 $0x14000, s10;
	[smem:$0x7FF] =	sst s4  }
0x8: {  	s4 =	sadd.s32 $0x20E00, s0;
	s5 =	sadd.s32 $0x2E00, s0;
	s7 =	smul.u32 $0x50000, s10  }
0x9: {  	s6 =	sadd.s32 $0x16E00, s0;
	s3 =	smul.u32 $0x140000, s1;
	s29 =	ssub.s32 $0x2, s1  }
0xa: {  	_ =	strace $0x8000004D;
	s1 =	sshll.u32 s1, $0x4;
	s8 =	sshrl.u32 s29, $0x1  }
0xb: {  	v0 =	vlaneseq.u32;
	s7 =	sshrl.u32 s7, $0x2;
	s1 =	sor.u32 s10, s1;
	s3 =	sadd.s32 s9, s3  }
0xc: {  	v0 =	vmul.u32 $0x2, v0;
	s30 =	sadd.s32 s9, s2;
	s7 =	sadd.s32 s7, s2;
	s3 =	sshrl.u32 s3, $0x3  }
0xd: {  	s23 =	sshrl.u32 s30, $0x3;
	s11 =	sadd.s32 $0x4000, s7;
	s0 =	sadd.s32 s3, s0  }
0xe: {  	v1 =	vimm.f32 $0.0e+00;
	v2 =	vor.u32 $0x1, v0;
	s12 =	sadd.s32 $0x8000, s7;
	s3 =	ssub.s32 s29, s8;
	s0 =	sadd.s32 $0x34E00, s0  }
0xf: {  	v3 =	vor.u32 $0x20, v0;
	v4 =	vor.u32 $0x21, v0;
	v5 =	vor.u32 $0x40, v0;
	s13 =	sadd.s32 $0xC000, s7;
	s31 =	smax.u32 s3, $0x1;
	[dreg:$0x3] =	wrdreg s0  }
0x10: {  	v6 =	vor.u32 $0x41, v0;
	v7 =	vor.u32 $0x60, v0;
	v8 =	vor.u32 $0x61, v0;
	s14 =	sadd.s32 $0x10000, s7;
	s8 =	smul.u32 $0x2800, s1;
	[dreg:$0x4] =	wrdreg s31  }
.LBB2_1:
0x11: {  	s1 =	simm.s32 $0x0  }
0x12: {  	s0 =	sand.u32 $0xFE00, s1  }
0x13: {  	s1 =	sand.u32 $0x70, s1;
	s3 =	sshrl.u32 s0, $0x2  }
0x14: {  	s0 =	simm.s32 $0x40;
	s3 =	sor.u32 s1, s3;
	s1 =	simm.s32 $0x0  }
.LBB2_2:
0x15: {  	p0 =	sne.s32 s0, $0xFFC0  }
0x16: {  	[tilespmem:s3+$0x7000] =	vst v1;
	s1 =	sadd.s32 $0x10, s1;
	s3 =	smov.u32 s0;
	s0 =	sadd.s32 $0x40, s0  }
.Ltmp0:
0x17: {  	(pc) =	sbr.rel @p0 .LBB2_2-.Ltmp0, $4  }
0x18: {  	_ = 	snop  }
0x19: {  	s3 =	sand.u32 $0xFE00, s3  }
0x1a: {  	s9 =	sand.u32 $0x70, s1;
	s3 =	sshrl.u32 s3, $0x2  }
0x1b: {  	s3 =	sor.u32 s9, s3  }
0x1c: {  	[tilespmem:s3+$0x7000] =	vst v1  }
0x1d: {  	[spmem:s7] =	stream.linear.scatter [tilespmem:s15], [sflag:$0x4], $0x4000, $0x38;
	[tilespmem:$0x1F000] =	vst v63  }
0x1e: {  	_ =	swait.ge [sflag:s16], $0x4000  }
0x1f: {  	[sflag:s16] =	ssyncset.done $0x0  }
0x20: {  	[sflag:s16] =	ssyncadd.s32 $0xFFFFC000  }
0x21: {  	[spmem:s11] =	stream.linear.scatter [tilespmem:s15], [sflag:$0x4], $0x4000, $0x38;
	[tilespmem:$0x1F000] =	vst v63  }
0x22: {  	_ =	swait.ge [sflag:s16], $0x4000  }
0x23: {  	[sflag:s16] =	ssyncset.done $0x0  }
0x24: {  	[sflag:s16] =	ssyncadd.s32 $0xFFFFC000  }
0x25: {  	[spmem:s12] =	stream.linear.scatter [tilespmem:s15], [sflag:$0x4], $0x4000, $0x38;
	[tilespmem:$0x1F000] =	vst v63  }
0x26: {  	_ =	swait.ge [sflag:s16], $0x4000  }
0x27: {  	[sflag:s16] =	ssyncset.done $0x0  }
0x28: {  	[sflag:s16] =	ssyncadd.s32 $0xFFFFC000  }
0x29: {  	[spmem:s13] =	stream.linear.scatter [tilespmem:s15], [sflag:$0x4], $0x4000, $0x38;
	[tilespmem:$0x1F000] =	vst v63  }
0x2a: {  	_ =	swait.ge [sflag:s16], $0x4000  }
0x2b: {  	[sflag:s16] =	ssyncset.done $0x0  }
0x2c: {  	[sflag:s16] =	ssyncadd.s32 $0xFFFFC000  }
0x2d: {  	[spmem:s14] =	stream.linear.scatter [tilespmem:s15], [sflag:$0x4], $0x4000, $0x38;
	[tilespmem:$0x1F000] =	vst v63  }
0x2e: {  	_ =	swait.ge [sflag:s16], $0x4000  }
0x2f: {  	[sflag:s16] =	ssyncset.done $0x0  }
0x30: {  	[sflag:s16] =	ssyncadd.s32 $0xFFFFC000  }
0x31: {  	s26 =	simm.s32 $0x0;
	[bflag:$0x0] =	sbarrier.arrive $0xFFFF  }
.LBB2_4:
0x32: {  	s0 =	sshll.u32 s26, $0xB  }
0x33: {  	s0 =	sadd.s32 s8, s0  }
0x34: {  	s0 =	sshrl.u32 s0, $0x3  }
0x35: {  	s1 =	sadd.s32 s5, s0  }
0x36: {  	[tilespmem:s25], [sflag:$0x4] =	stream.linear.gather [hbm4b:s1+s25], $0x800, $0x38;
	[tilespmem:$0x1F000] =	vst v63  }
0x37: {  	_ =	swait.ge [sflag:s16], $0x800  }
0x38: {  	[sflag:s16] =	ssyncset.done $0x0  }
0x39: {  	s0 =	sadd.s32 s6, s0;
	[sflag:s16] =	ssyncadd.s32 $0xFFFFF800  }
0x3a: {  	[tilespmem:s17], [sflag:$0x4] =	stream.linear.gather [hbm4b:s0+s25], $0x800, $0x38;
	[tilespmem:$0x1F000] =	vst v63  }
0x3b: {  	_ =	swait.ge [sflag:s16], $0x800  }
0x3c: {  	[sflag:s16] =	ssyncset.done $0x0  }
0x3d: {  	s28 =	simm.s32 $0x1000;
	[sflag:s16] =	ssyncadd.s32 $0xFFFFF800  }
0x3e: {  	[tilespmem:s28], [sflag:$0x1] =	stream.indirect.gather [hbm4b:s4+s18], $0x40, s17, s18, $0xb8;
	[tilespmem:$0x1F000] =	vst v63  }
0x3f: {  	_ = 	snop  }
0x40: {  	[tilespmem:s20], [sflag:$0x2] =	stream.indirect.gather [hbm4b:s4+s18], $0x40, s19, s18, $0xb8;
	[tilespmem:$0x1F000] =	vst v63  }
0x41: {  	s29 =	simm.s32 $0x0  }
0x42: {  	[tilespmem:s22], [sflag:$0x3] =	stream.indirect.gather [hbm4b:s4+s18], $0x40, s21, s18, $0xb8;
	[tilespmem:$0x1F000] =	vst v63  }
.LBB2_5:
0x43: {  	s0 =	smul.u32 $0xAB, s29;
	_ =	sdelay $0x1  }
0x44: {  	s0 =	sshrl.u32 s0, $0x9  }
0x45: {  	s0 =	sand.u32 $0x7F, s0  }
0x46: {  	s0 =	smul.u32 $0x3, s0  }
0x47: {  	s1 =	smulhi.u32 $0xAAAAAAAB, s29  }
0x48: {  	s0 =	ssub.s32 s29, s0  }
0x49: {  	s1 =	sshrl.u32 s1, $0x1;
	s0 =	sand.u32 $0xFF, s0  }
0x4a: {  	s1 =	smul.u32 $0xFFFE8000, s1;
	s30 =	sadd.s32 $0x1, s0  }
0x4b: {  	_ =	swait.ge [sflag:s30], $0x2000  }
0x4c: {  	s1 =	sshra.s32 s1, $0x2;
	[sflag:s30] =	ssyncset.done $0x0  }
0x4d: {  	s31 =	sadd.s32 s1, s28;
	[sflag:s30] =	ssyncadd.s32 $0xFFFFE000  }
0x4e: {  	s10 =	simm.s32 $0x0;
	v9 =	vld [tilespmem:s31+$0x0]  }
0x4f: {  	v10 =	vor.u32 s10, v0  }
0x50: {  	v11 =	vor.u32 s10, v2;
	_ =	sdelay $0x2  }
0x51: {  	v12 =	vshll.u32 v9, $0x10  }
0x52: {  	v9 =	vand.u32 $0xFFFF0000, v9;
	[tilespmem:v10+s15+$0x0] =	vst.idx.msk $0xffff, v12  }
0x53: {  	[tilespmem:v11+s15+$0x0] =	vst.idx.msk $0xffff, v9  }
0x54: {  	v9 =	vld [tilespmem:s31+$0x10]  }
0x55: {  	v10 =	vor.u32 s10, v3  }
0x56: {  	v11 =	vor.u32 s10, v4;
	_ =	sdelay $0x2  }
0x57: {  	v57 =	vshll.u32 v9, $0x10  }
0x58: {  	v9 =	vand.u32 $0xFFFF0000, v9;
	[tilespmem:v10+s15+$0x0] =	vst.idx.msk $0xffff, v57  }
0x59: {  	[tilespmem:v11+s15+$0x0] =	vst.idx.msk $0xffff, v9  }
0x5a: {  	v9 =	vld [tilespmem:s31+$0x20]  }
0x5b: {  	v10 =	vor.u32 s10, v5  }
0x5c: {  	v11 =	vor.u32 s10, v6;
	_ =	sdelay $0x2  }
0x5d: {  	v58 =	vshll.u32 v9, $0x10  }
0x5e: {  	v9 =	vand.u32 $0xFFFF0000, v9;
	[tilespmem:v10+s15+$0x0] =	vst.idx.msk $0xffff, v58  }
0x5f: {  	[tilespmem:v11+s15+$0x0] =	vst.idx.msk $0xffff, v9  }
0x60: {  	v9 =	vld [tilespmem:s31+$0x30]  }
0x61: {  	v10 =	vor.u32 s10, v7  }
0x62: {  	v11 =	vor.u32 s10, v8;
	_ =	sdelay $0x2  }
0x63: {  	v59 =	vshll.u32 v9, $0x10  }
0x64: {  	v9 =	vand.u32 $0xFFFF0000, v9;
	[tilespmem:v10+s15+$0x0] =	vst.idx.msk $0xffff, v59  }
0x65: {  	[tilespmem:v11+s15+$0x0] =	vst.idx.msk $0xffff, v9  }
0x66: {  	s9 =	simm.s32 $0x80;
	v9 =	vld [tilespmem:s31+$0x40]  }
0x67: {  	v10 =	vor.u32 s9, v0  }
0x68: {  	v11 =	vor.u32 s9, v2;
	_ =	sdelay $0x2  }
0x69: {  	v60 =	vshll.u32 v9, $0x10  }
0x6a: {  	v9 =	vand.u32 $0xFFFF0000, v9;
	[tilespmem:v10+s15+$0x0] =	vst.idx.msk $0xffff, v60  }
0x6b: {  	[tilespmem:v11+s15+$0x0] =	vst.idx.msk $0xffff, v9  }
0x6c: {  	v9 =	vld [tilespmem:s31+$0x50]  }
0x6d: {  	v10 =	vor.u32 s9, v3  }
0x6e: {  	v11 =	vor.u32 s9, v4;
	_ =	sdelay $0x2  }
0x6f: {  	v61 =	vshll.u32 v9, $0x10  }
0x70: {  	v9 =	vand.u32 $0xFFFF0000, v9;
	[tilespmem:v10+s15+$0x0] =	vst.idx.msk $0xffff, v61  }
0x71: {  	[tilespmem:v11+s15+$0x0] =	vst.idx.msk $0xffff, v9  }
0x72: {  	v9 =	vld [tilespmem:s31+$0x60]  }
0x73: {  	v10 =	vor.u32 s9, v5  }
0x74: {  	v11 =	vor.u32 s9, v6;
	_ =	sdelay $0x2  }
0x75: {  	v62 =	vshll.u32 v9, $0x10  }
0x76: {  	v9 =	vand.u32 $0xFFFF0000, v9;
	[tilespmem:v10+s15+$0x0] =	vst.idx.msk $0xffff, v62  }
0x77: {  	[tilespmem:v11+s15+$0x0] =	vst.idx.msk $0xffff, v9  }
0x78: {  	v10 =	vld [tilespmem:s31+$0x70]  }
0x79: {  	v11 =	vor.u32 s9, v7  }
0x7a: {  	v9 =	vor.u32 s9, v8;
	_ =	sdelay $0x2  }
0x7b: {  	s0 =	sshll.u32 s0, $0xD;
	v63 =	vshll.u32 v10, $0x10  }
0x7c: {  	s3 =	simm.s32 $0x0;
	s1 =	simm.s32 $0x0;
	s0 =	sor.u32 $0x1000, s0;
	v10 =	vand.u32 $0xFFFF0000, v10;
	[tilespmem:v11+s15+$0x0] =	vst.idx.msk $0xffff, v63  }
.LBB2_6:
0x7d: {  	s3 =	sadd.s32 $0x8, s3;
	[tilespmem:v9+s15+$0x0] =	vst.idx.msk $0xffff, v10;
	s1 =	sadd.s32 $0x2, s1;
	s31 =	sadd.s32 $0x80, s31  }
0x7e: {  	v9 =	vld [tilespmem:s31+$0x0];
	s10 =	sshll.u32 s1, $0x7;
	p0 =	slt.u32 s3, $0x1F8  }
0x7f: {  	v10 =	vor.u32 s10, v0;
	s9 =	sadd.s32 $0x80, s10  }
0x80: {  	v11 =	vor.u32 s10, v2;
	_ =	sdelay $0x2  }
0x81: {  	v12 =	vshll.u32 v9, $0x10  }
0x82: {  	v9 =	vand.u32 $0xFFFF0000, v9;
	[tilespmem:v10+s15+$0x0] =	vst.idx.msk $0xffff, v12  }
0x83: {  	[tilespmem:v11+s15+$0x0] =	vst.idx.msk $0xffff, v9  }
0x84: {  	v9 =	vld [tilespmem:s31+$0x10]  }
0x85: {  	v10 =	vor.u32 s10, v3  }
0x86: {  	v11 =	vor.u32 s10, v4;
	_ =	sdelay $0x2  }
0x87: {  	v12 =	vshll.u32 v9, $0x10  }
0x88: {  	v9 =	vand.u32 $0xFFFF0000, v9;
	[tilespmem:v10+s15+$0x0] =	vst.idx.msk $0xffff, v12  }
0x89: {  	[tilespmem:v11+s15+$0x0] =	vst.idx.msk $0xffff, v9  }
0x8a: {  	v9 =	vld [tilespmem:s31+$0x20]  }
0x8b: {  	v10 =	vor.u32 s10, v5  }
0x8c: {  	v11 =	vor.u32 s10, v6;
	_ =	sdelay $0x2  }
0x8d: {  	v12 =	vshll.u32 v9, $0x10  }
0x8e: {  	v9 =	vand.u32 $0xFFFF0000, v9;
	[tilespmem:v10+s15+$0x0] =	vst.idx.msk $0xffff, v12  }
0x8f: {  	[tilespmem:v11+s15+$0x0] =	vst.idx.msk $0xffff, v9  }
0x90: {  	v9 =	vld [tilespmem:s31+$0x30]  }
0x91: {  	v10 =	vor.u32 s10, v7  }
0x92: {  	v11 =	vor.u32 s10, v8;
	_ =	sdelay $0x2  }
0x93: {  	v12 =	vshll.u32 v9, $0x10  }
0x94: {  	v9 =	vand.u32 $0xFFFF0000, v9;
	[tilespmem:v10+s15+$0x0] =	vst.idx.msk $0xffff, v12  }
0x95: {  	[tilespmem:v11+s15+$0x0] =	vst.idx.msk $0xffff, v9  }
0x96: {  	v9 =	vld [tilespmem:s31+$0x40]  }
0x97: {  	v10 =	vor.u32 s9, v0  }
0x98: {  	v11 =	vor.u32 s9, v2;
	_ =	sdelay $0x2  }
0x99: {  	v12 =	vshll.u32 v9, $0x10  }
0x9a: {  	v9 =	vand.u32 $0xFFFF0000, v9;
	[tilespmem:v10+s15+$0x0] =	vst.idx.msk $0xffff, v12  }
0x9b: {  	[tilespmem:v11+s15+$0x0] =	vst.idx.msk $0xffff, v9  }
0x9c: {  	v9 =	vld [tilespmem:s31+$0x50]  }
0x9d: {  	v10 =	vor.u32 s9, v3  }
0x9e: {  	v11 =	vor.u32 s9, v4;
	_ =	sdelay $0x2  }
0x9f: {  	v12 =	vshll.u32 v9, $0x10  }
0xa0: {  	v9 =	vand.u32 $0xFFFF0000, v9;
	[tilespmem:v10+s15+$0x0] =	vst.idx.msk $0xffff, v12  }
0xa1: {  	[tilespmem:v11+s15+$0x0] =	vst.idx.msk $0xffff, v9  }
0xa2: {  	v9 =	vld [tilespmem:s31+$0x60]  }
0xa3: {  	v10 =	vor.u32 s9, v5  }
0xa4: {  	v11 =	vor.u32 s9, v6;
	_ =	sdelay $0x2  }
0xa5: {  	v12 =	vshll.u32 v9, $0x10  }
0xa6: {  	v9 =	vand.u32 $0xFFFF0000, v9;
	[tilespmem:v10+s15+$0x0] =	vst.idx.msk $0xffff, v12  }
0xa7: {  	[tilespmem:v11+s15+$0x0] =	vst.idx.msk $0xffff, v9  }
0xa8: {  	v10 =	vld [tilespmem:s31+$0x70]  }
0xa9: {  	v11 =	vor.u32 s9, v7  }
.Ltmp1:
0xaa: {  	v9 =	vor.u32 s9, v8;
	(pc) =	sbr.rel @p0 .LBB2_6-.Ltmp1, $3  }
0xab: {  	_ =	sdelay $0x1  }
0xac: {  	v12 =	vshll.u32 v10, $0x10  }
0xad: {  	v10 =	vand.u32 $0xFFFF0000, v10;
	[tilespmem:v11+s15+$0x0] =	vst.idx.msk $0xffff, v12  }
0xae: {  	_ =	sdelay $0x1  }
0xaf: {  	p0 =	sgt.u32 s29, $0xC;
	s1 =	sshll.u32 s29, $0x9  }
0xb0: {  	s3 =	sshrl.u32 @!p0 s1, $0x2  }
0xb1: {  	[tilespmem:v9+s15+$0x0] =	vst.idx.msk $0xffff, v10;
	s29 =	sadd.s32 $0x1, s29;
	s9 =	simm.s32 @!p0 $0x80;
	s3 =	sadd.s32 @!p0 $0x980, s3  }
0xb2: {  	[tilespmem:s0], [sflag:s30] =	stream.indirect.gather @!p0 [hbm4b:s4+s9], $0x40, s3, s9, $0xb8;
	[tilespmem:$0x1F000] =	vst v63  }
0xb3: {  	p0 =	sne.s32 s29, $0x10  }
.Ltmp2:
0xb4: {  	s31 =	sshrl.u32 s1, $0x2;
	(pc) =	sbr.rel @p0 .LBB2_5-.Ltmp2, $4  }
0xb5: {  	[spmem:s2] =	stream.indirect.scatter.add.f32 [tilespmem:s15], [sflag:$0x4], $0x80, s31, s18, $0xb8;
	[tilespmem:$0x1F000] =	vst v63  }
0xb6: {  	_ =	swait.ge [sflag:s16], $0x4000  }
0xb7: {  	[sflag:s16] =	ssyncset.done $0x0  }
0xb8: {  	s28 =	sadd.s32 $0x2000, s28;
	[sflag:s16] =	ssyncadd.s32 $0xFFFFC000  }
0xb9: {  	s26 =	sadd.s32 $0x1, s26  }
0xba: {  	p0 =	sne.s32 s26, $0x5  }
.Ltmp3:
0xbb: {  	_ = 	snop;
	(pc) =	sbr.rel @p0 .LBB2_4-.Ltmp3, $1  }
0xbc: {  	_ =	sdelay $0x3  }
0xbd: {  	s0 =	stileid.u32  }
0xbe: {  	[bflag:$0x0] =	sbarrier.arrive $0xFFFF;
	s0 =	sshll.u32 s0, $0x6  }
0xbf: {  	s1 =	rddreg [dreg:$0x3];
	s0 =	sor.u32 $0x1C04, s0  }
0xc0: {  	[hbm:s1], [sflag:s0] =	dma.local [spmem:s23], $0x2800  }
0xc1: {  	_ =	swait.ge [sflag:s16], $0x2800  }
0xc2: {  	s24 =	sadd.s32 $0x1, s24;
	s31 =	rddreg [dreg:$0x4]  }
0xc3: {  	p0 =	sne.s32 s24, s31  }
.Ltmp4:
0xc4: {  	_ = 	snop;
	(pc) =	sbr.rel @p0 .LBB2_1-.Ltmp4, $3  }
0xc5: {  	_ =	sdelay $0x1  }
0xc6: {  	[sflag:s16] =	ssyncset.done $0x0  }
0xc7: {  	[sflag:s16] =	ssyncadd.s32 $0xFFFFD800  }
0xc8: {  	_ =	sfence.sel $0x180000  }
0xc9: {  	[bflag:$0x0] =	sbarrier.arrive $0xFFFF  }
0xca: {  	_ =	strace $0x9000004D  }
0xcb: {  	s0 =	stileid.u32;
	[bflag:$0x2] =	sbarrier.arrive $0xFFFF  }
0xcc: {  	p0 =	sne.s32 s0, $0x0;
	s0 =	rddreg [dreg:$0x2]  }
0xcd: {  	s0 =	sadd.s32 @!p0 $0x100000, s0  }
0xce: {  	[sflag:s0] =	ssyncadd.tile.s32 @!p0 $0x1;
	_ =	shalt  }
.Lfunc_end2:
_tile_overlayer_lowered:
.L_overlay_start_2:
0xcf: {  	(tag) =	ssettag $0x2  }
0xd0: {  	s0 =	rddreg [dreg:$0x0];
	s2 =	stileid.u32  }
0xd1: {  	s1 =	rddreg [dreg:$0x1];
	p0 =	sne.s32 s2, $0x0  }
0xd2: {  	s3 =	rddreg [dreg:$0x2];
	[bflag:$0x3] =	sbarrier.arrive $0xFFFF;
	s2 =	simm.s32 @!p0 $0x1C04  }
0xd3: {  	[timem:s3], [sflag:s2] =	dma.local @!p0 [hbm:s0], s1  }
0xd4: {  	s0 =	simm.s32 @!p0 $0x4  }
0xd5: {  	_ =	swait.ge @!p0 [sflag:s0], s1  }
0xd6: {  	s1 =	ssub.s32 @!p0 $0x0, s1;
	[sflag:s0] =	ssyncset.done @!p0 $0x0  }
0xd7: {  	[sflag:s0] =	ssyncadd.s32 @!p0 s1  }
0xd8: {  	[bflag:$0x3] =	sbarrier.arrive $0xFFFF  }
0xd9: {  	_ =	shalt  }

// kernel: kernel.19.cloned.1.call-start
scs
__scs_entry_jumppad:
0x0: {  	(pc) =	sbr.rel $0x88, $3  }
0x1: {  	(tag) =	ssettag $0x0;
	lr =	simm.s32 $0x1  }
0x2: {  	[smem:$0x3F92] =	sst lr;
	_ =	strace $0xD0000000  }
0x3: {  	_ = 	snop  }
0x4: {  	_ = 	snop  }
0x5: {  	_ = 	snop  }
0x6: {  	_ = 	snop  }
0x7: {  	_ = 	snop  }
__scs_overlays_trampoline_lowered:
0x8: {  	[smem:$0x3FA1] =	sst s0  }
0x9: {  	[smem:$0x3FA2] =	sst s1  }
0xa: {  	[smem:$0x3FA3] =	sst s2  }
0xb: {  	[smem:$0x3FA4] =	sst s3  }
0xc: {  	[smem:$0x3FA5] =	sst s4  }
0xd: {  	[smem:$0x3FA6] =	sst s5  }
0xe: {  	[smem:$0x3FA7] =	sst s6  }
0xf: {  	[smem:$0x3FA8] =	sst s7  }
0x10: {  	[smem:$0x3FA9] =	sst s8  }
0x11: {  	[smem:$0x3FAA] =	sst s9;
	s0 =	simm.s32 @!p0 $0x0  }
0x12: {  	s1 =	sld [smem:$0x3F90];
	s0 =	simm.s32 @p0 $0x1  }
0x13: {  	[smem:$0x3FAB] =	sst s0;
	s0 =	simm.s32 @!p1 $0x0  }
0x14: {  	s2 =	sld [smem:$0x3F8F];
	s0 =	simm.s32 @p1 $0x1  }
0x15: {  	[smem:$0x3FAC] =	sst s0;
	s0 =	simm.s32 @!p2 $0x0  }
0x16: {  	s3 =	sld [smem:$0x3FDB];
	s0 =	simm.s32 @p2 $0x1  }
0x17: {  	s4 =	simm.s32 $0x1BF5;
	[smem:$0x3FAE] =	sst s0  }
0x18: {  	s0 =	sld [smem:$0x3F91];
	_ =	swait.ge [sflag:s4], $0x0  }
0x19: {  	s7 =	sld [smem:$0x3F92]  }
0x1a: {  	s8 =	sadd.s32 $0xFFFFE003, lr  }
0x1b: {  	s9 =	sadd.s32 $0xFFFFFEF7, lr;
	s5 =	simm.s32 $0xFFFFFFFF;
	p2 =	slt.u32 s8, $0xFFFFF086  }
0x1c: {  	p1 =	slt.u32 s9, $0xF7A;
	s5 =	simm.s32 @!p2 $0x0  }
0x1d: {  	s5 =	simm.s32 @p1 $0x1;
	p0 =	seq.s32 s7, s2  }
0x1e: {  	s7 =	smul.u32 @!p0 $0xF7A, s2;
	p2 =	seq.s32 @!p0 s5, $0x0  }
0x1f: {  	s9 =	smul.u32 $0xF7A, s1;
	s8 =	simm.s32 @!p0 $0x1BF5;
	p2 =	por !p2, p0  }
0x20: {  	[sflag:s8] =	ssyncset.s32 @!p0 $0xFFFFF086;
	s6 =	sadd.s32 @!p0 s3, s7;
	s7 =	simm.s32 @!p0 $0x108  }
0x21: {  	s3 =	sadd.s32 s3, s9;
	s6 =	sadd.s32 @!p0 $0x88, s6;
	s7 =	simm.s32 @p2 $0x1082  }
0x22: {  	[simem:s7], [sflag:s8] =	dma.local @!p0 [hbm:s6], $0xF7A  }
0x23: {  	s9 =	sor.u32 $0xD0000000, s2;
	s6 =	simm.s32 $0x108;
	_ =	swait.ge @!p0 [sflag:s8], $0x0  }
0x24: {  	s3 =	sadd.s32 $0x88, s3;
	s6 =	simm.s32 @!p1 $0x1082;
	[sflag:s4] =	ssyncset.s32 $0xFFFFF086  }
0x25: {  	[simem:s6], [sflag:s4] =	dma.local [hbm:s3], $0xF7A  }
0x26: {  	[smem:$0x3F92] =	sst s1;
	(tag) =	ssettag s2;
	_ =	strace s9  }
0x27: {  	s1 =	sld [smem:$0x3FA2]  }
0x28: {  	s2 =	sld [smem:$0x3FA3]  }
0x29: {  	s4 =	sld [smem:$0x3FA5]  }
0x2a: {  	p0 =	seq.s32 s5, $0x0;
	s5 =	sld [smem:$0x3FA6]  }
0x2b: {  	s6 =	sld [smem:$0x3FA7]  }
0x2c: {  	s7 =	sld [smem:$0x3FA8]  }
0x2d: {  	s3 =	simm.s32 $0x108;
	s8 =	sld [smem:$0x3FA9]  }
0x2e: {  	s3 =	simm.s32 @!p0 $0x1082;
	s9 =	sld [smem:$0x3FAA]  }
0x2f: {  	lr =	sadd.s32 s0, s3;
	s0 =	sld [smem:$0x3FA1]  }
0x30: {  	s3 =	sld [smem:$0x3FA4]  }
0x31: {  	[smem:$0x3FAD] =	sst s10  }
0x32: {  	s10 =	sld [smem:$0x3FAB];
	_ =	sdelay $0x3  }
0x33: {  	p0 =	seq.s32 s10, $0x1;
	s10 =	sld [smem:$0x3FAD];
	_ =	sdelay $0x3  }
0x34: {  	[smem:$0x3FAD] =	sst s10  }
0x35: {  	s10 =	sld [smem:$0x3FAC];
	_ =	sdelay $0x3  }
0x36: {  	p1 =	seq.s32 s10, $0x1;
	s10 =	sld [smem:$0x3FAD];
	_ =	sdelay $0x3  }
0x37: {  	[smem:$0x3FAD] =	sst s10  }
0x38: {  	s10 =	sld [smem:$0x3FAE]  }
0x39: {  	_ = 	snop;
	(pc) =	sbr.ind lr, $3  }
0x3a: {  	_ = 	snop  }
0x3b: {  	_ = 	snop  }
0x3c: {  	p2 =	seq.s32 s10, $0x1;
	s10 =	sld [smem:$0x3FAD]  }
0x3d: {  	_ =	shalt  }
0x3e: {  	_ =	shalt  }
0x3f: {  	_ =	shalt  }
0x40: {  	_ =	shalt  }
0x41: {  	_ =	shalt  }
0x42: {  	_ =	shalt  }
0x43: {  	_ =	shalt  }
0x44: {  	_ =	shalt  }
0x45: {  	_ =	shalt  }
0x46: {  	_ =	shalt  }
0x47: {  	_ =	shalt  }
0x48: {  	_ =	shalt  }
0x49: {  	_ =	shalt  }
0x4a: {  	_ =	shalt  }
0x4b: {  	_ =	shalt  }
0x4c: {  	_ =	shalt  }
0x4d: {  	_ =	shalt  }
0x4e: {  	_ =	shalt  }
0x4f: {  	_ =	shalt  }
0x50: {  	_ =	shalt  }
0x51: {  	_ =	shalt  }
0x52: {  	_ =	shalt  }
0x53: {  	_ =	shalt  }
0x54: {  	_ =	shalt  }
0x55: {  	_ =	shalt  }
0x56: {  	_ =	shalt  }
0x57: {  	_ =	shalt  }
0x58: {  	_ =	shalt  }
0x59: {  	_ =	shalt  }
0x5a: {  	_ =	shalt  }
0x5b: {  	_ =	shalt  }
0x5c: {  	_ =	shalt  }
0x5d: {  	_ =	shalt  }
0x5e: {  	_ =	shalt  }
0x5f: {  	_ =	shalt  }
0x60: {  	_ =	shalt  }
0x61: {  	_ =	shalt  }
0x62: {  	_ =	shalt  }
0x63: {  	_ =	shalt  }
0x64: {  	_ =	shalt  }
0x65: {  	_ =	shalt  }
0x66: {  	_ =	shalt  }
0x67: {  	_ =	shalt  }
0x68: {  	_ =	shalt  }
0x69: {  	_ =	shalt  }
0x6a: {  	_ =	shalt  }
0x6b: {  	_ =	shalt  }
0x6c: {  	_ =	shalt  }
0x6d: {  	_ =	shalt  }
0x6e: {  	_ =	shalt  }
0x6f: {  	_ =	shalt  }
0x70: {  	_ =	shalt  }
0x71: {  	_ =	shalt  }
0x72: {  	_ =	shalt  }
0x73: {  	_ =	shalt  }
0x74: {  	_ =	shalt  }
0x75: {  	_ =	shalt  }
0x76: {  	_ =	shalt  }
0x77: {  	_ =	shalt  }
0x78: {  	_ =	shalt  }
0x79: {  	_ =	shalt  }
0x7a: {  	_ =	shalt  }
0x7b: {  	_ =	shalt  }
0x7c: {  	_ =	shalt  }
0x7d: {  	_ =	shalt  }
0x7e: {  	_ =	shalt  }
0x7f: {  	_ =	shalt  }
0x80: {  	_ =	shalt  }
0x81: {  	_ =	shalt  }
0x82: {  	_ =	shalt  }
0x83: {  	_ =	shalt  }
0x84: {  	_ =	shalt  }
0x85: {  	_ =	shalt  }
0x86: {  	_ =	shalt  }
0x87: {  	_ =	shalt  }
.Lfunc_end0:
.L_simem_size_0:
called_computation.3_lowered:
.L_overlay_start_0:
0x88: {  	s2 =	sld [smem:$0x3FD9]  }
0x89: {  	s3 =	sld [smem:$0x3FFE];
	_ =	sdelay $0x1  }
0x8a: {  	s1 =	srdreg.scid  }
0x8b: {  	s0 =	sand.u32 $0x1, s1  }
0x8c: {  	s14 =	sshll.u32 s0, $0xA;
	s2 =	sadd.s32 s3, s2  }
0x8d: {  	s2 =	sadd.s32 s2, s14  }
0x8e: {  	[smem:$0x3FB9] =	sst s2  }
0x8f: {  	_ = 	snop  }
0x90: {  	s2 =	sld [smem:$0x3FD0];
	_ =	sdelay $0x2  }
0x91: {  	s15 =	simm.s32 $0xA;
	s4 =	simm.s32 $0x10  }
0x92: {  	[smem:s4], [sflag:s15] =	dma.local [hbm:s2], $0x1  }
0x93: {  	_ =	swait.eq [sflag:s15], $0x1  }
0x94: {  	[sflag:s15] =	ssyncset.done $0x0  }
0x95: {  	[sflag:s15] =	ssyncadd.s32 $0xFFFFFFFF  }
0x96: {  	s16 =	sld [smem:$0x11];
	(tm) =	ssettm $0x1  }
0x97: {  	s17 =	sld [smem:$0x3FFB];
	_ =	sdelay $0x3  }
0x98: {  	_ =	strace s17  }
0x99: {  	s3 =	sld [smem:$0x3FFC];
	_ =	sdelay $0x3  }
0x9a: {  	_ =	strace s3  }
0x9b: {  	s3 =	sld [smem:$0x3FFD];
	_ =	sdelay $0x3  }
0x9c: {  	_ =	strace s3  }
0x9d: {  	_ =	strace $0x8FFFFFFF  }
0x9e: {  	s18 =	sld [smem:$0x3FDB];
	_ =	sdelay $0x1  }
0x9f: {  	s19 =	simm.s32 $_scs_section_size  }
0xa0: {  	s5 =	simm.s32 $_size__tile_overlayer_lowered;
	s6 =	simm.s32 $_tile_overlayer_lowered  }
0xa1: {  	s22 =	simm.s32 $0x1BFF;
	s21 =	sshll.u32 s6, $0x1;
	s3 =	sadd.s32 s19, s18  }
0xa2: {  	s7 =	simm.s32 $0x0;
	s20 =	sshll.u32 s5, $0x1;
	s5 =	sadd.s32 s21, s3  }
0xa3: {  	[timem:s7], [sflag:s22] =	dma.local [hbm:s5], s20  }
0xa4: {  	_ =	swait.ge [sflag:s22], s20  }
0xa5: {  	s4 =	ssub.s32 $0x0, s20;
	[sflag:s22] =	ssyncset.done $0x0  }
0xa6: {  	[sflag:s22] =	ssyncadd.s32 s4;
	_ =	sdelay $0x1  }
0xa7: {  	s23 =	simm.s32 $0x1B8B  }
0xa8: {  	_ =	swait.ge [sflag:s23], $0x1  }
0xa9: {  	[sflag:s23] =	ssyncset.done $0x0  }
0xaa: {  	s25 =	simm.s32 $0x1B8E;
	s24 =	sld [smem:$0x3FFE];
	[sflag:s23] =	ssyncadd.s32 $0xFFFFFFFF  }
0xab: {  	s26 =	simm.s32 $execute0_lowered;
	[smem:$0x3FD2] =	sst s25  }
0xac: {  	s5 =	sshll.u32 s26, $0x1;
	_ =	strace $0x8000004F;
	[dreg:$0x1] =	wrdreg $0xFFFFFFFF  }
0xad: {  	s28 =	simm.s32 $_size_execute0_lowered;
	s3 =	sadd.s32 s3, s5;
	[dreg:$0x0] =	wrdreg $0x0  }
0xae: {  	s5 =	sshll.u32 s28, $0x1;
	[dreg:$0x2] =	wrdreg s3  }
0xaf: {  	[dreg:$0x3] =	wrdreg s5  }
0xb0: {  	[dreg:$0x4] =	wrdreg $0xC0  }
0xb1: {  	_ =	task [dreg:s7], $0x5FFFF  }
0xb2: {  	[dreg:$0x1] =	wrdreg $0xFFFFFFFF  }
0xb3: {  	[dreg:$0x0] =	wrdreg $0x60  }
0xb4: {  	[dreg:$0x2] =	wrdreg s24  }
0xb5: {  	[dreg:$0x3] =	wrdreg s16  }
0xb6: {  	[dreg:$0x4] =	wrdreg $0x9  }
0xb7: {  	_ =	task.clear_ibuf [dreg:s7], $0x5FFFF;
	_ =	strace $0x9000004F  }
0xb8: {  	s29 =	simm.s32 $0x9;
	_ =	strace $0x80000051  }
0xb9: {  	_ =	swait.ge [sflag:s29], $0x1  }
0xba: {  	[sflag:s29] =	ssyncadd.s32 $0xFFFFFFFF  }
0xbb: {  	_ =	strace $0x90000051  }
0xbc: {  	_ =	sfence  }
0xbd: {  	s30 =	sld [smem:$0x0];
	_ =	sdelay $0x2  }
0xbe: {  	s31 =	sshll.u32 s1, $0xD;
	s1 =	sshrl.u32 s1, $0x2  }
0xbf: {  	s3 =	sand.u32 $0x4000, s31;
	s1 =	sadd.s32 s1, s30  }
0xc0: {  	s0 =	sor.u32 s3, s0;
	s1 =	sshll.u32 s1, $0x11  }
0xc1: {  	s0 =	sor.u32 s1, s0  }
0xc2: {  	s0 =	sadd.s32 $0x8F2B, s0  }
0xc3: {  	[sflag:s0] =	ssyncadd.remote.s32 $0x1  }
0xc4: {  	_ =	sfence.sel $0xFFFF  }
0xc5: {  	[dreg:$0x0] =	wrdreg $0xFFFFFFFF;
	(pc) =	sbr.abs _section_cstart, $3  }
0xc6: {  	[dreg:$0x1] =	wrdreg $0xFFFFFFFF  }
0xc7: {  	_ =	task.clear_ibuf [dreg:s7], $0x2FFFF;
	_ =	strace $0x9FFFFFFF  }
0xc8: {  	(tm) =	ssettm $0x7FFFFFFF  }
0xc9: {  	_ =	shalt  }
tec
execute0_lowered:
.L_overlay_start_1:
0x0: {  	(tag) =	ssettag $0x1  }
0x1: {  	s0 =	srdreg.scid;
	s6 =	rddreg [dreg:$0x0]  }
0x2: {  	s2 =	rddreg [dreg:$0x1];
	s3 =	simm.s32 $0x0;
	s11 =	simm.s32 $0x1  }
0x3: {  	s12 =	simm.s32 $0x2800;
	s13 =	simm.s32 $0x80;
	s14 =	simm.s32 $0x100  }
0x4: {  	s15 =	simm.s32 $0x5000;
	s16 =	simm.s32 $0x7800;
	s17 =	simm.s32 $0xA000  }
0x5: {  	s18 =	simm.s32 $0xF000;
	s19 =	simm.s32 $0xC800;
	s5 =	sand.u32 $0x1, s0  }
0x6: {  	s20 =	simm.s32 $0x400;
	s0 =	stileid.u32;
	s1 =	sshll.u32 s5, $0x4  }
0x7: {  	s21 =	simm.s32 $0x0;
	[smem:$0x7FF] =	sst s3;
	s4 =	sor.u32 s0, s1  }
0x8: {  	s8 =	sshll.u32 s0, $0x7;
	s5 =	ssub.s32 $0x2, s5;
	s7 =	sshrl.u32 s4, $0x3  }
0x9: {  	s1 =	rddreg [dreg:$0x2];
	s8 =	sand.u32 $0x380, s8;
	s7 =	smul.u32 $0xC00, s7  }
0xa: {  	_ =	strace $0x80000050;
	s31 =	sshrl.u32 s5, $0x1;
	s9 =	smul.u32 $0x500, s4  }
0xb: {  	s4 =	sadd.s32 $0xCE00, s6;
	s10 =	ssub.s32 s5, s31;
	s7 =	sor.u32 s8, s7  }
0xc: {  	s10 =	smax.u32 s10, $0x1;
	s29 =	sadd.s32 s9, s6;
	s7 =	sshrl.u32 s7, $0x3  }
0xd: {  	s5 =	sadd.s32 $0x2E00, s29;
	s8 =	sadd.s32 $0x20E00, s29;
	s30 =	sadd.s32 s7, s6  }
0xe: {  	v0 =	vimm.f32 $0.0e+00;
	v1 =	vimm.f32 $1.000000000e+00;
	s6 =	sadd.s32 $0x16E00, s29;
	s7 =	sadd.s32 $0x10, s2;
	s9 =	sadd.s32 $0xD400, s30  }
.LBB2_1:
0xf: {  	[tilespmem:s3], [sflag:$0x1] =	stream.linear.gather [hbm4b:s5+s3], $0x2800, $0x38;
	[tilespmem:$0xF180] =	vst v63  }
0x10: {  	_ =	swait.ge [sflag:s11], $0x2800  }
0x11: {  	[sflag:s11] =	ssyncset.done $0x0  }
0x12: {  	[sflag:s11] =	ssyncadd.s32 $0xFFFFD800  }
0x13: {  	[tilespmem:s12], [sflag:$0x1] =	stream.linear.gather [hbm4b:s6+s3], $0x2800, $0x38;
	[tilespmem:$0xF180] =	vst v63  }
0x14: {  	_ =	swait.ge [sflag:s11], $0x2800  }
0x15: {  	[sflag:s11] =	ssyncset.done $0x0  }
0x16: {  	[sflag:s11] =	ssyncadd.s32 $0xFFFFD800  }
0x17: {  	[tilespmem:s15], [sflag:$0x1] =	stream.strided.gather [hbm4b:s2+s13], $0x2800, s14, s13, $0x38;
	[tilespmem:$0xF180] =	vst v63  }
0x18: {  	_ =	swait.ge [sflag:s11], $0x2800  }
0x19: {  	[sflag:s11] =	ssyncset.done $0x0  }
0x1a: {  	[sflag:s11] =	ssyncadd.s32 $0xFFFFD800  }
0x1b: {  	[tilespmem:s16], [sflag:$0x1] =	stream.strided.gather [hbm4b:s7+s13], $0x2800, s14, s13, $0x38;
	[tilespmem:$0xF180] =	vst v63  }
0x1c: {  	_ =	swait.ge [sflag:s11], $0x2800  }
0x1d: {  	[sflag:s11] =	ssyncset.done $0x0  }
0x1e: {  	[sflag:s11] =	ssyncadd.s32 $0xFFFFD800  }
0x1f: {  	[tilespmem:s17], [sflag:$0x1] =	stream.linear.gather [hbm4b:s4+s3], $0x2800, $0x38;
	[tilespmem:$0xF180] =	vst v63  }
0x20: {  	_ =	swait.ge [sflag:s11], $0x2800  }
0x21: {  	[sflag:s11] =	ssyncset.done $0x0  }
0x22: {  	[sflag:s11] =	ssyncadd.s32 $0xFFFFD800  }
0x23: {  	[tilespmem:$0xF000] =	vst v0  }
0x24: {  	[tilespmem:$0xF010] =	vst v0  }
0x25: {  	[tilespmem:$0xF020] =	vst v0  }
0x26: {  	[tilespmem:$0xF030] =	vst v0  }
0x27: {  	[tilespmem:$0xF040] =	vst v0  }
0x28: {  	[tilespmem:$0xF050] =	vst v0  }
0x29: {  	[tilespmem:$0xF060] =	vst v0  }
0x2a: {  	[tilespmem:$0xF070] =	vst v0  }
0x2b: {  	[tilespmem:$0xF080] =	vst v0  }
0x2c: {  	[tilespmem:$0xF090] =	vst v0  }
0x2d: {  	[tilespmem:$0xF0A0] =	vst v0  }
0x2e: {  	[tilespmem:$0xF0B0] =	vst v0  }
0x2f: {  	[tilespmem:$0xF0C0] =	vst v0  }
0x30: {  	[tilespmem:$0xF0D0] =	vst v0  }
0x31: {  	[tilespmem:$0xF0E0] =	vst v0  }
0x32: {  	[tilespmem:$0xF0F0] =	vst v0  }
0x33: {  	[tilespmem:$0xF100] =	vst v0  }
0x34: {  	[tilespmem:$0xF110] =	vst v0  }
0x35: {  	s22 =	simm.s32 $0xFFFFFFFC;
	[tilespmem:$0xF120] =	vst v0  }
0x36: {  	s23 =	simm.s32 $0xC820;
	s24 =	simm.s32 $0x2820;
	s25 =	simm.s32 $0x20;
	[tilespmem:$0xF130] =	vst v0  }
.LBB2_2:
0x37: {  	v2 =	vld [tilespmem:s25+$0xFFFFFFE0]  }
0x38: {  	v3 =	vld [tilespmem:s24+$0xFFFFFFE0];
	_ =	sdelay $0x6  }
0x39: {  	v4 =	vld.idx.msk [tilespmem:v2+s15+$0x0], $0xffff  }
0x3a: {  	v3 =	vld.idx.msk [tilespmem:v3+s16+$0x0], $0xffff;
	_ =	sdelay $0x4  }
0x3b: {  	v3 =	vadd.f32 v3, v4;
	_ =	sdelay $0x1  }
0x3c: {  	v3 =	vsub.f32 $0.0e+00, v3;
	_ =	sdelay $0x1  }
0x3d: {  	v3 =	vmul.f32 $1.442695020e+00, v3;
	_ =	sdelay $0x1  }
0x3e: {  	(erf) = vpow2.f32 v3;
	_ =	sdelay $0x8  }
0x3f: {  	v3 =	vpop (erf)  }
0x40: {  	v3 =	vadd.f32 $1.000000000e+00, v3;
	_ =	sdelay $0x1  }
0x41: {  	(erf) = vrcp.f32 v3;
	_ =	sdelay $0x8  }
0x42: {  	v3 =	vpop (erf)  }
0x43: {  	[tilespmem:s23+$0xFFFFFFE0] =	vst v3  }
0x44: {  	v2 =	vld.idx.msk [tilespmem:v2+s17+$0x0], $0xffff;
	_ =	sdelay $0x4  }
0x45: {  	v51 =	vadd.s32 $0x50, v2  }
0x46: {  	v5 =	vadd.s32 $0xA0, v2  }
0x47: {  	v6 =	vadd.s32 $0xF0, v2  }
0x48: {  	v7 =	vsub.f32 $1.000000000e+00, v3  }
0x49: {  	vm0 =	vgt.f32 v3, $0.0e+00;
	[tilespmem:v2+s18+$0x0] =	vst.idx.add.f32.msk $0xffff, v3  }
0x4a: {  	v2 =	vsel vm0, $0x3F800000, v0;
	[tilespmem:v51+s18+$0x0] =	vst.idx.add.f32.msk $0xffff, v7  }
0x4b: {  	[tilespmem:v5+s18+$0x0] =	vst.idx.add.f32.msk $0xffff, v2  }
0x4c: {  	[tilespmem:v6+s18+$0x0] =	vst.idx.add.f32.msk $0xffff, v1  }
0x4d: {  	v2 =	vld [tilespmem:s25+$0xFFFFFFF0]  }
0x4e: {  	v3 =	vld [tilespmem:s24+$0xFFFFFFF0];
	_ =	sdelay $0x6  }
0x4f: {  	v4 =	vld.idx.msk [tilespmem:v2+s15+$0x0], $0xffff  }
0x50: {  	v3 =	vld.idx.msk [tilespmem:v3+s16+$0x0], $0xffff;
	_ =	sdelay $0x4  }
0x51: {  	v3 =	vadd.f32 v3, v4;
	_ =	sdelay $0x1  }
0x52: {  	v3 =	vsub.f32 $0.0e+00, v3;
	_ =	sdelay $0x1  }
0x53: {  	v3 =	vmul.f32 $1.442695020e+00, v3;
	_ =	sdelay $0x1  }
0x54: {  	(erf) = vpow2.f32 v3;
	_ =	sdelay $0x8  }
0x55: {  	v3 =	vpop (erf)  }
0x56: {  	v3 =	vadd.f32 $1.000000000e+00, v3;
	_ =	sdelay $0x1  }
0x57: {  	(erf) = vrcp.f32 v3;
	_ =	sdelay $0x8  }
0x58: {  	v3 =	vpop (erf)  }
0x59: {  	[tilespmem:s23+$0xFFFFFFF0] =	vst v3  }
0x5a: {  	v2 =	vld.idx.msk [tilespmem:v2+s17+$0x0], $0xffff;
	_ =	sdelay $0x4  }
0x5b: {  	v52 =	vadd.s32 $0x50, v2  }
0x5c: {  	v53 =	vadd.s32 $0xA0, v2  }
0x5d: {  	v54 =	vadd.s32 $0xF0, v2  }
0x5e: {  	v55 =	vsub.f32 $1.000000000e+00, v3  }
0x5f: {  	vm13 =	vgt.f32 v3, $0.0e+00;
	[tilespmem:v2+s18+$0x0] =	vst.idx.add.f32.msk $0xffff, v3  }
0x60: {  	v2 =	vsel vm13, $0x3F800000, v0;
	[tilespmem:v52+s18+$0x0] =	vst.idx.add.f32.msk $0xffff, v55  }
0x61: {  	[tilespmem:v53+s18+$0x0] =	vst.idx.add.f32.msk $0xffff, v2  }
0x62: {  	[tilespmem:v54+s18+$0x0] =	vst.idx.add.f32.msk $0xffff, v1  }
0x63: {  	v2 =	vld [tilespmem:s25+$0x0]  }
0x64: {  	v3 =	vld [tilespmem:s24+$0x0];
	_ =	sdelay $0x6  }
0x65: {  	v4 =	vld.idx.msk [tilespmem:v2+s15+$0x0], $0xffff  }
0x66: {  	v3 =	vld.idx.msk [tilespmem:v3+s16+$0x0], $0xffff;
	_ =	sdelay $0x4  }
0x67: {  	v3 =	vadd.f32 v3, v4;
	_ =	sdelay $0x1  }
0x68: {  	v3 =	vsub.f32 $0.0e+00, v3;
	_ =	sdelay $0x1  }
0x69: {  	v3 =	vmul.f32 $1.442695020e+00, v3;
	_ =	sdelay $0x1  }
0x6a: {  	(erf) = vpow2.f32 v3;
	_ =	sdelay $0x8  }
0x6b: {  	v3 =	vpop (erf)  }
0x6c: {  	v3 =	vadd.f32 $1.000000000e+00, v3;
	_ =	sdelay $0x1  }
0x6d: {  	(erf) = vrcp.f32 v3;
	_ =	sdelay $0x8  }
0x6e: {  	v3 =	vpop (erf)  }
0x6f: {  	[tilespmem:s23+$0x0] =	vst v3  }
0x70: {  	v2 =	vld.idx.msk [tilespmem:v2+s17+$0x0], $0xffff;
	_ =	sdelay $0x4  }
0x71: {  	v56 =	vadd.s32 $0x50, v2  }
0x72: {  	v57 =	vadd.s32 $0xA0, v2  }
0x73: {  	v58 =	vadd.s32 $0xF0, v2  }
0x74: {  	v59 =	vsub.f32 $1.000000000e+00, v3  }
0x75: {  	vm14 =	vgt.f32 v3, $0.0e+00;
	[tilespmem:v2+s18+$0x0] =	vst.idx.add.f32.msk $0xffff, v3  }
0x76: {  	v2 =	vsel vm14, $0x3F800000, v0;
	[tilespmem:v56+s18+$0x0] =	vst.idx.add.f32.msk $0xffff, v59  }
0x77: {  	[tilespmem:v57+s18+$0x0] =	vst.idx.add.f32.msk $0xffff, v2  }
0x78: {  	[tilespmem:v58+s18+$0x0] =	vst.idx.add.f32.msk $0xffff, v1  }
0x79: {  	v2 =	vld [tilespmem:s25+$0x10]  }
0x7a: {  	v3 =	vld [tilespmem:s24+$0x10];
	_ =	sdelay $0x6  }
0x7b: {  	v4 =	vld.idx.msk [tilespmem:v2+s15+$0x0], $0xffff  }
0x7c: {  	v3 =	vld.idx.msk [tilespmem:v3+s16+$0x0], $0xffff;
	_ =	sdelay $0x4  }
0x7d: {  	v3 =	vadd.f32 v3, v4;
	_ =	sdelay $0x1  }
0x7e: {  	v3 =	vsub.f32 $0.0e+00, v3;
	_ =	sdelay $0x1  }
0x7f: {  	v3 =	vmul.f32 $1.442695020e+00, v3;
	_ =	sdelay $0x1  }
0x80: {  	(erf) = vpow2.f32 v3;
	_ =	sdelay $0x8  }
0x81: {  	v3 =	vpop (erf)  }
0x82: {  	v3 =	vadd.f32 $1.000000000e+00, v3;
	_ =	sdelay $0x1  }
0x83: {  	(erf) = vrcp.f32 v3;
	_ =	sdelay $0x8  }
0x84: {  	v3 =	vpop (erf)  }
0x85: {  	[tilespmem:s23+$0x10] =	vst v3  }
0x86: {  	v2 =	vld.idx.msk [tilespmem:v2+s17+$0x0], $0xffff;
	_ =	sdelay $0x4  }
0x87: {  	v60 =	vadd.s32 $0x50, v2  }
0x88: {  	s22 =	sadd.s32 $0x4, s22;
	v61 =	vadd.s32 $0xA0, v2  }
0x89: {  	p0 =	slt.u32 s22, $0x27C;
	v62 =	vadd.s32 $0xF0, v2  }
.Ltmp0:
0x8a: {  	v63 =	vsub.f32 $1.000000000e+00, v3;
	(pc) =	sbr.rel @p0 .LBB2_2-.Ltmp0, $4  }
0x8b: {  	vm15 =	vgt.f32 v3, $0.0e+00;
	[tilespmem:v2+s18+$0x0] =	vst.idx.add.f32.msk $0xffff, v3  }
0x8c: {  	v2 =	vsel vm15, $0x3F800000, v0;
	[tilespmem:v60+s18+$0x0] =	vst.idx.add.f32.msk $0xffff, v63  }
0x8d: {  	[tilespmem:v61+s18+$0x0] =	vst.idx.add.f32.msk $0xffff, v2  }
0x8e: {  	s24 =	sadd.s32 $0x40, s24;
	s25 =	sadd.s32 $0x40, s25;
	s23 =	sadd.s32 $0x40, s23;
	[tilespmem:v62+s18+$0x0] =	vst.idx.add.f32.msk $0xffff, v1  }
0x8f: {  	[hbm4b:s8+s3] =	stream.linear.scatter [tilespmem:s19], [sflag:$0x1], $0x2800, $0x38;
	[tilespmem:$0xF180] =	vst v63  }
0x90: {  	s21 =	sadd.s32 $0x1, s21;
	_ =	swait.ge [sflag:s11], $0x2800  }
0x91: {  	p0 =	sne.s32 s21, s10;
	[sflag:s11] =	ssyncset.done $0x0  }
.Ltmp1:
0x92: {  	[sflag:s11] =	ssyncadd.s32 $0xFFFFD800;
	(pc) =	sbr.rel @p0 .LBB2_1-.Ltmp1, $4  }
0x93: {  	[hbm4b:s9+s13] =	stream.strided.scatter [tilespmem:s18], [sflag:$0x1], $0x180, s20, s13, $0x38;
	[tilespmem:$0xF180] =	vst v63  }
0x94: {  	_ =	swait.ge [sflag:s11], $0x180  }
0x95: {  	[sflag:s11] =	ssyncset.done $0x0  }
0x96: {  	[sflag:s11] =	ssyncadd.s32 $0xFFFFFE80  }
0x97: {  	_ =	sfence.sel $0x180000  }
0x98: {  	[bflag:$0x0] =	sbarrier.arrive $0xFFFF  }
0x99: {  	p0 =	sne.s32 s0, $0x0;
	_ =	strace $0x90000050  }
0x9a: {  	s0 =	sadd.s32 @!p0 $0x100000, s1;
	[bflag:$0x2] =	sbarrier.arrive $0xFFFF  }
0x9b: {  	[sflag:s0] =	ssyncadd.tile.s32 @!p0 $0x1;
	_ =	shalt  }
.Lfunc_end2:
_tile_overlayer_lowered:
.L_overlay_start_2:
0x9c: {  	(tag) =	ssettag $0x2  }
0x9d: {  	s0 =	rddreg [dreg:$0x0];
	s2 =	stileid.u32  }
0x9e: {  	s1 =	rddreg [dreg:$0x1];
	p0 =	sne.s32 s2, $0x0  }
0x9f: {  	s3 =	rddreg [dreg:$0x2];
	[bflag:$0x3] =	sbarrier.arrive $0xFFFF;
	s2 =	simm.s32 @!p0 $0x1C01  }
0xa0: {  	[timem:s3], [sflag:s2] =	dma.local @!p0 [hbm:s0], s1  }
0xa1: {  	s0 =	simm.s32 @!p0 $0x1  }
0xa2: {  	_ =	swait.ge @!p0 [sflag:s0], s1  }
0xa3: {  	s1 =	ssub.s32 @!p0 $0x0, s1;
	[sflag:s0] =	ssyncset.done @!p0 $0x0  }
0xa4: {  	[sflag:s0] =	ssyncadd.s32 @!p0 s1  }
0xa5: {  	[bflag:$0x3] =	sbarrier.arrive $0xFFFF  }
0xa6: {  	_ =	shalt  }

</sc_bundles>
